<compile_context>
chip_gen: v7x
topology: tpu7x:2x2x1
jax: 0.10.2.dev20260603
libtpu: 0.0.44.dev20260713+nightly
codegen_flags: <defaults>
</compile_context>

<pallas_src>
import functools

import jax
import jax.numpy as jnp
from jax import lax
from jax.experimental import pallas as pl
from jax.experimental.pallas import tpu as pltpu
from jax.experimental.pallas import tpu_sc as plsc

N = 10000
D = 128
E = 320000

NC = 2
NS = 16

C = 128
NCH0 = 128
NCH1 = 32
E_PAD = NS * (NCH0 + NCH1) * C
NP = 10112
RPW = NP // NS

R = 400

NBUF = 2
IB = 4


def _sc_agg_body(x_hbm, src_hbm, dst_hbm, zeros_hbm, out0_hbm, out1_hbm,
                 agg_sh, rows,
                 sv0, sv1, sv2, sv3, dv0, dv1, dv2, dv3,
                 gsem0, gsem1, ssem0, ssem1, isem0, isem1, isem2, isem3):
    c = lax.axis_index("c")
    s = lax.axis_index("s")
    src_v = [sv0, sv1, sv2, sv3]
    dst_v = [dv0, dv1, dv2, dv3]
    gsem = [gsem0, gsem1]
    ssem = [ssem0, ssem1]
    isem = [isem0, isem1, isem2, isem3]

    base_chunk = jnp.where(c == 0, s * NCH0, NS * NCH0 + s * NCH1)
    nch = jnp.where(c == 0, NCH0, NCH1)

    pltpu.sync_copy(zeros_hbm.at[pl.ds(s * RPW, RPW)],
                    agg_sh.at[pl.ds(s * RPW, RPW)])
    plsc.subcore_barrier()

    def idx_start(j, ib):
        base = (base_chunk + j) * C
        pltpu.async_copy(src_hbm.at[pl.ds(base, C)], src_v[ib], isem[ib])
        pltpu.async_copy(dst_hbm.at[pl.ds(base, C)], dst_v[ib], isem[ib])

    def idx_drain(ib):
        pltpu.make_async_copy(src_hbm.at[pl.ds(0, C)], src_v[ib],
                              isem[ib]).wait()
        pltpu.make_async_copy(src_hbm.at[pl.ds(0, C)], dst_v[ib],
                              isem[ib]).wait()

    def gather_start(ib, b):
        pltpu.async_copy(x_hbm.at[src_v[ib]], rows.at[b], gsem[b])

    def row_drain(sem, b):
        pltpu.make_async_copy(x_hbm.at[pl.ds(0, C)], rows.at[b], sem).wait()

    pltpu.sync_copy(src_hbm.at[pl.ds(base_chunk * C, C)], src_v[0])
    pltpu.sync_copy(dst_hbm.at[pl.ds(base_chunk * C, C)], dst_v[0])
    idx_start(1, 1)
    gather_start(0, 0)

    def step(i0, carry):
        for bb in range(IB):
            i = i0 * IB + bb
            b = bb % NBUF
            bn = (bb + 1) % NBUF
            ibn = (bb + 1) % IB
            ibp = (bb + 2) % IB

            @pl.when((i >= 1) & (i + 1 < nch))
            def _():
                row_drain(ssem[bn], bn)

            @pl.when(i + 1 < nch)
            def _():
                idx_drain(ibn)
                gather_start(ibn, bn)

            @pl.when(i + 2 < nch)
            def _():
                idx_start(i + 2, ibp)

            row_drain(gsem[b], b)
            pltpu.async_copy(rows.at[b], agg_sh.at[dst_v[bb]],
                             ssem[b], add=True)
        return carry

    lax.fori_loop(0, nch // IB, step, 0)

    for b in range(NBUF):
        row_drain(ssem[b], b)

    plsc.subcore_barrier()

    @pl.when(c == 0)
    def _():
        pltpu.sync_copy(agg_sh.at[pl.ds(s * RPW, RPW)],
                        out0_hbm.at[pl.ds(s * RPW, RPW)])

    @pl.when(c == 1)
    def _():
        pltpu.sync_copy(agg_sh.at[pl.ds(s * RPW, RPW)],
                        out1_hbm.at[pl.ds(s * RPW, RPW)])


_sc_aggregate = pl.kernel(
    _sc_agg_body,
    out_type=(jax.ShapeDtypeStruct((NP, D), jnp.float32),
              jax.ShapeDtypeStruct((NP, D), jnp.float32)),
    mesh=plsc.VectorSubcoreMesh(core_axis_name="c", subcore_axis_name="s"),
    scratch_types=[
        pltpu.VMEM_SHARED((NP, D), jnp.float32),
        pltpu.VMEM((NBUF, C, D), jnp.float32),
    ] + [pltpu.VMEM((C,), jnp.int32)] * (2 * IB)
      + [pltpu.SemaphoreType.DMA] * (2 * NBUF + IB),
)


def _dense_body(relu, pa_ref, pb_ref, x_ref, wr_ref, b_ref, wroot_ref, o_ref):
    agg = pa_ref[...] + pb_ref[...]
    acc = jnp.dot(agg, wr_ref[...], preferred_element_type=jnp.float32)
    acc += jnp.dot(x_ref[...], wroot_ref[...], preferred_element_type=jnp.float32)
    acc += b_ref[...]
    if relu:
        acc = jnp.maximum(acc, 0.0)
    o_ref[...] = acc


def _tc_dense(pa, pb, x, w_rel, b, w_root, relu):
    return pl.pallas_call(
        functools.partial(_dense_body, relu),
        grid=(N // R,),
        in_specs=[
            pl.BlockSpec((R, D), lambda i: (i, 0)),
            pl.BlockSpec((R, D), lambda i: (i, 0)),
            pl.BlockSpec((R, D), lambda i: (i, 0)),
            pl.BlockSpec((D, D), lambda i: (0, 0)),
            pl.BlockSpec((1, D), lambda i: (0, 0)),
            pl.BlockSpec((D, D), lambda i: (0, 0)),
        ],
        out_specs=pl.BlockSpec((R, D), lambda i: (i, 0)),
        out_shape=jax.ShapeDtypeStruct((N, D), jnp.float32),
    )(pa, pb, x, w_rel, b.reshape(1, D), w_root)


def kernel(x, edge_index, W_rel1, b_rel1, W_root1, W_rel2, b_rel2, W_root2):
    src = edge_index[0].astype(jnp.int32)
    dst = edge_index[1].astype(jnp.int32)
    pad = E_PAD - E
    src_p = jnp.concatenate([src, jnp.zeros((pad,), jnp.int32)])
    dummy_dst = N + (jnp.arange(pad, dtype=jnp.int32) % (NP - N))
    dst_p = jnp.concatenate([dst, dummy_dst])
    zeros = jnp.zeros((NP, D), jnp.float32)

    p1a, p1b = _sc_aggregate(x, src_p, dst_p, zeros)
    h = _tc_dense(p1a, p1b, x, W_rel1, b_rel1, W_root1, relu=True)
    p2a, p2b = _sc_aggregate(h, src_p, dst_p, zeros)
    return _tc_dense(p2a, p2b, h, W_rel2, b_rel2, W_root2, relu=False)

# --- scband reference (transcript-rebuilt; emitter-appended) ---
"""Pipeline reference for scband-gnn-910533067627 (READ-ONLY COPY).

The authoritative reference and input builder live on the scoring server;
editing this copy changes nothing except your own understanding.
"""

import jax, jax.numpy as jnp
import numpy as np

N = 10000
E = 320000
D_IN = 128
D_HID = 128
D_OUT = 128


def setup_inputs(seed: int = 0) -> dict:
    key = jax.random.key(seed)
    k = jax.random.split(key, 8)
    x = jax.random.normal(k[0], (N, D_IN), dtype=jnp.float32)
    edge_index = jax.random.randint(k[1], (2, E), 0, N, dtype=jnp.int64)
    # GraphConv layer 1 params (lin_rel has bias, lin_root has no bias)
    W_rel1 = jax.random.normal(k[2], (D_IN, D_HID), dtype=jnp.float32) * (1.0 / np.sqrt(D_IN))
    b_rel1 = jnp.zeros((D_HID,), dtype=jnp.float32)
    W_root1 = jax.random.normal(k[3], (D_IN, D_HID), dtype=jnp.float32) * (1.0 / np.sqrt(D_IN))
    # GraphConv layer 2 params
    W_rel2 = jax.random.normal(k[4], (D_HID, D_OUT), dtype=jnp.float32) * (1.0 / np.sqrt(D_HID))
    b_rel2 = jnp.zeros((D_OUT,), dtype=jnp.float32)
    W_root2 = jax.random.normal(k[5], (D_HID, D_OUT), dtype=jnp.float32) * (1.0 / np.sqrt(D_HID))
    return {
        "x": x,
        "edge_index": edge_index,
        "W_rel1": W_rel1,
        "b_rel1": b_rel1,
        "W_root1": W_root1,
        "W_rel2": W_rel2,
        "b_rel2": b_rel2,
        "W_root2": W_root2,
    }


def _graph_conv(x, edge_index, W_rel, b_rel, W_root):
    # PyG GraphConv with aggr='add':
    #   out_i = lin_rel(sum_{j in N(i)} x_j) + lin_root(x_i)
    src = edge_index[0]
    dst = edge_index[1]
    msgs = jnp.take(x, src, axis=0)                      # gather [E, d]
    agg = jnp.zeros((x.shape[0], x.shape[1]), dtype=x.dtype).at[dst].add(msgs)  # scatter-add
    return agg @ W_rel + b_rel + x @ W_root


def reference(x, edge_index, W_rel1, b_rel1, W_root1, W_rel2, b_rel2, W_root2):
    h = _graph_conv(x, edge_index, W_rel1, b_rel1, W_root1)
    h = jax.nn.relu(h)
    out = _graph_conv(h, edge_index, W_rel2, b_rel2, W_root2)
    return out

if __name__ == "__main__":
    import jax
    _d = setup_inputs()
    print(jax.jit(kernel)(*tuple(_d.values())))

</pallas_src>

<mosaic_0001>
#map = affine_map<(d0, d1) -> (0, 0)>
#map1 = affine_map<(d0, d1) -> (0)>
module attributes {stable_mosaic.version = 14 : i64} {
  func.func @_sc_agg_body(%arg0: i32, %arg1: i32, %arg2: memref<10000x128xf32, #tpu.memory_space<hbm>>, %arg3: memref<327680xi32, #tpu.memory_space<hbm>>, %arg4: memref<327680xi32, #tpu.memory_space<hbm>>, %arg5: memref<10112x128xf32, #tpu.memory_space<hbm>>, %arg6: memref<10112x128xf32, #tpu.memory_space<hbm>>, %arg7: memref<10112x128xf32, #tpu.memory_space<hbm>>, %arg8: memref<10112x128xf32, #tpu.memory_space<vmem_shared>>, %arg9: memref<2x128x128xf32, #tpu.memory_space<vmem>>, %arg10: memref<128xi32, #tpu.memory_space<vmem>>, %arg11: memref<128xi32, #tpu.memory_space<vmem>>, %arg12: memref<128xi32, #tpu.memory_space<vmem>>, %arg13: memref<128xi32, #tpu.memory_space<vmem>>, %arg14: memref<128xi32, #tpu.memory_space<vmem>>, %arg15: memref<128xi32, #tpu.memory_space<vmem>>, %arg16: memref<128xi32, #tpu.memory_space<vmem>>, %arg17: memref<128xi32, #tpu.memory_space<vmem>>, %arg18: memref<!tpu.dma_semaphore, #tpu.memory_space<semaphore_mem>>, %arg19: memref<!tpu.dma_semaphore, #tpu.memory_space<semaphore_mem>>, %arg20: memref<!tpu.dma_semaphore, #tpu.memory_space<semaphore_mem>>, %arg21: memref<!tpu.dma_semaphore, #tpu.memory_space<semaphore_mem>>, %arg22: memref<!tpu.dma_semaphore, #tpu.memory_space<semaphore_mem>>, %arg23: memref<!tpu.dma_semaphore, #tpu.memory_space<semaphore_mem>>, %arg24: memref<!tpu.dma_semaphore, #tpu.memory_space<semaphore_mem>>, %arg25: memref<!tpu.dma_semaphore, #tpu.memory_space<semaphore_mem>>) attributes {dimension_semantics = [#tpu.dimension_semantics<core_parallel>, #tpu.dimension_semantics<subcore_parallel>], iteration_bounds = array<i64: 2, 16>, scalar_prefetch = 0 : i64, scratch_operands = 18 : i64, tpu.core_type = #tpu.core_type<sc_vector_subcore>, window_params = [{transform_indices = #map}, {transform_indices = #map1}, {transform_indices = #map1}, {transform_indices = #map}, {transform_indices = #map}, {transform_indices = #map}]} {
    %eq3A = arith.constant 0 : i32
    %eq3A_0 = arith.cmpi eq, %arg0, %eq3A : i32
    %mul3A = arith.constant 128 : i32
    %mul3A_1 = arith.muli %arg1, %mul3A : i32
    %mul3A_2 = arith.constant 32 : i32
    %mul3A_3 = arith.muli %arg1, %mul3A_2 : i32
    %add3A = arith.constant 2048 : i32
    %add3A_4 = arith.addi %add3A, %mul3A_3 : i32
    %select_n3A = arith.select %eq3A_0, %mul3A_1, %add3A_4 : i32
    %eq3A_5 = arith.constant 0 : i32
    %eq3A_6 = arith.cmpi eq, %arg0, %eq3A_5 : i32
    %jit3A = arith.constant 128 : i32
    %jit3A_7 = arith.constant 32 : i32
    %select_n3A_8 = arith.select %eq3A_6, %jit3A, %jit3A_7 : i32
    %mul3A_9 = arith.constant 632 : i32
    %mul3A_10 = arith.muli %arg1, %mul3A_9 : i32
    %mul3A_11 = arith.constant 632 : i32
    %mul3A_12 = arith.muli %arg1, %mul3A_11 : i32
    "tpu.region"() ({
      %run_scoped3A = tpu.sem_alloc : memref<!tpu.dma_semaphore, #tpu.memory_space<semaphore_mem>>
      %dma_start3A_97 = arith.constant 0 : i32
      %dma_start3A_98 = tpu.memref_slice %arg8[%mul3A_12, %dma_start3A_97] : memref<10112x128xf32, #tpu.memory_space<vmem_shared>> -> memref<632x128xf32, #tpu.memory_space<vmem_shared>>
      %dma_start3A_99 = arith.constant 0 : i32
      %dma_start3A_100 = tpu.memref_slice %arg5[%mul3A_10, %dma_start3A_99] : memref<10112x128xf32, #tpu.memory_space<hbm>> -> memref<632x128xf32, #tpu.memory_space<hbm>>
      tpu.enqueue_dma source(%dma_start3A_100 : memref<632x128xf32, #tpu.memory_space<hbm>>) target(%dma_start3A_98 : memref<632x128xf32, #tpu.memory_space<vmem_shared>>) target_semaphore(%run_scoped3A : memref<!tpu.dma_semaphore, #tpu.memory_space<semaphore_mem>>)
      %dma_wait3A_101 = arith.constant 0 : i32
      %dma_wait3A_102 = tpu.memref_slice %arg8[%mul3A_12, %dma_wait3A_101] : memref<10112x128xf32, #tpu.memory_space<vmem_shared>> -> memref<632x128xf32, #tpu.memory_space<vmem_shared>>
      %dma_wait3A_103 = arith.constant 0 : i32
      %dma_wait3A_104 = tpu.memref_slice %arg5[%mul3A_10, %dma_wait3A_103] : memref<10112x128xf32, #tpu.memory_space<hbm>> -> memref<632x128xf32, #tpu.memory_space<hbm>>
      tpu.wait_dma2 semaphore(%run_scoped3A : memref<!tpu.dma_semaphore, #tpu.memory_space<semaphore_mem>>) src(%dma_wait3A_104 : memref<632x128xf32, #tpu.memory_space<hbm>>) dst(%dma_wait3A_102 : memref<632x128xf32, #tpu.memory_space<vmem_shared>>)
      tpu.yield
    }) : () -> ()
    %barrier3A = arith.constant 0 : index
    tpu.barrier barrier_id(%barrier3A)
    %mul3A_13 = arith.constant 128 : i32
    %mul3A_14 = arith.muli %select_n3A, %mul3A_13 : i32
    "tpu.region"() ({
      %run_scoped3A = tpu.sem_alloc : memref<!tpu.dma_semaphore, #tpu.memory_space<semaphore_mem>>
      %dma_start3A_97 = tpu.memref_slice %arg3[%mul3A_14] : memref<327680xi32, #tpu.memory_space<hbm>> -> memref<128xi32, #tpu.memory_space<hbm>>
      %dma_start3A_98 = tpu.memref_slice %arg3[%mul3A_14] : memref<327680xi32, #tpu.memory_space<hbm>> -> memref<128xi32, #tpu.memory_space<hbm>>
      tpu.enqueue_dma source(%dma_start3A_98 : memref<128xi32, #tpu.memory_space<hbm>>) target(%arg10 : memref<128xi32, #tpu.memory_space<vmem>>) target_semaphore(%run_scoped3A : memref<!tpu.dma_semaphore, #tpu.memory_space<semaphore_mem>>)
      %dma_wait3A_99 = tpu.memref_slice %arg3[%mul3A_14] : memref<327680xi32, #tpu.memory_space<hbm>> -> memref<128xi32, #tpu.memory_space<hbm>>
      %dma_wait3A_100 = tpu.memref_slice %arg3[%mul3A_14] : memref<327680xi32, #tpu.memory_space<hbm>> -> memref<128xi32, #tpu.memory_space<hbm>>
      tpu.wait_dma2 semaphore(%run_scoped3A : memref<!tpu.dma_semaphore, #tpu.memory_space<semaphore_mem>>) src(%dma_wait3A_100 : memref<128xi32, #tpu.memory_space<hbm>>) dst(%arg10 : memref<128xi32, #tpu.memory_space<vmem>>)
      tpu.yield
    }) : () -> ()
    %mul3A_15 = arith.constant 128 : i32
    %mul3A_16 = arith.muli %select_n3A, %mul3A_15 : i32
    "tpu.region"() ({
      %run_scoped3A = tpu.sem_alloc : memref<!tpu.dma_semaphore, #tpu.memory_space<semaphore_mem>>
      %dma_start3A_97 = tpu.memref_slice %arg4[%mul3A_16] : memref<327680xi32, #tpu.memory_space<hbm>> -> memref<128xi32, #tpu.memory_space<hbm>>
      %dma_start3A_98 = tpu.memref_slice %arg4[%mul3A_16] : memref<327680xi32, #tpu.memory_space<hbm>> -> memref<128xi32, #tpu.memory_space<hbm>>
      tpu.enqueue_dma source(%dma_start3A_98 : memref<128xi32, #tpu.memory_space<hbm>>) target(%arg14 : memref<128xi32, #tpu.memory_space<vmem>>) target_semaphore(%run_scoped3A : memref<!tpu.dma_semaphore, #tpu.memory_space<semaphore_mem>>)
      %dma_wait3A_99 = tpu.memref_slice %arg4[%mul3A_16] : memref<327680xi32, #tpu.memory_space<hbm>> -> memref<128xi32, #tpu.memory_space<hbm>>
      %dma_wait3A_100 = tpu.memref_slice %arg4[%mul3A_16] : memref<327680xi32, #tpu.memory_space<hbm>> -> memref<128xi32, #tpu.memory_space<hbm>>
      tpu.wait_dma2 semaphore(%run_scoped3A : memref<!tpu.dma_semaphore, #tpu.memory_space<semaphore_mem>>) src(%dma_wait3A_100 : memref<128xi32, #tpu.memory_space<hbm>>) dst(%arg14 : memref<128xi32, #tpu.memory_space<vmem>>)
      tpu.yield
    }) : () -> ()
    %add3A_17 = arith.constant 1 : i32
    %add3A_18 = arith.addi %select_n3A, %add3A_17 : i32
    %mul3A_19 = arith.constant 128 : i32
    %mul3A_20 = arith.muli %add3A_18, %mul3A_19 : i32
    %dma_start3A = tpu.memref_slice %arg3[%mul3A_20] : memref<327680xi32, #tpu.memory_space<hbm>> -> memref<128xi32, #tpu.memory_space<hbm>>
    %dma_start3A_21 = tpu.memref_slice %arg3[%mul3A_20] : memref<327680xi32, #tpu.memory_space<hbm>> -> memref<128xi32, #tpu.memory_space<hbm>>
    tpu.enqueue_dma source(%dma_start3A_21 : memref<128xi32, #tpu.memory_space<hbm>>) target(%arg11 : memref<128xi32, #tpu.memory_space<vmem>>) target_semaphore(%arg23 : memref<!tpu.dma_semaphore, #tpu.memory_space<semaphore_mem>>)
    %dma_start3A_22 = tpu.memref_slice %arg4[%mul3A_20] : memref<327680xi32, #tpu.memory_space<hbm>> -> memref<128xi32, #tpu.memory_space<hbm>>
    %dma_start3A_23 = tpu.memref_slice %arg4[%mul3A_20] : memref<327680xi32, #tpu.memory_space<hbm>> -> memref<128xi32, #tpu.memory_space<hbm>>
    tpu.enqueue_dma source(%dma_start3A_23 : memref<128xi32, #tpu.memory_space<hbm>>) target(%arg15 : memref<128xi32, #tpu.memory_space<vmem>>) target_semaphore(%arg23 : memref<!tpu.dma_semaphore, #tpu.memory_space<semaphore_mem>>)
    %dma_start3A_24 = arith.constant 0 : i32
    %dma_start3A_25 = arith.constant 0 : i32
    %dma_start3A_26 = arith.constant 0 : i32
    %dma_start3A_27 = tpu.memref_slice %arg9[%dma_start3A_24, %dma_start3A_25, %dma_start3A_26] : memref<2x128x128xf32, #tpu.memory_space<vmem>> -> memref<1x128x128xf32, #tpu.memory_space<vmem>>
    %dma_start3A_28 = tpu.memref_squeeze %dma_start3A_27 : memref<1x128x128xf32, #tpu.memory_space<vmem>> -> memref<128x128xf32, #tpu.memory_space<vmem>>
    %dma_start3A_29 = arith.constant 0 : i32
    %dma_start3A_30 = arith.constant 0 : i32
    %dma_start3A_31 = tpu.memref_slice %arg2[%dma_start3A_29, %dma_start3A_30] : memref<10000x128xf32, #tpu.memory_space<hbm>> -> memref<10000x128xf32, #tpu.memory_space<hbm>>
    tpu.enqueue_indirect_dma source(%dma_start3A_31 : memref<10000x128xf32, #tpu.memory_space<hbm>>) target(%dma_start3A_28 : memref<128x128xf32, #tpu.memory_space<vmem>>) offsets(%arg10 : memref<128xi32, #tpu.memory_space<vmem>>) semaphore(%arg18 : memref<!tpu.dma_semaphore, #tpu.memory_space<semaphore_mem>>)
    %jit3A_32 = arith.constant 4 : i32
    %div3A = arith.divsi %select_n3A_8, %jit3A_32 : i32
    %sign3A = arith.constant 0 : i32
    %sign3A_33 = arith.cmpi sgt, %select_n3A_8, %sign3A : i32
    %sign3A_34 = arith.extui %sign3A_33 : i1 to i32
    %sign3A_35 = arith.constant 0 : i32
    %sign3A_36 = arith.cmpi slt, %select_n3A_8, %sign3A_35 : i32
    %sign3A_37 = arith.extui %sign3A_36 : i1 to i32
    %sign3A_38 = arith.subi %sign3A_34, %sign3A_37 : i32
    %sign3A_39 = arith.constant 0 : i32
    %sign3A_40 = arith.cmpi sgt, %jit3A_32, %sign3A_39 : i32
    %sign3A_41 = arith.extui %sign3A_40 : i1 to i32
    %sign3A_42 = arith.constant 0 : i32
    %sign3A_43 = arith.cmpi slt, %jit3A_32, %sign3A_42 : i32
    %sign3A_44 = arith.extui %sign3A_43 : i1 to i32
    %sign3A_45 = arith.subi %sign3A_41, %sign3A_44 : i32
    %ne3A = arith.cmpi ne, %sign3A_38, %sign3A_45 : i32
    %rem3A = arith.remsi %select_n3A_8, %jit3A_32 : i32
    %ne3A_46 = arith.constant 0 : i32
    %ne3A_47 = arith.cmpi ne, %rem3A, %ne3A_46 : i32
    %and3A = arith.andi %ne3A, %ne3A_47 : i1
    %sub3A = arith.constant 1 : i32
    %sub3A_48 = arith.subi %div3A, %sub3A : i32
    %select_n3A_49 = arith.select %and3A, %sub3A_48, %div3A : i32
    %while3A = arith.constant 0 : i32
    %while3A_50 = arith.constant 0 : i32
    %while3A_51 = arith.subi %select_n3A_49, %while3A_50 : i32
    %while3A_52 = arith.addi %while3A_50, %while3A_51 : i32
    %while3A_53 = arith.constant 1 : i32
    %while3A_54 = arith.divsi %while3A_51, %while3A_53 : i32
    %while3A_55 = arith.muli %while3A_54, %while3A_53 : i32
    %while3A_56 = arith.addi %while3A_50, %while3A_55 : i32
    %while3A_57 = arith.constant 1 : i32
    scf.for %while3A_97 = %while3A_50 to %while3A_56 step %while3A_57  : i32 {
      %mul3A_98 = arith.constant 4 : i32
      %mul3A_99 = arith.muli %while3A_97, %mul3A_98 : i32
      %add3A_100 = arith.constant 0 : i32
      %add3A_101 = arith.addi %mul3A_99, %add3A_100 : i32
      %ge3A = arith.constant 1 : i32
      %ge3A_102 = arith.cmpi sge, %add3A_101, %ge3A : i32
      %add3A_103 = arith.constant 1 : i32
      %add3A_104 = arith.addi %add3A_101, %add3A_103 : i32
      %lt3A = arith.cmpi slt, %add3A_104, %select_n3A_8 : i32
      %and3A_105 = arith.andi %ge3A_102, %lt3A : i1
      %convert_element_type3A_106 = arith.extui %and3A_105 : i1 to i32
      %cond3A_107 = arith.constant 0 : i32
      %cond3A_108 = arith.cmpi ne, %convert_element_type3A_106, %cond3A_107 : i32
      scf.if %cond3A_108 {
        %dma_wait3A_288 = arith.constant 1 : i32
        %dma_wait3A_289 = arith.constant 0 : i32
        %dma_wait3A_290 = arith.constant 0 : i32
        %dma_wait3A_291 = tpu.memref_slice %arg9[%dma_wait3A_288, %dma_wait3A_289, %dma_wait3A_290] : memref<2x128x128xf32, #tpu.memory_space<vmem>> -> memref<1x128x128xf32, #tpu.memory_space<vmem>>
        %dma_wait3A_292 = tpu.memref_squeeze %dma_wait3A_291 : memref<1x128x128xf32, #tpu.memory_space<vmem>> -> memref<128x128xf32, #tpu.memory_space<vmem>>
        %dma_wait3A_293 = arith.constant 0 : i32
        %dma_wait3A_294 = arith.constant 0 : i32
        %dma_wait3A_295 = tpu.memref_slice %arg2[%dma_wait3A_293, %dma_wait3A_294] : memref<10000x128xf32, #tpu.memory_space<hbm>> -> memref<128x128xf32, #tpu.memory_space<hbm>>
        %dma_wait3A_296 = arith.constant 0 : i32
        %dma_wait3A_297 = arith.constant 0 : i32
        %dma_wait3A_298 = tpu.memref_slice %arg9[%dma_wait3A_288, %dma_wait3A_296, %dma_wait3A_297] : memref<2x128x128xf32, #tpu.memory_space<vmem>> -> memref<1x128x128xf32, #tpu.memory_space<vmem>>
        %dma_wait3A_299 = tpu.memref_squeeze %dma_wait3A_298 : memref<1x128x128xf32, #tpu.memory_space<vmem>> -> memref<128x128xf32, #tpu.memory_space<vmem>>
        %dma_wait3A_300 = arith.constant 0 : i32
        %dma_wait3A_301 = arith.constant 0 : i32
        %dma_wait3A_302 = tpu.memref_slice %arg2[%dma_wait3A_300, %dma_wait3A_301] : memref<10000x128xf32, #tpu.memory_space<hbm>> -> memref<128x128xf32, #tpu.memory_space<hbm>>
        tpu.wait_dma2 semaphore(%arg21 : memref<!tpu.dma_semaphore, #tpu.memory_space<semaphore_mem>>) src(%dma_wait3A_302 : memref<128x128xf32, #tpu.memory_space<hbm>>) dst(%dma_wait3A_299 : memref<128x128xf32, #tpu.memory_space<vmem>>)
      } else {
      }
      %add3A_109 = arith.constant 1 : i32
      %add3A_110 = arith.addi %add3A_101, %add3A_109 : i32
      %lt3A_111 = arith.cmpi slt, %add3A_110, %select_n3A_8 : i32
      %convert_element_type3A_112 = arith.extui %lt3A_111 : i1 to i32
      %cond3A_113 = arith.constant 0 : i32
      %cond3A_114 = arith.cmpi ne, %convert_element_type3A_112, %cond3A_113 : i32
      scf.if %cond3A_114 {
        %dma_wait3A_288 = arith.constant 0 : i32
        %dma_wait3A_289 = tpu.memref_slice %arg3[%dma_wait3A_288] : memref<327680xi32, #tpu.memory_space<hbm>> -> memref<128xi32, #tpu.memory_space<hbm>>
        %dma_wait3A_290 = arith.constant 0 : i32
        %dma_wait3A_291 = tpu.memref_slice %arg3[%dma_wait3A_290] : memref<327680xi32, #tpu.memory_space<hbm>> -> memref<128xi32, #tpu.memory_space<hbm>>
        tpu.wait_dma2 semaphore(%arg23 : memref<!tpu.dma_semaphore, #tpu.memory_space<semaphore_mem>>) src(%dma_wait3A_291 : memref<128xi32, #tpu.memory_space<hbm>>) dst(%arg11 : memref<128xi32, #tpu.memory_space<vmem>>)
        %dma_wait3A_292 = arith.constant 0 : i32
        %dma_wait3A_293 = tpu.memref_slice %arg3[%dma_wait3A_292] : memref<327680xi32, #tpu.memory_space<hbm>> -> memref<128xi32, #tpu.memory_space<hbm>>
        %dma_wait3A_294 = arith.constant 0 : i32
        %dma_wait3A_295 = tpu.memref_slice %arg3[%dma_wait3A_294] : memref<327680xi32, #tpu.memory_space<hbm>> -> memref<128xi32, #tpu.memory_space<hbm>>
        tpu.wait_dma2 semaphore(%arg23 : memref<!tpu.dma_semaphore, #tpu.memory_space<semaphore_mem>>) src(%dma_wait3A_295 : memref<128xi32, #tpu.memory_space<hbm>>) dst(%arg15 : memref<128xi32, #tpu.memory_space<vmem>>)
        %dma_start3A_296 = arith.constant 1 : i32
        %dma_start3A_297 = arith.constant 0 : i32
        %dma_start3A_298 = arith.constant 0 : i32
        %dma_start3A_299 = tpu.memref_slice %arg9[%dma_start3A_296, %dma_start3A_297, %dma_start3A_298] : memref<2x128x128xf32, #tpu.memory_space<vmem>> -> memref<1x128x128xf32, #tpu.memory_space<vmem>>
        %dma_start3A_300 = tpu.memref_squeeze %dma_start3A_299 : memref<1x128x128xf32, #tpu.memory_space<vmem>> -> memref<128x128xf32, #tpu.memory_space<vmem>>
        %dma_start3A_301 = arith.constant 0 : i32
        %dma_start3A_302 = arith.constant 0 : i32
        %dma_start3A_303 = tpu.memref_slice %arg2[%dma_start3A_301, %dma_start3A_302] : memref<10000x128xf32, #tpu.memory_space<hbm>> -> memref<10000x128xf32, #tpu.memory_space<hbm>>
        tpu.enqueue_indirect_dma source(%dma_start3A_303 : memref<10000x128xf32, #tpu.memory_space<hbm>>) target(%dma_start3A_300 : memref<128x128xf32, #tpu.memory_space<vmem>>) offsets(%arg11 : memref<128xi32, #tpu.memory_space<vmem>>) semaphore(%arg19 : memref<!tpu.dma_semaphore, #tpu.memory_space<semaphore_mem>>)
      } else {
      }
      %add3A_115 = arith.constant 2 : i32
      %add3A_116 = arith.addi %add3A_101, %add3A_115 : i32
      %lt3A_117 = arith.cmpi slt, %add3A_116, %select_n3A_8 : i32
      %convert_element_type3A_118 = arith.extui %lt3A_117 : i1 to i32
      %cond3A_119 = arith.constant 0 : i32
      %cond3A_120 = arith.cmpi ne, %convert_element_type3A_118, %cond3A_119 : i32
      scf.if %cond3A_120 {
        %add3A_288 = arith.constant 2 : i32
        %add3A_289 = arith.addi %add3A_101, %add3A_288 : i32
        %add3A_290 = arith.addi %select_n3A, %add3A_289 : i32
        %mul3A_291 = arith.constant 128 : i32
        %mul3A_292 = arith.muli %add3A_290, %mul3A_291 : i32
        %dma_start3A_293 = tpu.memref_slice %arg3[%mul3A_292] : memref<327680xi32, #tpu.memory_space<hbm>> -> memref<128xi32, #tpu.memory_space<hbm>>
        %dma_start3A_294 = tpu.memref_slice %arg3[%mul3A_292] : memref<327680xi32, #tpu.memory_space<hbm>> -> memref<128xi32, #tpu.memory_space<hbm>>
        tpu.enqueue_dma source(%dma_start3A_294 : memref<128xi32, #tpu.memory_space<hbm>>) target(%arg12 : memref<128xi32, #tpu.memory_space<vmem>>) target_semaphore(%arg24 : memref<!tpu.dma_semaphore, #tpu.memory_space<semaphore_mem>>)
        %dma_start3A_295 = tpu.memref_slice %arg4[%mul3A_292] : memref<327680xi32, #tpu.memory_space<hbm>> -> memref<128xi32, #tpu.memory_space<hbm>>
        %dma_start3A_296 = tpu.memref_slice %arg4[%mul3A_292] : memref<327680xi32, #tpu.memory_space<hbm>> -> memref<128xi32, #tpu.memory_space<hbm>>
        tpu.enqueue_dma source(%dma_start3A_296 : memref<128xi32, #tpu.memory_space<hbm>>) target(%arg16 : memref<128xi32, #tpu.memory_space<vmem>>) target_semaphore(%arg24 : memref<!tpu.dma_semaphore, #tpu.memory_space<semaphore_mem>>)
      } else {
      }
      %dma_wait3A_121 = arith.constant 0 : i32
      %dma_wait3A_122 = arith.constant 0 : i32
      %dma_wait3A_123 = arith.constant 0 : i32
      %dma_wait3A_124 = tpu.memref_slice %arg9[%dma_wait3A_121, %dma_wait3A_122, %dma_wait3A_123] : memref<2x128x128xf32, #tpu.memory_space<vmem>> -> memref<1x128x128xf32, #tpu.memory_space<vmem>>
      %dma_wait3A_125 = tpu.memref_squeeze %dma_wait3A_124 : memref<1x128x128xf32, #tpu.memory_space<vmem>> -> memref<128x128xf32, #tpu.memory_space<vmem>>
      %dma_wait3A_126 = arith.constant 0 : i32
      %dma_wait3A_127 = arith.constant 0 : i32
      %dma_wait3A_128 = tpu.memref_slice %arg2[%dma_wait3A_126, %dma_wait3A_127] : memref<10000x128xf32, #tpu.memory_space<hbm>> -> memref<128x128xf32, #tpu.memory_space<hbm>>
      %dma_wait3A_129 = arith.constant 0 : i32
      %dma_wait3A_130 = arith.constant 0 : i32
      %dma_wait3A_131 = tpu.memref_slice %arg9[%dma_wait3A_121, %dma_wait3A_129, %dma_wait3A_130] : memref<2x128x128xf32, #tpu.memory_space<vmem>> -> memref<1x128x128xf32, #tpu.memory_space<vmem>>
      %dma_wait3A_132 = tpu.memref_squeeze %dma_wait3A_131 : memref<1x128x128xf32, #tpu.memory_space<vmem>> -> memref<128x128xf32, #tpu.memory_space<vmem>>
      %dma_wait3A_133 = arith.constant 0 : i32
      %dma_wait3A_134 = arith.constant 0 : i32
      %dma_wait3A_135 = tpu.memref_slice %arg2[%dma_wait3A_133, %dma_wait3A_134] : memref<10000x128xf32, #tpu.memory_space<hbm>> -> memref<128x128xf32, #tpu.memory_space<hbm>>
      tpu.wait_dma2 semaphore(%arg18 : memref<!tpu.dma_semaphore, #tpu.memory_space<semaphore_mem>>) src(%dma_wait3A_135 : memref<128x128xf32, #tpu.memory_space<hbm>>) dst(%dma_wait3A_132 : memref<128x128xf32, #tpu.memory_space<vmem>>)
      %dma_start3A_136 = arith.constant 0 : i32
      %dma_start3A_137 = arith.constant 0 : i32
      %dma_start3A_138 = arith.constant 0 : i32
      %dma_start3A_139 = tpu.memref_slice %arg9[%dma_start3A_136, %dma_start3A_137, %dma_start3A_138] : memref<2x128x128xf32, #tpu.memory_space<vmem>> -> memref<1x128x128xf32, #tpu.memory_space<vmem>>
      %dma_start3A_140 = tpu.memref_squeeze %dma_start3A_139 : memref<1x128x128xf32, #tpu.memory_space<vmem>> -> memref<128x128xf32, #tpu.memory_space<vmem>>
      %dma_start3A_141 = arith.constant 0 : i32
      %dma_start3A_142 = arith.constant 0 : i32
      %dma_start3A_143 = tpu.memref_slice %arg8[%dma_start3A_141, %dma_start3A_142] : memref<10112x128xf32, #tpu.memory_space<vmem_shared>> -> memref<10112x128xf32, #tpu.memory_space<vmem_shared>>
      tpu.enqueue_indirect_dma source(%dma_start3A_140 : memref<128x128xf32, #tpu.memory_space<vmem>>) target(%dma_start3A_143 : memref<10112x128xf32, #tpu.memory_space<vmem_shared>>) offsets(%arg14 : memref<128xi32, #tpu.memory_space<vmem>>) semaphore(%arg20 : memref<!tpu.dma_semaphore, #tpu.memory_space<semaphore_mem>>) {add = true}
      %mul3A_144 = arith.constant 4 : i32
      %mul3A_145 = arith.muli %while3A_97, %mul3A_144 : i32
      %add3A_146 = arith.constant 1 : i32
      %add3A_147 = arith.addi %mul3A_145, %add3A_146 : i32
      %ge3A_148 = arith.constant 1 : i32
      %ge3A_149 = arith.cmpi sge, %add3A_147, %ge3A_148 : i32
      %add3A_150 = arith.constant 1 : i32
      %add3A_151 = arith.addi %add3A_147, %add3A_150 : i32
      %lt3A_152 = arith.cmpi slt, %add3A_151, %select_n3A_8 : i32
      %and3A_153 = arith.andi %ge3A_149, %lt3A_152 : i1
      %convert_element_type3A_154 = arith.extui %and3A_153 : i1 to i32
      %cond3A_155 = arith.constant 0 : i32
      %cond3A_156 = arith.cmpi ne, %convert_element_type3A_154, %cond3A_155 : i32
      scf.if %cond3A_156 {
        %dma_wait3A_288 = arith.constant 0 : i32
        %dma_wait3A_289 = arith.constant 0 : i32
        %dma_wait3A_290 = arith.constant 0 : i32
        %dma_wait3A_291 = tpu.memref_slice %arg9[%dma_wait3A_288, %dma_wait3A_289, %dma_wait3A_290] : memref<2x128x128xf32, #tpu.memory_space<vmem>> -> memref<1x128x128xf32, #tpu.memory_space<vmem>>
        %dma_wait3A_292 = tpu.memref_squeeze %dma_wait3A_291 : memref<1x128x128xf32, #tpu.memory_space<vmem>> -> memref<128x128xf32, #tpu.memory_space<vmem>>
        %dma_wait3A_293 = arith.constant 0 : i32
        %dma_wait3A_294 = arith.constant 0 : i32
        %dma_wait3A_295 = tpu.memref_slice %arg2[%dma_wait3A_293, %dma_wait3A_294] : memref<10000x128xf32, #tpu.memory_space<hbm>> -> memref<128x128xf32, #tpu.memory_space<hbm>>
        %dma_wait3A_296 = arith.constant 0 : i32
        %dma_wait3A_297 = arith.constant 0 : i32
        %dma_wait3A_298 = tpu.memref_slice %arg9[%dma_wait3A_288, %dma_wait3A_296, %dma_wait3A_297] : memref<2x128x128xf32, #tpu.memory_space<vmem>> -> memref<1x128x128xf32, #tpu.memory_space<vmem>>
        %dma_wait3A_299 = tpu.memref_squeeze %dma_wait3A_298 : memref<1x128x128xf32, #tpu.memory_space<vmem>> -> memref<128x128xf32, #tpu.memory_space<vmem>>
        %dma_wait3A_300 = arith.constant 0 : i32
        %dma_wait3A_301 = arith.constant 0 : i32
        %dma_wait3A_302 = tpu.memref_slice %arg2[%dma_wait3A_300, %dma_wait3A_301] : memref<10000x128xf32, #tpu.memory_space<hbm>> -> memref<128x128xf32, #tpu.memory_space<hbm>>
        tpu.wait_dma2 semaphore(%arg20 : memref<!tpu.dma_semaphore, #tpu.memory_space<semaphore_mem>>) src(%dma_wait3A_302 : memref<128x128xf32, #tpu.memory_space<hbm>>) dst(%dma_wait3A_299 : memref<128x128xf32, #tpu.memory_space<vmem>>)
      } else {
      }
      %add3A_157 = arith.constant 1 : i32
      %add3A_158 = arith.addi %add3A_147, %add3A_157 : i32
      %lt3A_159 = arith.cmpi slt, %add3A_158, %select_n3A_8 : i32
      %convert_element_type3A_160 = arith.extui %lt3A_159 : i1 to i32
      %cond3A_161 = arith.constant 0 : i32
      %cond3A_162 = arith.cmpi ne, %convert_element_type3A_160, %cond3A_161 : i32
      scf.if %cond3A_162 {
        %dma_wait3A_288 = arith.constant 0 : i32
        %dma_wait3A_289 = tpu.memref_slice %arg3[%dma_wait3A_288] : memref<327680xi32, #tpu.memory_space<hbm>> -> memref<128xi32, #tpu.memory_space<hbm>>
        %dma_wait3A_290 = arith.constant 0 : i32
        %dma_wait3A_291 = tpu.memref_slice %arg3[%dma_wait3A_290] : memref<327680xi32, #tpu.memory_space<hbm>> -> memref<128xi32, #tpu.memory_space<hbm>>
        tpu.wait_dma2 semaphore(%arg24 : memref<!tpu.dma_semaphore, #tpu.memory_space<semaphore_mem>>) src(%dma_wait3A_291 : memref<128xi32, #tpu.memory_space<hbm>>) dst(%arg12 : memref<128xi32, #tpu.memory_space<vmem>>)
        %dma_wait3A_292 = arith.constant 0 : i32
        %dma_wait3A_293 = tpu.memref_slice %arg3[%dma_wait3A_292] : memref<327680xi32, #tpu.memory_space<hbm>> -> memref<128xi32, #tpu.memory_space<hbm>>
        %dma_wait3A_294 = arith.constant 0 : i32
        %dma_wait3A_295 = tpu.memref_slice %arg3[%dma_wait3A_294] : memref<327680xi32, #tpu.memory_space<hbm>> -> memref<128xi32, #tpu.memory_space<hbm>>
        tpu.wait_dma2 semaphore(%arg24 : memref<!tpu.dma_semaphore, #tpu.memory_space<semaphore_mem>>) src(%dma_wait3A_295 : memref<128xi32, #tpu.memory_space<hbm>>) dst(%arg16 : memref<128xi32, #tpu.memory_space<vmem>>)
        %dma_start3A_296 = arith.constant 0 : i32
        %dma_start3A_297 = arith.constant 0 : i32
        %dma_start3A_298 = arith.constant 0 : i32
        %dma_start3A_299 = tpu.memref_slice %arg9[%dma_start3A_296, %dma_start3A_297, %dma_start3A_298] : memref<2x128x128xf32, #tpu.memory_space<vmem>> -> memref<1x128x128xf32, #tpu.memory_space<vmem>>
        %dma_start3A_300 = tpu.memref_squeeze %dma_start3A_299 : memref<1x128x128xf32, #tpu.memory_space<vmem>> -> memref<128x128xf32, #tpu.memory_space<vmem>>
        %dma_start3A_301 = arith.constant 0 : i32
        %dma_start3A_302 = arith.constant 0 : i32
        %dma_start3A_303 = tpu.memref_slice %arg2[%dma_start3A_301, %dma_start3A_302] : memref<10000x128xf32, #tpu.memory_space<hbm>> -> memref<10000x128xf32, #tpu.memory_space<hbm>>
        tpu.enqueue_indirect_dma source(%dma_start3A_303 : memref<10000x128xf32, #tpu.memory_space<hbm>>) target(%dma_start3A_300 : memref<128x128xf32, #tpu.memory_space<vmem>>) offsets(%arg12 : memref<128xi32, #tpu.memory_space<vmem>>) semaphore(%arg18 : memref<!tpu.dma_semaphore, #tpu.memory_space<semaphore_mem>>)
      } else {
      }
      %add3A_163 = arith.constant 2 : i32
      %add3A_164 = arith.addi %add3A_147, %add3A_163 : i32
      %lt3A_165 = arith.cmpi slt, %add3A_164, %select_n3A_8 : i32
      %convert_element_type3A_166 = arith.extui %lt3A_165 : i1 to i32
      %cond3A_167 = arith.constant 0 : i32
      %cond3A_168 = arith.cmpi ne, %convert_element_type3A_166, %cond3A_167 : i32
      scf.if %cond3A_168 {
        %add3A_288 = arith.constant 2 : i32
        %add3A_289 = arith.addi %add3A_147, %add3A_288 : i32
        %add3A_290 = arith.addi %select_n3A, %add3A_289 : i32
        %mul3A_291 = arith.constant 128 : i32
        %mul3A_292 = arith.muli %add3A_290, %mul3A_291 : i32
        %dma_start3A_293 = tpu.memref_slice %arg3[%mul3A_292] : memref<327680xi32, #tpu.memory_space<hbm>> -> memref<128xi32, #tpu.memory_space<hbm>>
        %dma_start3A_294 = tpu.memref_slice %arg3[%mul3A_292] : memref<327680xi32, #tpu.memory_space<hbm>> -> memref<128xi32, #tpu.memory_space<hbm>>
        tpu.enqueue_dma source(%dma_start3A_294 : memref<128xi32, #tpu.memory_space<hbm>>) target(%arg13 : memref<128xi32, #tpu.memory_space<vmem>>) target_semaphore(%arg25 : memref<!tpu.dma_semaphore, #tpu.memory_space<semaphore_mem>>)
        %dma_start3A_295 = tpu.memref_slice %arg4[%mul3A_292] : memref<327680xi32, #tpu.memory_space<hbm>> -> memref<128xi32, #tpu.memory_space<hbm>>
        %dma_start3A_296 = tpu.memref_slice %arg4[%mul3A_292] : memref<327680xi32, #tpu.memory_space<hbm>> -> memref<128xi32, #tpu.memory_space<hbm>>
        tpu.enqueue_dma source(%dma_start3A_296 : memref<128xi32, #tpu.memory_space<hbm>>) target(%arg17 : memref<128xi32, #tpu.memory_space<vmem>>) target_semaphore(%arg25 : memref<!tpu.dma_semaphore, #tpu.memory_space<semaphore_mem>>)
      } else {
      }
      %dma_wait3A_169 = arith.constant 1 : i32
      %dma_wait3A_170 = arith.constant 0 : i32
      %dma_wait3A_171 = arith.constant 0 : i32
      %dma_wait3A_172 = tpu.memref_slice %arg9[%dma_wait3A_169, %dma_wait3A_170, %dma_wait3A_171] : memref<2x128x128xf32, #tpu.memory_space<vmem>> -> memref<1x128x128xf32, #tpu.memory_space<vmem>>
      %dma_wait3A_173 = tpu.memref_squeeze %dma_wait3A_172 : memref<1x128x128xf32, #tpu.memory_space<vmem>> -> memref<128x128xf32, #tpu.memory_space<vmem>>
      %dma_wait3A_174 = arith.constant 0 : i32
      %dma_wait3A_175 = arith.constant 0 : i32
      %dma_wait3A_176 = tpu.memref_slice %arg2[%dma_wait3A_174, %dma_wait3A_175] : memref<10000x128xf32, #tpu.memory_space<hbm>> -> memref<128x128xf32, #tpu.memory_space<hbm>>
      %dma_wait3A_177 = arith.constant 0 : i32
      %dma_wait3A_178 = arith.constant 0 : i32
      %dma_wait3A_179 = tpu.memref_slice %arg9[%dma_wait3A_169, %dma_wait3A_177, %dma_wait3A_178] : memref<2x128x128xf32, #tpu.memory_space<vmem>> -> memref<1x128x128xf32, #tpu.memory_space<vmem>>
      %dma_wait3A_180 = tpu.memref_squeeze %dma_wait3A_179 : memref<1x128x128xf32, #tpu.memory_space<vmem>> -> memref<128x128xf32, #tpu.memory_space<vmem>>
      %dma_wait3A_181 = arith.constant 0 : i32
      %dma_wait3A_182 = arith.constant 0 : i32
      %dma_wait3A_183 = tpu.memref_slice %arg2[%dma_wait3A_181, %dma_wait3A_182] : memref<10000x128xf32, #tpu.memory_space<hbm>> -> memref<128x128xf32, #tpu.memory_space<hbm>>
      tpu.wait_dma2 semaphore(%arg19 : memref<!tpu.dma_semaphore, #tpu.memory_space<semaphore_mem>>) src(%dma_wait3A_183 : memref<128x128xf32, #tpu.memory_space<hbm>>) dst(%dma_wait3A_180 : memref<128x128xf32, #tpu.memory_space<vmem>>)
      %dma_start3A_184 = arith.constant 1 : i32
      %dma_start3A_185 = arith.constant 0 : i32
      %dma_start3A_186 = arith.constant 0 : i32
      %dma_start3A_187 = tpu.memref_slice %arg9[%dma_start3A_184, %dma_start3A_185, %dma_start3A_186] : memref<2x128x128xf32, #tpu.memory_space<vmem>> -> memref<1x128x128xf32, #tpu.memory_space<vmem>>
      %dma_start3A_188 = tpu.memref_squeeze %dma_start3A_187 : memref<1x128x128xf32, #tpu.memory_space<vmem>> -> memref<128x128xf32, #tpu.memory_space<vmem>>
      %dma_start3A_189 = arith.constant 0 : i32
      %dma_start3A_190 = arith.constant 0 : i32
      %dma_start3A_191 = tpu.memref_slice %arg8[%dma_start3A_189, %dma_start3A_190] : memref<10112x128xf32, #tpu.memory_space<vmem_shared>> -> memref<10112x128xf32, #tpu.memory_space<vmem_shared>>
      tpu.enqueue_indirect_dma source(%dma_start3A_188 : memref<128x128xf32, #tpu.memory_space<vmem>>) target(%dma_start3A_191 : memref<10112x128xf32, #tpu.memory_space<vmem_shared>>) offsets(%arg15 : memref<128xi32, #tpu.memory_space<vmem>>) semaphore(%arg21 : memref<!tpu.dma_semaphore, #tpu.memory_space<semaphore_mem>>) {add = true}
      %mul3A_192 = arith.constant 4 : i32
      %mul3A_193 = arith.muli %while3A_97, %mul3A_192 : i32
      %add3A_194 = arith.constant 2 : i32
      %add3A_195 = arith.addi %mul3A_193, %add3A_194 : i32
      %ge3A_196 = arith.constant 1 : i32
      %ge3A_197 = arith.cmpi sge, %add3A_195, %ge3A_196 : i32
      %add3A_198 = arith.constant 1 : i32
      %add3A_199 = arith.addi %add3A_195, %add3A_198 : i32
      %lt3A_200 = arith.cmpi slt, %add3A_199, %select_n3A_8 : i32
      %and3A_201 = arith.andi %ge3A_197, %lt3A_200 : i1
      %convert_element_type3A_202 = arith.extui %and3A_201 : i1 to i32
      %cond3A_203 = arith.constant 0 : i32
      %cond3A_204 = arith.cmpi ne, %convert_element_type3A_202, %cond3A_203 : i32
      scf.if %cond3A_204 {
        %dma_wait3A_288 = arith.constant 1 : i32
        %dma_wait3A_289 = arith.constant 0 : i32
        %dma_wait3A_290 = arith.constant 0 : i32
        %dma_wait3A_291 = tpu.memref_slice %arg9[%dma_wait3A_288, %dma_wait3A_289, %dma_wait3A_290] : memref<2x128x128xf32, #tpu.memory_space<vmem>> -> memref<1x128x128xf32, #tpu.memory_space<vmem>>
        %dma_wait3A_292 = tpu.memref_squeeze %dma_wait3A_291 : memref<1x128x128xf32, #tpu.memory_space<vmem>> -> memref<128x128xf32, #tpu.memory_space<vmem>>
        %dma_wait3A_293 = arith.constant 0 : i32
        %dma_wait3A_294 = arith.constant 0 : i32
        %dma_wait3A_295 = tpu.memref_slice %arg2[%dma_wait3A_293, %dma_wait3A_294] : memref<10000x128xf32, #tpu.memory_space<hbm>> -> memref<128x128xf32, #tpu.memory_space<hbm>>
        %dma_wait3A_296 = arith.constant 0 : i32
        %dma_wait3A_297 = arith.constant 0 : i32
        %dma_wait3A_298 = tpu.memref_slice %arg9[%dma_wait3A_288, %dma_wait3A_296, %dma_wait3A_297] : memref<2x128x128xf32, #tpu.memory_space<vmem>> -> memref<1x128x128xf32, #tpu.memory_space<vmem>>
        %dma_wait3A_299 = tpu.memref_squeeze %dma_wait3A_298 : memref<1x128x128xf32, #tpu.memory_space<vmem>> -> memref<128x128xf32, #tpu.memory_space<vmem>>
        %dma_wait3A_300 = arith.constant 0 : i32
        %dma_wait3A_301 = arith.constant 0 : i32
        %dma_wait3A_302 = tpu.memref_slice %arg2[%dma_wait3A_300, %dma_wait3A_301] : memref<10000x128xf32, #tpu.memory_space<hbm>> -> memref<128x128xf32, #tpu.memory_space<hbm>>
        tpu.wait_dma2 semaphore(%arg21 : memref<!tpu.dma_semaphore, #tpu.memory_space<semaphore_mem>>) src(%dma_wait3A_302 : memref<128x128xf32, #tpu.memory_space<hbm>>) dst(%dma_wait3A_299 : memref<128x128xf32, #tpu.memory_space<vmem>>)
      } else {
      }
      %add3A_205 = arith.constant 1 : i32
      %add3A_206 = arith.addi %add3A_195, %add3A_205 : i32
      %lt3A_207 = arith.cmpi slt, %add3A_206, %select_n3A_8 : i32
      %convert_element_type3A_208 = arith.extui %lt3A_207 : i1 to i32
      %cond3A_209 = arith.constant 0 : i32
      %cond3A_210 = arith.cmpi ne, %convert_element_type3A_208, %cond3A_209 : i32
      scf.if %cond3A_210 {
        %dma_wait3A_288 = arith.constant 0 : i32
        %dma_wait3A_289 = tpu.memref_slice %arg3[%dma_wait3A_288] : memref<327680xi32, #tpu.memory_space<hbm>> -> memref<128xi32, #tpu.memory_space<hbm>>
        %dma_wait3A_290 = arith.constant 0 : i32
        %dma_wait3A_291 = tpu.memref_slice %arg3[%dma_wait3A_290] : memref<327680xi32, #tpu.memory_space<hbm>> -> memref<128xi32, #tpu.memory_space<hbm>>
        tpu.wait_dma2 semaphore(%arg25 : memref<!tpu.dma_semaphore, #tpu.memory_space<semaphore_mem>>) src(%dma_wait3A_291 : memref<128xi32, #tpu.memory_space<hbm>>) dst(%arg13 : memref<128xi32, #tpu.memory_space<vmem>>)
        %dma_wait3A_292 = arith.constant 0 : i32
        %dma_wait3A_293 = tpu.memref_slice %arg3[%dma_wait3A_292] : memref<327680xi32, #tpu.memory_space<hbm>> -> memref<128xi32, #tpu.memory_space<hbm>>
        %dma_wait3A_294 = arith.constant 0 : i32
        %dma_wait3A_295 = tpu.memref_slice %arg3[%dma_wait3A_294] : memref<327680xi32, #tpu.memory_space<hbm>> -> memref<128xi32, #tpu.memory_space<hbm>>
        tpu.wait_dma2 semaphore(%arg25 : memref<!tpu.dma_semaphore, #tpu.memory_space<semaphore_mem>>) src(%dma_wait3A_295 : memref<128xi32, #tpu.memory_space<hbm>>) dst(%arg17 : memref<128xi32, #tpu.memory_space<vmem>>)
        %dma_start3A_296 = arith.constant 1 : i32
        %dma_start3A_297 = arith.constant 0 : i32
        %dma_start3A_298 = arith.constant 0 : i32
        %dma_start3A_299 = tpu.memref_slice %arg9[%dma_start3A_296, %dma_start3A_297, %dma_start3A_298] : memref<2x128x128xf32, #tpu.memory_space<vmem>> -> memref<1x128x128xf32, #tpu.memory_space<vmem>>
        %dma_start3A_300 = tpu.memref_squeeze %dma_start3A_299 : memref<1x128x128xf32, #tpu.memory_space<vmem>> -> memref<128x128xf32, #tpu.memory_space<vmem>>
        %dma_start3A_301 = arith.constant 0 : i32
        %dma_start3A_302 = arith.constant 0 : i32
        %dma_start3A_303 = tpu.memref_slice %arg2[%dma_start3A_301, %dma_start3A_302] : memref<10000x128xf32, #tpu.memory_space<hbm>> -> memref<10000x128xf32, #tpu.memory_space<hbm>>
        tpu.enqueue_indirect_dma source(%dma_start3A_303 : memref<10000x128xf32, #tpu.memory_space<hbm>>) target(%dma_start3A_300 : memref<128x128xf32, #tpu.memory_space<vmem>>) offsets(%arg13 : memref<128xi32, #tpu.memory_space<vmem>>) semaphore(%arg19 : memref<!tpu.dma_semaphore, #tpu.memory_space<semaphore_mem>>)
      } else {
      }
      %add3A_211 = arith.constant 2 : i32
      %add3A_212 = arith.addi %add3A_195, %add3A_211 : i32
      %lt3A_213 = arith.cmpi slt, %add3A_212, %select_n3A_8 : i32
      %convert_element_type3A_214 = arith.extui %lt3A_213 : i1 to i32
      %cond3A_215 = arith.constant 0 : i32
      %cond3A_216 = arith.cmpi ne, %convert_element_type3A_214, %cond3A_215 : i32
      scf.if %cond3A_216 {
        %add3A_288 = arith.constant 2 : i32
        %add3A_289 = arith.addi %add3A_195, %add3A_288 : i32
        %add3A_290 = arith.addi %select_n3A, %add3A_289 : i32
        %mul3A_291 = arith.constant 128 : i32
        %mul3A_292 = arith.muli %add3A_290, %mul3A_291 : i32
        %dma_start3A_293 = tpu.memref_slice %arg3[%mul3A_292] : memref<327680xi32, #tpu.memory_space<hbm>> -> memref<128xi32, #tpu.memory_space<hbm>>
        %dma_start3A_294 = tpu.memref_slice %arg3[%mul3A_292] : memref<327680xi32, #tpu.memory_space<hbm>> -> memref<128xi32, #tpu.memory_space<hbm>>
        tpu.enqueue_dma source(%dma_start3A_294 : memref<128xi32, #tpu.memory_space<hbm>>) target(%arg10 : memref<128xi32, #tpu.memory_space<vmem>>) target_semaphore(%arg22 : memref<!tpu.dma_semaphore, #tpu.memory_space<semaphore_mem>>)
        %dma_start3A_295 = tpu.memref_slice %arg4[%mul3A_292] : memref<327680xi32, #tpu.memory_space<hbm>> -> memref<128xi32, #tpu.memory_space<hbm>>
        %dma_start3A_296 = tpu.memref_slice %arg4[%mul3A_292] : memref<327680xi32, #tpu.memory_space<hbm>> -> memref<128xi32, #tpu.memory_space<hbm>>
        tpu.enqueue_dma source(%dma_start3A_296 : memref<128xi32, #tpu.memory_space<hbm>>) target(%arg14 : memref<128xi32, #tpu.memory_space<vmem>>) target_semaphore(%arg22 : memref<!tpu.dma_semaphore, #tpu.memory_space<semaphore_mem>>)
      } else {
      }
      %dma_wait3A_217 = arith.constant 0 : i32
      %dma_wait3A_218 = arith.constant 0 : i32
      %dma_wait3A_219 = arith.constant 0 : i32
      %dma_wait3A_220 = tpu.memref_slice %arg9[%dma_wait3A_217, %dma_wait3A_218, %dma_wait3A_219] : memref<2x128x128xf32, #tpu.memory_space<vmem>> -> memref<1x128x128xf32, #tpu.memory_space<vmem>>
      %dma_wait3A_221 = tpu.memref_squeeze %dma_wait3A_220 : memref<1x128x128xf32, #tpu.memory_space<vmem>> -> memref<128x128xf32, #tpu.memory_space<vmem>>
      %dma_wait3A_222 = arith.constant 0 : i32
      %dma_wait3A_223 = arith.constant 0 : i32
      %dma_wait3A_224 = tpu.memref_slice %arg2[%dma_wait3A_222, %dma_wait3A_223] : memref<10000x128xf32, #tpu.memory_space<hbm>> -> memref<128x128xf32, #tpu.memory_space<hbm>>
      %dma_wait3A_225 = arith.constant 0 : i32
      %dma_wait3A_226 = arith.constant 0 : i32
      %dma_wait3A_227 = tpu.memref_slice %arg9[%dma_wait3A_217, %dma_wait3A_225, %dma_wait3A_226] : memref<2x128x128xf32, #tpu.memory_space<vmem>> -> memref<1x128x128xf32, #tpu.memory_space<vmem>>
      %dma_wait3A_228 = tpu.memref_squeeze %dma_wait3A_227 : memref<1x128x128xf32, #tpu.memory_space<vmem>> -> memref<128x128xf32, #tpu.memory_space<vmem>>
      %dma_wait3A_229 = arith.constant 0 : i32
      %dma_wait3A_230 = arith.constant 0 : i32
      %dma_wait3A_231 = tpu.memref_slice %arg2[%dma_wait3A_229, %dma_wait3A_230] : memref<10000x128xf32, #tpu.memory_space<hbm>> -> memref<128x128xf32, #tpu.memory_space<hbm>>
      tpu.wait_dma2 semaphore(%arg18 : memref<!tpu.dma_semaphore, #tpu.memory_space<semaphore_mem>>) src(%dma_wait3A_231 : memref<128x128xf32, #tpu.memory_space<hbm>>) dst(%dma_wait3A_228 : memref<128x128xf32, #tpu.memory_space<vmem>>)
      %dma_start3A_232 = arith.constant 0 : i32
      %dma_start3A_233 = arith.constant 0 : i32
      %dma_start3A_234 = arith.constant 0 : i32
      %dma_start3A_235 = tpu.memref_slice %arg9[%dma_start3A_232, %dma_start3A_233, %dma_start3A_234] : memref<2x128x128xf32, #tpu.memory_space<vmem>> -> memref<1x128x128xf32, #tpu.memory_space<vmem>>
      %dma_start3A_236 = tpu.memref_squeeze %dma_start3A_235 : memref<1x128x128xf32, #tpu.memory_space<vmem>> -> memref<128x128xf32, #tpu.memory_space<vmem>>
      %dma_start3A_237 = arith.constant 0 : i32
      %dma_start3A_238 = arith.constant 0 : i32
      %dma_start3A_239 = tpu.memref_slice %arg8[%dma_start3A_237, %dma_start3A_238] : memref<10112x128xf32, #tpu.memory_space<vmem_shared>> -> memref<10112x128xf32, #tpu.memory_space<vmem_shared>>
      tpu.enqueue_indirect_dma source(%dma_start3A_236 : memref<128x128xf32, #tpu.memory_space<vmem>>) target(%dma_start3A_239 : memref<10112x128xf32, #tpu.memory_space<vmem_shared>>) offsets(%arg16 : memref<128xi32, #tpu.memory_space<vmem>>) semaphore(%arg20 : memref<!tpu.dma_semaphore, #tpu.memory_space<semaphore_mem>>) {add = true}
      %mul3A_240 = arith.constant 4 : i32
      %mul3A_241 = arith.muli %while3A_97, %mul3A_240 : i32
      %add3A_242 = arith.constant 3 : i32
      %add3A_243 = arith.addi %mul3A_241, %add3A_242 : i32
      %ge3A_244 = arith.constant 1 : i32
      %ge3A_245 = arith.cmpi sge, %add3A_243, %ge3A_244 : i32
      %add3A_246 = arith.constant 1 : i32
      %add3A_247 = arith.addi %add3A_243, %add3A_246 : i32
      %lt3A_248 = arith.cmpi slt, %add3A_247, %select_n3A_8 : i32
      %and3A_249 = arith.andi %ge3A_245, %lt3A_248 : i1
      %convert_element_type3A_250 = arith.extui %and3A_249 : i1 to i32
      %cond3A_251 = arith.constant 0 : i32
      %cond3A_252 = arith.cmpi ne, %convert_element_type3A_250, %cond3A_251 : i32
      scf.if %cond3A_252 {
        %dma_wait3A_288 = arith.constant 0 : i32
        %dma_wait3A_289 = arith.constant 0 : i32
        %dma_wait3A_290 = arith.constant 0 : i32
        %dma_wait3A_291 = tpu.memref_slice %arg9[%dma_wait3A_288, %dma_wait3A_289, %dma_wait3A_290] : memref<2x128x128xf32, #tpu.memory_space<vmem>> -> memref<1x128x128xf32, #tpu.memory_space<vmem>>
        %dma_wait3A_292 = tpu.memref_squeeze %dma_wait3A_291 : memref<1x128x128xf32, #tpu.memory_space<vmem>> -> memref<128x128xf32, #tpu.memory_space<vmem>>
        %dma_wait3A_293 = arith.constant 0 : i32
        %dma_wait3A_294 = arith.constant 0 : i32
        %dma_wait3A_295 = tpu.memref_slice %arg2[%dma_wait3A_293, %dma_wait3A_294] : memref<10000x128xf32, #tpu.memory_space<hbm>> -> memref<128x128xf32, #tpu.memory_space<hbm>>
        %dma_wait3A_296 = arith.constant 0 : i32
        %dma_wait3A_297 = arith.constant 0 : i32
        %dma_wait3A_298 = tpu.memref_slice %arg9[%dma_wait3A_288, %dma_wait3A_296, %dma_wait3A_297] : memref<2x128x128xf32, #tpu.memory_space<vmem>> -> memref<1x128x128xf32, #tpu.memory_space<vmem>>
        %dma_wait3A_299 = tpu.memref_squeeze %dma_wait3A_298 : memref<1x128x128xf32, #tpu.memory_space<vmem>> -> memref<128x128xf32, #tpu.memory_space<vmem>>
        %dma_wait3A_300 = arith.constant 0 : i32
        %dma_wait3A_301 = arith.constant 0 : i32
        %dma_wait3A_302 = tpu.memref_slice %arg2[%dma_wait3A_300, %dma_wait3A_301] : memref<10000x128xf32, #tpu.memory_space<hbm>> -> memref<128x128xf32, #tpu.memory_space<hbm>>
        tpu.wait_dma2 semaphore(%arg20 : memref<!tpu.dma_semaphore, #tpu.memory_space<semaphore_mem>>) src(%dma_wait3A_302 : memref<128x128xf32, #tpu.memory_space<hbm>>) dst(%dma_wait3A_299 : memref<128x128xf32, #tpu.memory_space<vmem>>)
      } else {
      }
      %add3A_253 = arith.constant 1 : i32
      %add3A_254 = arith.addi %add3A_243, %add3A_253 : i32
      %lt3A_255 = arith.cmpi slt, %add3A_254, %select_n3A_8 : i32
      %convert_element_type3A_256 = arith.extui %lt3A_255 : i1 to i32
      %cond3A_257 = arith.constant 0 : i32
      %cond3A_258 = arith.cmpi ne, %convert_element_type3A_256, %cond3A_257 : i32
      scf.if %cond3A_258 {
        %dma_wait3A_288 = arith.constant 0 : i32
        %dma_wait3A_289 = tpu.memref_slice %arg3[%dma_wait3A_288] : memref<327680xi32, #tpu.memory_space<hbm>> -> memref<128xi32, #tpu.memory_space<hbm>>
        %dma_wait3A_290 = arith.constant 0 : i32
        %dma_wait3A_291 = tpu.memref_slice %arg3[%dma_wait3A_290] : memref<327680xi32, #tpu.memory_space<hbm>> -> memref<128xi32, #tpu.memory_space<hbm>>
        tpu.wait_dma2 semaphore(%arg22 : memref<!tpu.dma_semaphore, #tpu.memory_space<semaphore_mem>>) src(%dma_wait3A_291 : memref<128xi32, #tpu.memory_space<hbm>>) dst(%arg10 : memref<128xi32, #tpu.memory_space<vmem>>)
        %dma_wait3A_292 = arith.constant 0 : i32
        %dma_wait3A_293 = tpu.memref_slice %arg3[%dma_wait3A_292] : memref<327680xi32, #tpu.memory_space<hbm>> -> memref<128xi32, #tpu.memory_space<hbm>>
        %dma_wait3A_294 = arith.constant 0 : i32
        %dma_wait3A_295 = tpu.memref_slice %arg3[%dma_wait3A_294] : memref<327680xi32, #tpu.memory_space<hbm>> -> memref<128xi32, #tpu.memory_space<hbm>>
        tpu.wait_dma2 semaphore(%arg22 : memref<!tpu.dma_semaphore, #tpu.memory_space<semaphore_mem>>) src(%dma_wait3A_295 : memref<128xi32, #tpu.memory_space<hbm>>) dst(%arg14 : memref<128xi32, #tpu.memory_space<vmem>>)
        %dma_start3A_296 = arith.constant 0 : i32
        %dma_start3A_297 = arith.constant 0 : i32
        %dma_start3A_298 = arith.constant 0 : i32
        %dma_start3A_299 = tpu.memref_slice %arg9[%dma_start3A_296, %dma_start3A_297, %dma_start3A_298] : memref<2x128x128xf32, #tpu.memory_space<vmem>> -> memref<1x128x128xf32, #tpu.memory_space<vmem>>
        %dma_start3A_300 = tpu.memref_squeeze %dma_start3A_299 : memref<1x128x128xf32, #tpu.memory_space<vmem>> -> memref<128x128xf32, #tpu.memory_space<vmem>>
        %dma_start3A_301 = arith.constant 0 : i32
        %dma_start3A_302 = arith.constant 0 : i32
        %dma_start3A_303 = tpu.memref_slice %arg2[%dma_start3A_301, %dma_start3A_302] : memref<10000x128xf32, #tpu.memory_space<hbm>> -> memref<10000x128xf32, #tpu.memory_space<hbm>>
        tpu.enqueue_indirect_dma source(%dma_start3A_303 : memref<10000x128xf32, #tpu.memory_space<hbm>>) target(%dma_start3A_300 : memref<128x128xf32, #tpu.memory_space<vmem>>) offsets(%arg10 : memref<128xi32, #tpu.memory_space<vmem>>) semaphore(%arg18 : memref<!tpu.dma_semaphore, #tpu.memory_space<semaphore_mem>>)
      } else {
      }
      %add3A_259 = arith.constant 2 : i32
      %add3A_260 = arith.addi %add3A_243, %add3A_259 : i32
      %lt3A_261 = arith.cmpi slt, %add3A_260, %select_n3A_8 : i32
      %convert_element_type3A_262 = arith.extui %lt3A_261 : i1 to i32
      %cond3A_263 = arith.constant 0 : i32
      %cond3A_264 = arith.cmpi ne, %convert_element_type3A_262, %cond3A_263 : i32
      scf.if %cond3A_264 {
        %add3A_288 = arith.constant 2 : i32
        %add3A_289 = arith.addi %add3A_243, %add3A_288 : i32
        %add3A_290 = arith.addi %select_n3A, %add3A_289 : i32
        %mul3A_291 = arith.constant 128 : i32
        %mul3A_292 = arith.muli %add3A_290, %mul3A_291 : i32
        %dma_start3A_293 = tpu.memref_slice %arg3[%mul3A_292] : memref<327680xi32, #tpu.memory_space<hbm>> -> memref<128xi32, #tpu.memory_space<hbm>>
        %dma_start3A_294 = tpu.memref_slice %arg3[%mul3A_292] : memref<327680xi32, #tpu.memory_space<hbm>> -> memref<128xi32, #tpu.memory_space<hbm>>
        tpu.enqueue_dma source(%dma_start3A_294 : memref<128xi32, #tpu.memory_space<hbm>>) target(%arg11 : memref<128xi32, #tpu.memory_space<vmem>>) target_semaphore(%arg23 : memref<!tpu.dma_semaphore, #tpu.memory_space<semaphore_mem>>)
        %dma_start3A_295 = tpu.memref_slice %arg4[%mul3A_292] : memref<327680xi32, #tpu.memory_space<hbm>> -> memref<128xi32, #tpu.memory_space<hbm>>
        %dma_start3A_296 = tpu.memref_slice %arg4[%mul3A_292] : memref<327680xi32, #tpu.memory_space<hbm>> -> memref<128xi32, #tpu.memory_space<hbm>>
        tpu.enqueue_dma source(%dma_start3A_296 : memref<128xi32, #tpu.memory_space<hbm>>) target(%arg15 : memref<128xi32, #tpu.memory_space<vmem>>) target_semaphore(%arg23 : memref<!tpu.dma_semaphore, #tpu.memory_space<semaphore_mem>>)
      } else {
      }
      %dma_wait3A_265 = arith.constant 1 : i32
      %dma_wait3A_266 = arith.constant 0 : i32
      %dma_wait3A_267 = arith.constant 0 : i32
      %dma_wait3A_268 = tpu.memref_slice %arg9[%dma_wait3A_265, %dma_wait3A_266, %dma_wait3A_267] : memref<2x128x128xf32, #tpu.memory_space<vmem>> -> memref<1x128x128xf32, #tpu.memory_space<vmem>>
      %dma_wait3A_269 = tpu.memref_squeeze %dma_wait3A_268 : memref<1x128x128xf32, #tpu.memory_space<vmem>> -> memref<128x128xf32, #tpu.memory_space<vmem>>
      %dma_wait3A_270 = arith.constant 0 : i32
      %dma_wait3A_271 = arith.constant 0 : i32
      %dma_wait3A_272 = tpu.memref_slice %arg2[%dma_wait3A_270, %dma_wait3A_271] : memref<10000x128xf32, #tpu.memory_space<hbm>> -> memref<128x128xf32, #tpu.memory_space<hbm>>
      %dma_wait3A_273 = arith.constant 0 : i32
      %dma_wait3A_274 = arith.constant 0 : i32
      %dma_wait3A_275 = tpu.memref_slice %arg9[%dma_wait3A_265, %dma_wait3A_273, %dma_wait3A_274] : memref<2x128x128xf32, #tpu.memory_space<vmem>> -> memref<1x128x128xf32, #tpu.memory_space<vmem>>
      %dma_wait3A_276 = tpu.memref_squeeze %dma_wait3A_275 : memref<1x128x128xf32, #tpu.memory_space<vmem>> -> memref<128x128xf32, #tpu.memory_space<vmem>>
      %dma_wait3A_277 = arith.constant 0 : i32
      %dma_wait3A_278 = arith.constant 0 : i32
      %dma_wait3A_279 = tpu.memref_slice %arg2[%dma_wait3A_277, %dma_wait3A_278] : memref<10000x128xf32, #tpu.memory_space<hbm>> -> memref<128x128xf32, #tpu.memory_space<hbm>>
      tpu.wait_dma2 semaphore(%arg19 : memref<!tpu.dma_semaphore, #tpu.memory_space<semaphore_mem>>) src(%dma_wait3A_279 : memref<128x128xf32, #tpu.memory_space<hbm>>) dst(%dma_wait3A_276 : memref<128x128xf32, #tpu.memory_space<vmem>>)
      %dma_start3A_280 = arith.constant 1 : i32
      %dma_start3A_281 = arith.constant 0 : i32
      %dma_start3A_282 = arith.constant 0 : i32
      %dma_start3A_283 = tpu.memref_slice %arg9[%dma_start3A_280, %dma_start3A_281, %dma_start3A_282] : memref<2x128x128xf32, #tpu.memory_space<vmem>> -> memref<1x128x128xf32, #tpu.memory_space<vmem>>
      %dma_start3A_284 = tpu.memref_squeeze %dma_start3A_283 : memref<1x128x128xf32, #tpu.memory_space<vmem>> -> memref<128x128xf32, #tpu.memory_space<vmem>>
      %dma_start3A_285 = arith.constant 0 : i32
      %dma_start3A_286 = arith.constant 0 : i32
      %dma_start3A_287 = tpu.memref_slice %arg8[%dma_start3A_285, %dma_start3A_286] : memref<10112x128xf32, #tpu.memory_space<vmem_shared>> -> memref<10112x128xf32, #tpu.memory_space<vmem_shared>>
      tpu.enqueue_indirect_dma source(%dma_start3A_284 : memref<128x128xf32, #tpu.memory_space<vmem>>) target(%dma_start3A_287 : memref<10112x128xf32, #tpu.memory_space<vmem_shared>>) offsets(%arg17 : memref<128xi32, #tpu.memory_space<vmem>>) semaphore(%arg21 : memref<!tpu.dma_semaphore, #tpu.memory_space<semaphore_mem>>) {add = true}
    }
    %while3A_58 = arith.constant 1 : i32
    scf.for %while3A_97 = %while3A_56 to %while3A_52 step %while3A_58  : i32 {
      %mul3A_98 = arith.constant 4 : i32
      %mul3A_99 = arith.muli %while3A_97, %mul3A_98 : i32
      %add3A_100 = arith.constant 0 : i32
      %add3A_101 = arith.addi %mul3A_99, %add3A_100 : i32
      %ge3A = arith.constant 1 : i32
      %ge3A_102 = arith.cmpi sge, %add3A_101, %ge3A : i32
      %add3A_103 = arith.constant 1 : i32
      %add3A_104 = arith.addi %add3A_101, %add3A_103 : i32
      %lt3A = arith.cmpi slt, %add3A_104, %select_n3A_8 : i32
      %and3A_105 = arith.andi %ge3A_102, %lt3A : i1
      %convert_element_type3A_106 = arith.extui %and3A_105 : i1 to i32
      %cond3A_107 = arith.constant 0 : i32
      %cond3A_108 = arith.cmpi ne, %convert_element_type3A_106, %cond3A_107 : i32
      scf.if %cond3A_108 {
        %dma_wait3A_288 = arith.constant 1 : i32
        %dma_wait3A_289 = arith.constant 0 : i32
        %dma_wait3A_290 = arith.constant 0 : i32
        %dma_wait3A_291 = tpu.memref_slice %arg9[%dma_wait3A_288, %dma_wait3A_289, %dma_wait3A_290] : memref<2x128x128xf32, #tpu.memory_space<vmem>> -> memref<1x128x128xf32, #tpu.memory_space<vmem>>
        %dma_wait3A_292 = tpu.memref_squeeze %dma_wait3A_291 : memref<1x128x128xf32, #tpu.memory_space<vmem>> -> memref<128x128xf32, #tpu.memory_space<vmem>>
        %dma_wait3A_293 = arith.constant 0 : i32
        %dma_wait3A_294 = arith.constant 0 : i32
        %dma_wait3A_295 = tpu.memref_slice %arg2[%dma_wait3A_293, %dma_wait3A_294] : memref<10000x128xf32, #tpu.memory_space<hbm>> -> memref<128x128xf32, #tpu.memory_space<hbm>>
        %dma_wait3A_296 = arith.constant 0 : i32
        %dma_wait3A_297 = arith.constant 0 : i32
        %dma_wait3A_298 = tpu.memref_slice %arg9[%dma_wait3A_288, %dma_wait3A_296, %dma_wait3A_297] : memref<2x128x128xf32, #tpu.memory_space<vmem>> -> memref<1x128x128xf32, #tpu.memory_space<vmem>>
        %dma_wait3A_299 = tpu.memref_squeeze %dma_wait3A_298 : memref<1x128x128xf32, #tpu.memory_space<vmem>> -> memref<128x128xf32, #tpu.memory_space<vmem>>
        %dma_wait3A_300 = arith.constant 0 : i32
        %dma_wait3A_301 = arith.constant 0 : i32
        %dma_wait3A_302 = tpu.memref_slice %arg2[%dma_wait3A_300, %dma_wait3A_301] : memref<10000x128xf32, #tpu.memory_space<hbm>> -> memref<128x128xf32, #tpu.memory_space<hbm>>
        tpu.wait_dma2 semaphore(%arg21 : memref<!tpu.dma_semaphore, #tpu.memory_space<semaphore_mem>>) src(%dma_wait3A_302 : memref<128x128xf32, #tpu.memory_space<hbm>>) dst(%dma_wait3A_299 : memref<128x128xf32, #tpu.memory_space<vmem>>)
      } else {
      }
      %add3A_109 = arith.constant 1 : i32
      %add3A_110 = arith.addi %add3A_101, %add3A_109 : i32
      %lt3A_111 = arith.cmpi slt, %add3A_110, %select_n3A_8 : i32
      %convert_element_type3A_112 = arith.extui %lt3A_111 : i1 to i32
      %cond3A_113 = arith.constant 0 : i32
      %cond3A_114 = arith.cmpi ne, %convert_element_type3A_112, %cond3A_113 : i32
      scf.if %cond3A_114 {
        %dma_wait3A_288 = arith.constant 0 : i32
        %dma_wait3A_289 = tpu.memref_slice %arg3[%dma_wait3A_288] : memref<327680xi32, #tpu.memory_space<hbm>> -> memref<128xi32, #tpu.memory_space<hbm>>
        %dma_wait3A_290 = arith.constant 0 : i32
        %dma_wait3A_291 = tpu.memref_slice %arg3[%dma_wait3A_290] : memref<327680xi32, #tpu.memory_space<hbm>> -> memref<128xi32, #tpu.memory_space<hbm>>
        tpu.wait_dma2 semaphore(%arg23 : memref<!tpu.dma_semaphore, #tpu.memory_space<semaphore_mem>>) src(%dma_wait3A_291 : memref<128xi32, #tpu.memory_space<hbm>>) dst(%arg11 : memref<128xi32, #tpu.memory_space<vmem>>)
        %dma_wait3A_292 = arith.constant 0 : i32
        %dma_wait3A_293 = tpu.memref_slice %arg3[%dma_wait3A_292] : memref<327680xi32, #tpu.memory_space<hbm>> -> memref<128xi32, #tpu.memory_space<hbm>>
        %dma_wait3A_294 = arith.constant 0 : i32
        %dma_wait3A_295 = tpu.memref_slice %arg3[%dma_wait3A_294] : memref<327680xi32, #tpu.memory_space<hbm>> -> memref<128xi32, #tpu.memory_space<hbm>>
        tpu.wait_dma2 semaphore(%arg23 : memref<!tpu.dma_semaphore, #tpu.memory_space<semaphore_mem>>) src(%dma_wait3A_295 : memref<128xi32, #tpu.memory_space<hbm>>) dst(%arg15 : memref<128xi32, #tpu.memory_space<vmem>>)
        %dma_start3A_296 = arith.constant 1 : i32
        %dma_start3A_297 = arith.constant 0 : i32
        %dma_start3A_298 = arith.constant 0 : i32
        %dma_start3A_299 = tpu.memref_slice %arg9[%dma_start3A_296, %dma_start3A_297, %dma_start3A_298] : memref<2x128x128xf32, #tpu.memory_space<vmem>> -> memref<1x128x128xf32, #tpu.memory_space<vmem>>
        %dma_start3A_300 = tpu.memref_squeeze %dma_start3A_299 : memref<1x128x128xf32, #tpu.memory_space<vmem>> -> memref<128x128xf32, #tpu.memory_space<vmem>>
        %dma_start3A_301 = arith.constant 0 : i32
        %dma_start3A_302 = arith.constant 0 : i32
        %dma_start3A_303 = tpu.memref_slice %arg2[%dma_start3A_301, %dma_start3A_302] : memref<10000x128xf32, #tpu.memory_space<hbm>> -> memref<10000x128xf32, #tpu.memory_space<hbm>>
        tpu.enqueue_indirect_dma source(%dma_start3A_303 : memref<10000x128xf32, #tpu.memory_space<hbm>>) target(%dma_start3A_300 : memref<128x128xf32, #tpu.memory_space<vmem>>) offsets(%arg11 : memref<128xi32, #tpu.memory_space<vmem>>) semaphore(%arg19 : memref<!tpu.dma_semaphore, #tpu.memory_space<semaphore_mem>>)
      } else {
      }
      %add3A_115 = arith.constant 2 : i32
      %add3A_116 = arith.addi %add3A_101, %add3A_115 : i32
      %lt3A_117 = arith.cmpi slt, %add3A_116, %select_n3A_8 : i32
      %convert_element_type3A_118 = arith.extui %lt3A_117 : i1 to i32
      %cond3A_119 = arith.constant 0 : i32
      %cond3A_120 = arith.cmpi ne, %convert_element_type3A_118, %cond3A_119 : i32
      scf.if %cond3A_120 {
        %add3A_288 = arith.constant 2 : i32
        %add3A_289 = arith.addi %add3A_101, %add3A_288 : i32
        %add3A_290 = arith.addi %select_n3A, %add3A_289 : i32
        %mul3A_291 = arith.constant 128 : i32
        %mul3A_292 = arith.muli %add3A_290, %mul3A_291 : i32
        %dma_start3A_293 = tpu.memref_slice %arg3[%mul3A_292] : memref<327680xi32, #tpu.memory_space<hbm>> -> memref<128xi32, #tpu.memory_space<hbm>>
        %dma_start3A_294 = tpu.memref_slice %arg3[%mul3A_292] : memref<327680xi32, #tpu.memory_space<hbm>> -> memref<128xi32, #tpu.memory_space<hbm>>
        tpu.enqueue_dma source(%dma_start3A_294 : memref<128xi32, #tpu.memory_space<hbm>>) target(%arg12 : memref<128xi32, #tpu.memory_space<vmem>>) target_semaphore(%arg24 : memref<!tpu.dma_semaphore, #tpu.memory_space<semaphore_mem>>)
        %dma_start3A_295 = tpu.memref_slice %arg4[%mul3A_292] : memref<327680xi32, #tpu.memory_space<hbm>> -> memref<128xi32, #tpu.memory_space<hbm>>
        %dma_start3A_296 = tpu.memref_slice %arg4[%mul3A_292] : memref<327680xi32, #tpu.memory_space<hbm>> -> memref<128xi32, #tpu.memory_space<hbm>>
        tpu.enqueue_dma source(%dma_start3A_296 : memref<128xi32, #tpu.memory_space<hbm>>) target(%arg16 : memref<128xi32, #tpu.memory_space<vmem>>) target_semaphore(%arg24 : memref<!tpu.dma_semaphore, #tpu.memory_space<semaphore_mem>>)
      } else {
      }
      %dma_wait3A_121 = arith.constant 0 : i32
      %dma_wait3A_122 = arith.constant 0 : i32
      %dma_wait3A_123 = arith.constant 0 : i32
      %dma_wait3A_124 = tpu.memref_slice %arg9[%dma_wait3A_121, %dma_wait3A_122, %dma_wait3A_123] : memref<2x128x128xf32, #tpu.memory_space<vmem>> -> memref<1x128x128xf32, #tpu.memory_space<vmem>>
      %dma_wait3A_125 = tpu.memref_squeeze %dma_wait3A_124 : memref<1x128x128xf32, #tpu.memory_space<vmem>> -> memref<128x128xf32, #tpu.memory_space<vmem>>
      %dma_wait3A_126 = arith.constant 0 : i32
      %dma_wait3A_127 = arith.constant 0 : i32
      %dma_wait3A_128 = tpu.memref_slice %arg2[%dma_wait3A_126, %dma_wait3A_127] : memref<10000x128xf32, #tpu.memory_space<hbm>> -> memref<128x128xf32, #tpu.memory_space<hbm>>
      %dma_wait3A_129 = arith.constant 0 : i32
      %dma_wait3A_130 = arith.constant 0 : i32
      %dma_wait3A_131 = tpu.memref_slice %arg9[%dma_wait3A_121, %dma_wait3A_129, %dma_wait3A_130] : memref<2x128x128xf32, #tpu.memory_space<vmem>> -> memref<1x128x128xf32, #tpu.memory_space<vmem>>
      %dma_wait3A_132 = tpu.memref_squeeze %dma_wait3A_131 : memref<1x128x128xf32, #tpu.memory_space<vmem>> -> memref<128x128xf32, #tpu.memory_space<vmem>>
      %dma_wait3A_133 = arith.constant 0 : i32
      %dma_wait3A_134 = arith.constant 0 : i32
      %dma_wait3A_135 = tpu.memref_slice %arg2[%dma_wait3A_133, %dma_wait3A_134] : memref<10000x128xf32, #tpu.memory_space<hbm>> -> memref<128x128xf32, #tpu.memory_space<hbm>>
      tpu.wait_dma2 semaphore(%arg18 : memref<!tpu.dma_semaphore, #tpu.memory_space<semaphore_mem>>) src(%dma_wait3A_135 : memref<128x128xf32, #tpu.memory_space<hbm>>) dst(%dma_wait3A_132 : memref<128x128xf32, #tpu.memory_space<vmem>>)
      %dma_start3A_136 = arith.constant 0 : i32
      %dma_start3A_137 = arith.constant 0 : i32
      %dma_start3A_138 = arith.constant 0 : i32
      %dma_start3A_139 = tpu.memref_slice %arg9[%dma_start3A_136, %dma_start3A_137, %dma_start3A_138] : memref<2x128x128xf32, #tpu.memory_space<vmem>> -> memref<1x128x128xf32, #tpu.memory_space<vmem>>
      %dma_start3A_140 = tpu.memref_squeeze %dma_start3A_139 : memref<1x128x128xf32, #tpu.memory_space<vmem>> -> memref<128x128xf32, #tpu.memory_space<vmem>>
      %dma_start3A_141 = arith.constant 0 : i32
      %dma_start3A_142 = arith.constant 0 : i32
      %dma_start3A_143 = tpu.memref_slice %arg8[%dma_start3A_141, %dma_start3A_142] : memref<10112x128xf32, #tpu.memory_space<vmem_shared>> -> memref<10112x128xf32, #tpu.memory_space<vmem_shared>>
      tpu.enqueue_indirect_dma source(%dma_start3A_140 : memref<128x128xf32, #tpu.memory_space<vmem>>) target(%dma_start3A_143 : memref<10112x128xf32, #tpu.memory_space<vmem_shared>>) offsets(%arg14 : memref<128xi32, #tpu.memory_space<vmem>>) semaphore(%arg20 : memref<!tpu.dma_semaphore, #tpu.memory_space<semaphore_mem>>) {add = true}
      %mul3A_144 = arith.constant 4 : i32
      %mul3A_145 = arith.muli %while3A_97, %mul3A_144 : i32
      %add3A_146 = arith.constant 1 : i32
      %add3A_147 = arith.addi %mul3A_145, %add3A_146 : i32
      %ge3A_148 = arith.constant 1 : i32
      %ge3A_149 = arith.cmpi sge, %add3A_147, %ge3A_148 : i32
      %add3A_150 = arith.constant 1 : i32
      %add3A_151 = arith.addi %add3A_147, %add3A_150 : i32
      %lt3A_152 = arith.cmpi slt, %add3A_151, %select_n3A_8 : i32
      %and3A_153 = arith.andi %ge3A_149, %lt3A_152 : i1
      %convert_element_type3A_154 = arith.extui %and3A_153 : i1 to i32
      %cond3A_155 = arith.constant 0 : i32
      %cond3A_156 = arith.cmpi ne, %convert_element_type3A_154, %cond3A_155 : i32
      scf.if %cond3A_156 {
        %dma_wait3A_288 = arith.constant 0 : i32
        %dma_wait3A_289 = arith.constant 0 : i32
        %dma_wait3A_290 = arith.constant 0 : i32
        %dma_wait3A_291 = tpu.memref_slice %arg9[%dma_wait3A_288, %dma_wait3A_289, %dma_wait3A_290] : memref<2x128x128xf32, #tpu.memory_space<vmem>> -> memref<1x128x128xf32, #tpu.memory_space<vmem>>
        %dma_wait3A_292 = tpu.memref_squeeze %dma_wait3A_291 : memref<1x128x128xf32, #tpu.memory_space<vmem>> -> memref<128x128xf32, #tpu.memory_space<vmem>>
        %dma_wait3A_293 = arith.constant 0 : i32
        %dma_wait3A_294 = arith.constant 0 : i32
        %dma_wait3A_295 = tpu.memref_slice %arg2[%dma_wait3A_293, %dma_wait3A_294] : memref<10000x128xf32, #tpu.memory_space<hbm>> -> memref<128x128xf32, #tpu.memory_space<hbm>>
        %dma_wait3A_296 = arith.constant 0 : i32
        %dma_wait3A_297 = arith.constant 0 : i32
        %dma_wait3A_298 = tpu.memref_slice %arg9[%dma_wait3A_288, %dma_wait3A_296, %dma_wait3A_297] : memref<2x128x128xf32, #tpu.memory_space<vmem>> -> memref<1x128x128xf32, #tpu.memory_space<vmem>>
        %dma_wait3A_299 = tpu.memref_squeeze %dma_wait3A_298 : memref<1x128x128xf32, #tpu.memory_space<vmem>> -> memref<128x128xf32, #tpu.memory_space<vmem>>
        %dma_wait3A_300 = arith.constant 0 : i32
        %dma_wait3A_301 = arith.constant 0 : i32
        %dma_wait3A_302 = tpu.memref_slice %arg2[%dma_wait3A_300, %dma_wait3A_301] : memref<10000x128xf32, #tpu.memory_space<hbm>> -> memref<128x128xf32, #tpu.memory_space<hbm>>
        tpu.wait_dma2 semaphore(%arg20 : memref<!tpu.dma_semaphore, #tpu.memory_space<semaphore_mem>>) src(%dma_wait3A_302 : memref<128x128xf32, #tpu.memory_space<hbm>>) dst(%dma_wait3A_299 : memref<128x128xf32, #tpu.memory_space<vmem>>)
      } else {
      }
      %add3A_157 = arith.constant 1 : i32
      %add3A_158 = arith.addi %add3A_147, %add3A_157 : i32
      %lt3A_159 = arith.cmpi slt, %add3A_158, %select_n3A_8 : i32
      %convert_element_type3A_160 = arith.extui %lt3A_159 : i1 to i32
      %cond3A_161 = arith.constant 0 : i32
      %cond3A_162 = arith.cmpi ne, %convert_element_type3A_160, %cond3A_161 : i32
      scf.if %cond3A_162 {
        %dma_wait3A_288 = arith.constant 0 : i32
        %dma_wait3A_289 = tpu.memref_slice %arg3[%dma_wait3A_288] : memref<327680xi32, #tpu.memory_space<hbm>> -> memref<128xi32, #tpu.memory_space<hbm>>
        %dma_wait3A_290 = arith.constant 0 : i32
        %dma_wait3A_291 = tpu.memref_slice %arg3[%dma_wait3A_290] : memref<327680xi32, #tpu.memory_space<hbm>> -> memref<128xi32, #tpu.memory_space<hbm>>
        tpu.wait_dma2 semaphore(%arg24 : memref<!tpu.dma_semaphore, #tpu.memory_space<semaphore_mem>>) src(%dma_wait3A_291 : memref<128xi32, #tpu.memory_space<hbm>>) dst(%arg12 : memref<128xi32, #tpu.memory_space<vmem>>)
        %dma_wait3A_292 = arith.constant 0 : i32
        %dma_wait3A_293 = tpu.memref_slice %arg3[%dma_wait3A_292] : memref<327680xi32, #tpu.memory_space<hbm>> -> memref<128xi32, #tpu.memory_space<hbm>>
        %dma_wait3A_294 = arith.constant 0 : i32
        %dma_wait3A_295 = tpu.memref_slice %arg3[%dma_wait3A_294] : memref<327680xi32, #tpu.memory_space<hbm>> -> memref<128xi32, #tpu.memory_space<hbm>>
        tpu.wait_dma2 semaphore(%arg24 : memref<!tpu.dma_semaphore, #tpu.memory_space<semaphore_mem>>) src(%dma_wait3A_295 : memref<128xi32, #tpu.memory_space<hbm>>) dst(%arg16 : memref<128xi32, #tpu.memory_space<vmem>>)
        %dma_start3A_296 = arith.constant 0 : i32
        %dma_start3A_297 = arith.constant 0 : i32
        %dma_start3A_298 = arith.constant 0 : i32
        %dma_start3A_299 = tpu.memref_slice %arg9[%dma_start3A_296, %dma_start3A_297, %dma_start3A_298] : memref<2x128x128xf32, #tpu.memory_space<vmem>> -> memref<1x128x128xf32, #tpu.memory_space<vmem>>
        %dma_start3A_300 = tpu.memref_squeeze %dma_start3A_299 : memref<1x128x128xf32, #tpu.memory_space<vmem>> -> memref<128x128xf32, #tpu.memory_space<vmem>>
        %dma_start3A_301 = arith.constant 0 : i32
        %dma_start3A_302 = arith.constant 0 : i32
        %dma_start3A_303 = tpu.memref_slice %arg2[%dma_start3A_301, %dma_start3A_302] : memref<10000x128xf32, #tpu.memory_space<hbm>> -> memref<10000x128xf32, #tpu.memory_space<hbm>>
        tpu.enqueue_indirect_dma source(%dma_start3A_303 : memref<10000x128xf32, #tpu.memory_space<hbm>>) target(%dma_start3A_300 : memref<128x128xf32, #tpu.memory_space<vmem>>) offsets(%arg12 : memref<128xi32, #tpu.memory_space<vmem>>) semaphore(%arg18 : memref<!tpu.dma_semaphore, #tpu.memory_space<semaphore_mem>>)
      } else {
      }
      %add3A_163 = arith.constant 2 : i32
      %add3A_164 = arith.addi %add3A_147, %add3A_163 : i32
      %lt3A_165 = arith.cmpi slt, %add3A_164, %select_n3A_8 : i32
      %convert_element_type3A_166 = arith.extui %lt3A_165 : i1 to i32
      %cond3A_167 = arith.constant 0 : i32
      %cond3A_168 = arith.cmpi ne, %convert_element_type3A_166, %cond3A_167 : i32
      scf.if %cond3A_168 {
        %add3A_288 = arith.constant 2 : i32
        %add3A_289 = arith.addi %add3A_147, %add3A_288 : i32
        %add3A_290 = arith.addi %select_n3A, %add3A_289 : i32
        %mul3A_291 = arith.constant 128 : i32
        %mul3A_292 = arith.muli %add3A_290, %mul3A_291 : i32
        %dma_start3A_293 = tpu.memref_slice %arg3[%mul3A_292] : memref<327680xi32, #tpu.memory_space<hbm>> -> memref<128xi32, #tpu.memory_space<hbm>>
        %dma_start3A_294 = tpu.memref_slice %arg3[%mul3A_292] : memref<327680xi32, #tpu.memory_space<hbm>> -> memref<128xi32, #tpu.memory_space<hbm>>
        tpu.enqueue_dma source(%dma_start3A_294 : memref<128xi32, #tpu.memory_space<hbm>>) target(%arg13 : memref<128xi32, #tpu.memory_space<vmem>>) target_semaphore(%arg25 : memref<!tpu.dma_semaphore, #tpu.memory_space<semaphore_mem>>)
        %dma_start3A_295 = tpu.memref_slice %arg4[%mul3A_292] : memref<327680xi32, #tpu.memory_space<hbm>> -> memref<128xi32, #tpu.memory_space<hbm>>
        %dma_start3A_296 = tpu.memref_slice %arg4[%mul3A_292] : memref<327680xi32, #tpu.memory_space<hbm>> -> memref<128xi32, #tpu.memory_space<hbm>>
        tpu.enqueue_dma source(%dma_start3A_296 : memref<128xi32, #tpu.memory_space<hbm>>) target(%arg17 : memref<128xi32, #tpu.memory_space<vmem>>) target_semaphore(%arg25 : memref<!tpu.dma_semaphore, #tpu.memory_space<semaphore_mem>>)
      } else {
      }
      %dma_wait3A_169 = arith.constant 1 : i32
      %dma_wait3A_170 = arith.constant 0 : i32
      %dma_wait3A_171 = arith.constant 0 : i32
      %dma_wait3A_172 = tpu.memref_slice %arg9[%dma_wait3A_169, %dma_wait3A_170, %dma_wait3A_171] : memref<2x128x128xf32, #tpu.memory_space<vmem>> -> memref<1x128x128xf32, #tpu.memory_space<vmem>>
      %dma_wait3A_173 = tpu.memref_squeeze %dma_wait3A_172 : memref<1x128x128xf32, #tpu.memory_space<vmem>> -> memref<128x128xf32, #tpu.memory_space<vmem>>
      %dma_wait3A_174 = arith.constant 0 : i32
      %dma_wait3A_175 = arith.constant 0 : i32
      %dma_wait3A_176 = tpu.memref_slice %arg2[%dma_wait3A_174, %dma_wait3A_175] : memref<10000x128xf32, #tpu.memory_space<hbm>> -> memref<128x128xf32, #tpu.memory_space<hbm>>
      %dma_wait3A_177 = arith.constant 0 : i32
      %dma_wait3A_178 = arith.constant 0 : i32
      %dma_wait3A_179 = tpu.memref_slice %arg9[%dma_wait3A_169, %dma_wait3A_177, %dma_wait3A_178] : memref<2x128x128xf32, #tpu.memory_space<vmem>> -> memref<1x128x128xf32, #tpu.memory_space<vmem>>
      %dma_wait3A_180 = tpu.memref_squeeze %dma_wait3A_179 : memref<1x128x128xf32, #tpu.memory_space<vmem>> -> memref<128x128xf32, #tpu.memory_space<vmem>>
      %dma_wait3A_181 = arith.constant 0 : i32
      %dma_wait3A_182 = arith.constant 0 : i32
      %dma_wait3A_183 = tpu.memref_slice %arg2[%dma_wait3A_181, %dma_wait3A_182] : memref<10000x128xf32, #tpu.memory_space<hbm>> -> memref<128x128xf32, #tpu.memory_space<hbm>>
      tpu.wait_dma2 semaphore(%arg19 : memref<!tpu.dma_semaphore, #tpu.memory_space<semaphore_mem>>) src(%dma_wait3A_183 : memref<128x128xf32, #tpu.memory_space<hbm>>) dst(%dma_wait3A_180 : memref<128x128xf32, #tpu.memory_space<vmem>>)
      %dma_start3A_184 = arith.constant 1 : i32
      %dma_start3A_185 = arith.constant 0 : i32
      %dma_start3A_186 = arith.constant 0 : i32
      %dma_start3A_187 = tpu.memref_slice %arg9[%dma_start3A_184, %dma_start3A_185, %dma_start3A_186] : memref<2x128x128xf32, #tpu.memory_space<vmem>> -> memref<1x128x128xf32, #tpu.memory_space<vmem>>
      %dma_start3A_188 = tpu.memref_squeeze %dma_start3A_187 : memref<1x128x128xf32, #tpu.memory_space<vmem>> -> memref<128x128xf32, #tpu.memory_space<vmem>>
      %dma_start3A_189 = arith.constant 0 : i32
      %dma_start3A_190 = arith.constant 0 : i32
      %dma_start3A_191 = tpu.memref_slice %arg8[%dma_start3A_189, %dma_start3A_190] : memref<10112x128xf32, #tpu.memory_space<vmem_shared>> -> memref<10112x128xf32, #tpu.memory_space<vmem_shared>>
      tpu.enqueue_indirect_dma source(%dma_start3A_188 : memref<128x128xf32, #tpu.memory_space<vmem>>) target(%dma_start3A_191 : memref<10112x128xf32, #tpu.memory_space<vmem_shared>>) offsets(%arg15 : memref<128xi32, #tpu.memory_space<vmem>>) semaphore(%arg21 : memref<!tpu.dma_semaphore, #tpu.memory_space<semaphore_mem>>) {add = true}
      %mul3A_192 = arith.constant 4 : i32
      %mul3A_193 = arith.muli %while3A_97, %mul3A_192 : i32
      %add3A_194 = arith.constant 2 : i32
      %add3A_195 = arith.addi %mul3A_193, %add3A_194 : i32
      %ge3A_196 = arith.constant 1 : i32
      %ge3A_197 = arith.cmpi sge, %add3A_195, %ge3A_196 : i32
      %add3A_198 = arith.constant 1 : i32
      %add3A_199 = arith.addi %add3A_195, %add3A_198 : i32
      %lt3A_200 = arith.cmpi slt, %add3A_199, %select_n3A_8 : i32
      %and3A_201 = arith.andi %ge3A_197, %lt3A_200 : i1
      %convert_element_type3A_202 = arith.extui %and3A_201 : i1 to i32
      %cond3A_203 = arith.constant 0 : i32
      %cond3A_204 = arith.cmpi ne, %convert_element_type3A_202, %cond3A_203 : i32
      scf.if %cond3A_204 {
        %dma_wait3A_288 = arith.constant 1 : i32
        %dma_wait3A_289 = arith.constant 0 : i32
        %dma_wait3A_290 = arith.constant 0 : i32
        %dma_wait3A_291 = tpu.memref_slice %arg9[%dma_wait3A_288, %dma_wait3A_289, %dma_wait3A_290] : memref<2x128x128xf32, #tpu.memory_space<vmem>> -> memref<1x128x128xf32, #tpu.memory_space<vmem>>
        %dma_wait3A_292 = tpu.memref_squeeze %dma_wait3A_291 : memref<1x128x128xf32, #tpu.memory_space<vmem>> -> memref<128x128xf32, #tpu.memory_space<vmem>>
        %dma_wait3A_293 = arith.constant 0 : i32
        %dma_wait3A_294 = arith.constant 0 : i32
        %dma_wait3A_295 = tpu.memref_slice %arg2[%dma_wait3A_293, %dma_wait3A_294] : memref<10000x128xf32, #tpu.memory_space<hbm>> -> memref<128x128xf32, #tpu.memory_space<hbm>>
        %dma_wait3A_296 = arith.constant 0 : i32
        %dma_wait3A_297 = arith.constant 0 : i32
        %dma_wait3A_298 = tpu.memref_slice %arg9[%dma_wait3A_288, %dma_wait3A_296, %dma_wait3A_297] : memref<2x128x128xf32, #tpu.memory_space<vmem>> -> memref<1x128x128xf32, #tpu.memory_space<vmem>>
        %dma_wait3A_299 = tpu.memref_squeeze %dma_wait3A_298 : memref<1x128x128xf32, #tpu.memory_space<vmem>> -> memref<128x128xf32, #tpu.memory_space<vmem>>
        %dma_wait3A_300 = arith.constant 0 : i32
        %dma_wait3A_301 = arith.constant 0 : i32
        %dma_wait3A_302 = tpu.memref_slice %arg2[%dma_wait3A_300, %dma_wait3A_301] : memref<10000x128xf32, #tpu.memory_space<hbm>> -> memref<128x128xf32, #tpu.memory_space<hbm>>
        tpu.wait_dma2 semaphore(%arg21 : memref<!tpu.dma_semaphore, #tpu.memory_space<semaphore_mem>>) src(%dma_wait3A_302 : memref<128x128xf32, #tpu.memory_space<hbm>>) dst(%dma_wait3A_299 : memref<128x128xf32, #tpu.memory_space<vmem>>)
      } else {
      }
      %add3A_205 = arith.constant 1 : i32
      %add3A_206 = arith.addi %add3A_195, %add3A_205 : i32
      %lt3A_207 = arith.cmpi slt, %add3A_206, %select_n3A_8 : i32
      %convert_element_type3A_208 = arith.extui %lt3A_207 : i1 to i32
      %cond3A_209 = arith.constant 0 : i32
      %cond3A_210 = arith.cmpi ne, %convert_element_type3A_208, %cond3A_209 : i32
      scf.if %cond3A_210 {
        %dma_wait3A_288 = arith.constant 0 : i32
        %dma_wait3A_289 = tpu.memref_slice %arg3[%dma_wait3A_288] : memref<327680xi32, #tpu.memory_space<hbm>> -> memref<128xi32, #tpu.memory_space<hbm>>
        %dma_wait3A_290 = arith.constant 0 : i32
        %dma_wait3A_291 = tpu.memref_slice %arg3[%dma_wait3A_290] : memref<327680xi32, #tpu.memory_space<hbm>> -> memref<128xi32, #tpu.memory_space<hbm>>
        tpu.wait_dma2 semaphore(%arg25 : memref<!tpu.dma_semaphore, #tpu.memory_space<semaphore_mem>>) src(%dma_wait3A_291 : memref<128xi32, #tpu.memory_space<hbm>>) dst(%arg13 : memref<128xi32, #tpu.memory_space<vmem>>)
        %dma_wait3A_292 = arith.constant 0 : i32
        %dma_wait3A_293 = tpu.memref_slice %arg3[%dma_wait3A_292] : memref<327680xi32, #tpu.memory_space<hbm>> -> memref<128xi32, #tpu.memory_space<hbm>>
        %dma_wait3A_294 = arith.constant 0 : i32
        %dma_wait3A_295 = tpu.memref_slice %arg3[%dma_wait3A_294] : memref<327680xi32, #tpu.memory_space<hbm>> -> memref<128xi32, #tpu.memory_space<hbm>>
        tpu.wait_dma2 semaphore(%arg25 : memref<!tpu.dma_semaphore, #tpu.memory_space<semaphore_mem>>) src(%dma_wait3A_295 : memref<128xi32, #tpu.memory_space<hbm>>) dst(%arg17 : memref<128xi32, #tpu.memory_space<vmem>>)
        %dma_start3A_296 = arith.constant 1 : i32
        %dma_start3A_297 = arith.constant 0 : i32
        %dma_start3A_298 = arith.constant 0 : i32
        %dma_start3A_299 = tpu.memref_slice %arg9[%dma_start3A_296, %dma_start3A_297, %dma_start3A_298] : memref<2x128x128xf32, #tpu.memory_space<vmem>> -> memref<1x128x128xf32, #tpu.memory_space<vmem>>
        %dma_start3A_300 = tpu.memref_squeeze %dma_start3A_299 : memref<1x128x128xf32, #tpu.memory_space<vmem>> -> memref<128x128xf32, #tpu.memory_space<vmem>>
        %dma_start3A_301 = arith.constant 0 : i32
        %dma_start3A_302 = arith.constant 0 : i32
        %dma_start3A_303 = tpu.memref_slice %arg2[%dma_start3A_301, %dma_start3A_302] : memref<10000x128xf32, #tpu.memory_space<hbm>> -> memref<10000x128xf32, #tpu.memory_space<hbm>>
        tpu.enqueue_indirect_dma source(%dma_start3A_303 : memref<10000x128xf32, #tpu.memory_space<hbm>>) target(%dma_start3A_300 : memref<128x128xf32, #tpu.memory_space<vmem>>) offsets(%arg13 : memref<128xi32, #tpu.memory_space<vmem>>) semaphore(%arg19 : memref<!tpu.dma_semaphore, #tpu.memory_space<semaphore_mem>>)
      } else {
      }
      %add3A_211 = arith.constant 2 : i32
      %add3A_212 = arith.addi %add3A_195, %add3A_211 : i32
      %lt3A_213 = arith.cmpi slt, %add3A_212, %select_n3A_8 : i32
      %convert_element_type3A_214 = arith.extui %lt3A_213 : i1 to i32
      %cond3A_215 = arith.constant 0 : i32
      %cond3A_216 = arith.cmpi ne, %convert_element_type3A_214, %cond3A_215 : i32
      scf.if %cond3A_216 {
        %add3A_288 = arith.constant 2 : i32
        %add3A_289 = arith.addi %add3A_195, %add3A_288 : i32
        %add3A_290 = arith.addi %select_n3A, %add3A_289 : i32
        %mul3A_291 = arith.constant 128 : i32
        %mul3A_292 = arith.muli %add3A_290, %mul3A_291 : i32
        %dma_start3A_293 = tpu.memref_slice %arg3[%mul3A_292] : memref<327680xi32, #tpu.memory_space<hbm>> -> memref<128xi32, #tpu.memory_space<hbm>>
        %dma_start3A_294 = tpu.memref_slice %arg3[%mul3A_292] : memref<327680xi32, #tpu.memory_space<hbm>> -> memref<128xi32, #tpu.memory_space<hbm>>
        tpu.enqueue_dma source(%dma_start3A_294 : memref<128xi32, #tpu.memory_space<hbm>>) target(%arg10 : memref<128xi32, #tpu.memory_space<vmem>>) target_semaphore(%arg22 : memref<!tpu.dma_semaphore, #tpu.memory_space<semaphore_mem>>)
        %dma_start3A_295 = tpu.memref_slice %arg4[%mul3A_292] : memref<327680xi32, #tpu.memory_space<hbm>> -> memref<128xi32, #tpu.memory_space<hbm>>
        %dma_start3A_296 = tpu.memref_slice %arg4[%mul3A_292] : memref<327680xi32, #tpu.memory_space<hbm>> -> memref<128xi32, #tpu.memory_space<hbm>>
        tpu.enqueue_dma source(%dma_start3A_296 : memref<128xi32, #tpu.memory_space<hbm>>) target(%arg14 : memref<128xi32, #tpu.memory_space<vmem>>) target_semaphore(%arg22 : memref<!tpu.dma_semaphore, #tpu.memory_space<semaphore_mem>>)
      } else {
      }
      %dma_wait3A_217 = arith.constant 0 : i32
      %dma_wait3A_218 = arith.constant 0 : i32
      %dma_wait3A_219 = arith.constant 0 : i32
      %dma_wait3A_220 = tpu.memref_slice %arg9[%dma_wait3A_217, %dma_wait3A_218, %dma_wait3A_219] : memref<2x128x128xf32, #tpu.memory_space<vmem>> -> memref<1x128x128xf32, #tpu.memory_space<vmem>>
      %dma_wait3A_221 = tpu.memref_squeeze %dma_wait3A_220 : memref<1x128x128xf32, #tpu.memory_space<vmem>> -> memref<128x128xf32, #tpu.memory_space<vmem>>
      %dma_wait3A_222 = arith.constant 0 : i32
      %dma_wait3A_223 = arith.constant 0 : i32
      %dma_wait3A_224 = tpu.memref_slice %arg2[%dma_wait3A_222, %dma_wait3A_223] : memref<10000x128xf32, #tpu.memory_space<hbm>> -> memref<128x128xf32, #tpu.memory_space<hbm>>
      %dma_wait3A_225 = arith.constant 0 : i32
      %dma_wait3A_226 = arith.constant 0 : i32
      %dma_wait3A_227 = tpu.memref_slice %arg9[%dma_wait3A_217, %dma_wait3A_225, %dma_wait3A_226] : memref<2x128x128xf32, #tpu.memory_space<vmem>> -> memref<1x128x128xf32, #tpu.memory_space<vmem>>
      %dma_wait3A_228 = tpu.memref_squeeze %dma_wait3A_227 : memref<1x128x128xf32, #tpu.memory_space<vmem>> -> memref<128x128xf32, #tpu.memory_space<vmem>>
      %dma_wait3A_229 = arith.constant 0 : i32
      %dma_wait3A_230 = arith.constant 0 : i32
      %dma_wait3A_231 = tpu.memref_slice %arg2[%dma_wait3A_229, %dma_wait3A_230] : memref<10000x128xf32, #tpu.memory_space<hbm>> -> memref<128x128xf32, #tpu.memory_space<hbm>>
      tpu.wait_dma2 semaphore(%arg18 : memref<!tpu.dma_semaphore, #tpu.memory_space<semaphore_mem>>) src(%dma_wait3A_231 : memref<128x128xf32, #tpu.memory_space<hbm>>) dst(%dma_wait3A_228 : memref<128x128xf32, #tpu.memory_space<vmem>>)
      %dma_start3A_232 = arith.constant 0 : i32
      %dma_start3A_233 = arith.constant 0 : i32
      %dma_start3A_234 = arith.constant 0 : i32
      %dma_start3A_235 = tpu.memref_slice %arg9[%dma_start3A_232, %dma_start3A_233, %dma_start3A_234] : memref<2x128x128xf32, #tpu.memory_space<vmem>> -> memref<1x128x128xf32, #tpu.memory_space<vmem>>
      %dma_start3A_236 = tpu.memref_squeeze %dma_start3A_235 : memref<1x128x128xf32, #tpu.memory_space<vmem>> -> memref<128x128xf32, #tpu.memory_space<vmem>>
      %dma_start3A_237 = arith.constant 0 : i32
      %dma_start3A_238 = arith.constant 0 : i32
      %dma_start3A_239 = tpu.memref_slice %arg8[%dma_start3A_237, %dma_start3A_238] : memref<10112x128xf32, #tpu.memory_space<vmem_shared>> -> memref<10112x128xf32, #tpu.memory_space<vmem_shared>>
      tpu.enqueue_indirect_dma source(%dma_start3A_236 : memref<128x128xf32, #tpu.memory_space<vmem>>) target(%dma_start3A_239 : memref<10112x128xf32, #tpu.memory_space<vmem_shared>>) offsets(%arg16 : memref<128xi32, #tpu.memory_space<vmem>>) semaphore(%arg20 : memref<!tpu.dma_semaphore, #tpu.memory_space<semaphore_mem>>) {add = true}
      %mul3A_240 = arith.constant 4 : i32
      %mul3A_241 = arith.muli %while3A_97, %mul3A_240 : i32
      %add3A_242 = arith.constant 3 : i32
      %add3A_243 = arith.addi %mul3A_241, %add3A_242 : i32
      %ge3A_244 = arith.constant 1 : i32
      %ge3A_245 = arith.cmpi sge, %add3A_243, %ge3A_244 : i32
      %add3A_246 = arith.constant 1 : i32
      %add3A_247 = arith.addi %add3A_243, %add3A_246 : i32
      %lt3A_248 = arith.cmpi slt, %add3A_247, %select_n3A_8 : i32
      %and3A_249 = arith.andi %ge3A_245, %lt3A_248 : i1
      %convert_element_type3A_250 = arith.extui %and3A_249 : i1 to i32
      %cond3A_251 = arith.constant 0 : i32
      %cond3A_252 = arith.cmpi ne, %convert_element_type3A_250, %cond3A_251 : i32
      scf.if %cond3A_252 {
        %dma_wait3A_288 = arith.constant 0 : i32
        %dma_wait3A_289 = arith.constant 0 : i32
        %dma_wait3A_290 = arith.constant 0 : i32
        %dma_wait3A_291 = tpu.memref_slice %arg9[%dma_wait3A_288, %dma_wait3A_289, %dma_wait3A_290] : memref<2x128x128xf32, #tpu.memory_space<vmem>> -> memref<1x128x128xf32, #tpu.memory_space<vmem>>
        %dma_wait3A_292 = tpu.memref_squeeze %dma_wait3A_291 : memref<1x128x128xf32, #tpu.memory_space<vmem>> -> memref<128x128xf32, #tpu.memory_space<vmem>>
        %dma_wait3A_293 = arith.constant 0 : i32
        %dma_wait3A_294 = arith.constant 0 : i32
        %dma_wait3A_295 = tpu.memref_slice %arg2[%dma_wait3A_293, %dma_wait3A_294] : memref<10000x128xf32, #tpu.memory_space<hbm>> -> memref<128x128xf32, #tpu.memory_space<hbm>>
        %dma_wait3A_296 = arith.constant 0 : i32
        %dma_wait3A_297 = arith.constant 0 : i32
        %dma_wait3A_298 = tpu.memref_slice %arg9[%dma_wait3A_288, %dma_wait3A_296, %dma_wait3A_297] : memref<2x128x128xf32, #tpu.memory_space<vmem>> -> memref<1x128x128xf32, #tpu.memory_space<vmem>>
        %dma_wait3A_299 = tpu.memref_squeeze %dma_wait3A_298 : memref<1x128x128xf32, #tpu.memory_space<vmem>> -> memref<128x128xf32, #tpu.memory_space<vmem>>
        %dma_wait3A_300 = arith.constant 0 : i32
        %dma_wait3A_301 = arith.constant 0 : i32
        %dma_wait3A_302 = tpu.memref_slice %arg2[%dma_wait3A_300, %dma_wait3A_301] : memref<10000x128xf32, #tpu.memory_space<hbm>> -> memref<128x128xf32, #tpu.memory_space<hbm>>
        tpu.wait_dma2 semaphore(%arg20 : memref<!tpu.dma_semaphore, #tpu.memory_space<semaphore_mem>>) src(%dma_wait3A_302 : memref<128x128xf32, #tpu.memory_space<hbm>>) dst(%dma_wait3A_299 : memref<128x128xf32, #tpu.memory_space<vmem>>)
      } else {
      }
      %add3A_253 = arith.constant 1 : i32
      %add3A_254 = arith.addi %add3A_243, %add3A_253 : i32
      %lt3A_255 = arith.cmpi slt, %add3A_254, %select_n3A_8 : i32
      %convert_element_type3A_256 = arith.extui %lt3A_255 : i1 to i32
      %cond3A_257 = arith.constant 0 : i32
      %cond3A_258 = arith.cmpi ne, %convert_element_type3A_256, %cond3A_257 : i32
      scf.if %cond3A_258 {
        %dma_wait3A_288 = arith.constant 0 : i32
        %dma_wait3A_289 = tpu.memref_slice %arg3[%dma_wait3A_288] : memref<327680xi32, #tpu.memory_space<hbm>> -> memref<128xi32, #tpu.memory_space<hbm>>
        %dma_wait3A_290 = arith.constant 0 : i32
        %dma_wait3A_291 = tpu.memref_slice %arg3[%dma_wait3A_290] : memref<327680xi32, #tpu.memory_space<hbm>> -> memref<128xi32, #tpu.memory_space<hbm>>
        tpu.wait_dma2 semaphore(%arg22 : memref<!tpu.dma_semaphore, #tpu.memory_space<semaphore_mem>>) src(%dma_wait3A_291 : memref<128xi32, #tpu.memory_space<hbm>>) dst(%arg10 : memref<128xi32, #tpu.memory_space<vmem>>)
        %dma_wait3A_292 = arith.constant 0 : i32
        %dma_wait3A_293 = tpu.memref_slice %arg3[%dma_wait3A_292] : memref<327680xi32, #tpu.memory_space<hbm>> -> memref<128xi32, #tpu.memory_space<hbm>>
        %dma_wait3A_294 = arith.constant 0 : i32
        %dma_wait3A_295 = tpu.memref_slice %arg3[%dma_wait3A_294] : memref<327680xi32, #tpu.memory_space<hbm>> -> memref<128xi32, #tpu.memory_space<hbm>>
        tpu.wait_dma2 semaphore(%arg22 : memref<!tpu.dma_semaphore, #tpu.memory_space<semaphore_mem>>) src(%dma_wait3A_295 : memref<128xi32, #tpu.memory_space<hbm>>) dst(%arg14 : memref<128xi32, #tpu.memory_space<vmem>>)
        %dma_start3A_296 = arith.constant 0 : i32
        %dma_start3A_297 = arith.constant 0 : i32
        %dma_start3A_298 = arith.constant 0 : i32
        %dma_start3A_299 = tpu.memref_slice %arg9[%dma_start3A_296, %dma_start3A_297, %dma_start3A_298] : memref<2x128x128xf32, #tpu.memory_space<vmem>> -> memref<1x128x128xf32, #tpu.memory_space<vmem>>
        %dma_start3A_300 = tpu.memref_squeeze %dma_start3A_299 : memref<1x128x128xf32, #tpu.memory_space<vmem>> -> memref<128x128xf32, #tpu.memory_space<vmem>>
        %dma_start3A_301 = arith.constant 0 : i32
        %dma_start3A_302 = arith.constant 0 : i32
        %dma_start3A_303 = tpu.memref_slice %arg2[%dma_start3A_301, %dma_start3A_302] : memref<10000x128xf32, #tpu.memory_space<hbm>> -> memref<10000x128xf32, #tpu.memory_space<hbm>>
        tpu.enqueue_indirect_dma source(%dma_start3A_303 : memref<10000x128xf32, #tpu.memory_space<hbm>>) target(%dma_start3A_300 : memref<128x128xf32, #tpu.memory_space<vmem>>) offsets(%arg10 : memref<128xi32, #tpu.memory_space<vmem>>) semaphore(%arg18 : memref<!tpu.dma_semaphore, #tpu.memory_space<semaphore_mem>>)
      } else {
      }
      %add3A_259 = arith.constant 2 : i32
      %add3A_260 = arith.addi %add3A_243, %add3A_259 : i32
      %lt3A_261 = arith.cmpi slt, %add3A_260, %select_n3A_8 : i32
      %convert_element_type3A_262 = arith.extui %lt3A_261 : i1 to i32
      %cond3A_263 = arith.constant 0 : i32
      %cond3A_264 = arith.cmpi ne, %convert_element_type3A_262, %cond3A_263 : i32
      scf.if %cond3A_264 {
        %add3A_288 = arith.constant 2 : i32
        %add3A_289 = arith.addi %add3A_243, %add3A_288 : i32
        %add3A_290 = arith.addi %select_n3A, %add3A_289 : i32
        %mul3A_291 = arith.constant 128 : i32
        %mul3A_292 = arith.muli %add3A_290, %mul3A_291 : i32
        %dma_start3A_293 = tpu.memref_slice %arg3[%mul3A_292] : memref<327680xi32, #tpu.memory_space<hbm>> -> memref<128xi32, #tpu.memory_space<hbm>>
        %dma_start3A_294 = tpu.memref_slice %arg3[%mul3A_292] : memref<327680xi32, #tpu.memory_space<hbm>> -> memref<128xi32, #tpu.memory_space<hbm>>
        tpu.enqueue_dma source(%dma_start3A_294 : memref<128xi32, #tpu.memory_space<hbm>>) target(%arg11 : memref<128xi32, #tpu.memory_space<vmem>>) target_semaphore(%arg23 : memref<!tpu.dma_semaphore, #tpu.memory_space<semaphore_mem>>)
        %dma_start3A_295 = tpu.memref_slice %arg4[%mul3A_292] : memref<327680xi32, #tpu.memory_space<hbm>> -> memref<128xi32, #tpu.memory_space<hbm>>
        %dma_start3A_296 = tpu.memref_slice %arg4[%mul3A_292] : memref<327680xi32, #tpu.memory_space<hbm>> -> memref<128xi32, #tpu.memory_space<hbm>>
        tpu.enqueue_dma source(%dma_start3A_296 : memref<128xi32, #tpu.memory_space<hbm>>) target(%arg15 : memref<128xi32, #tpu.memory_space<vmem>>) target_semaphore(%arg23 : memref<!tpu.dma_semaphore, #tpu.memory_space<semaphore_mem>>)
      } else {
      }
      %dma_wait3A_265 = arith.constant 1 : i32
      %dma_wait3A_266 = arith.constant 0 : i32
      %dma_wait3A_267 = arith.constant 0 : i32
      %dma_wait3A_268 = tpu.memref_slice %arg9[%dma_wait3A_265, %dma_wait3A_266, %dma_wait3A_267] : memref<2x128x128xf32, #tpu.memory_space<vmem>> -> memref<1x128x128xf32, #tpu.memory_space<vmem>>
      %dma_wait3A_269 = tpu.memref_squeeze %dma_wait3A_268 : memref<1x128x128xf32, #tpu.memory_space<vmem>> -> memref<128x128xf32, #tpu.memory_space<vmem>>
      %dma_wait3A_270 = arith.constant 0 : i32
      %dma_wait3A_271 = arith.constant 0 : i32
      %dma_wait3A_272 = tpu.memref_slice %arg2[%dma_wait3A_270, %dma_wait3A_271] : memref<10000x128xf32, #tpu.memory_space<hbm>> -> memref<128x128xf32, #tpu.memory_space<hbm>>
      %dma_wait3A_273 = arith.constant 0 : i32
      %dma_wait3A_274 = arith.constant 0 : i32
      %dma_wait3A_275 = tpu.memref_slice %arg9[%dma_wait3A_265, %dma_wait3A_273, %dma_wait3A_274] : memref<2x128x128xf32, #tpu.memory_space<vmem>> -> memref<1x128x128xf32, #tpu.memory_space<vmem>>
      %dma_wait3A_276 = tpu.memref_squeeze %dma_wait3A_275 : memref<1x128x128xf32, #tpu.memory_space<vmem>> -> memref<128x128xf32, #tpu.memory_space<vmem>>
      %dma_wait3A_277 = arith.constant 0 : i32
      %dma_wait3A_278 = arith.constant 0 : i32
      %dma_wait3A_279 = tpu.memref_slice %arg2[%dma_wait3A_277, %dma_wait3A_278] : memref<10000x128xf32, #tpu.memory_space<hbm>> -> memref<128x128xf32, #tpu.memory_space<hbm>>
      tpu.wait_dma2 semaphore(%arg19 : memref<!tpu.dma_semaphore, #tpu.memory_space<semaphore_mem>>) src(%dma_wait3A_279 : memref<128x128xf32, #tpu.memory_space<hbm>>) dst(%dma_wait3A_276 : memref<128x128xf32, #tpu.memory_space<vmem>>)
      %dma_start3A_280 = arith.constant 1 : i32
      %dma_start3A_281 = arith.constant 0 : i32
      %dma_start3A_282 = arith.constant 0 : i32
      %dma_start3A_283 = tpu.memref_slice %arg9[%dma_start3A_280, %dma_start3A_281, %dma_start3A_282] : memref<2x128x128xf32, #tpu.memory_space<vmem>> -> memref<1x128x128xf32, #tpu.memory_space<vmem>>
      %dma_start3A_284 = tpu.memref_squeeze %dma_start3A_283 : memref<1x128x128xf32, #tpu.memory_space<vmem>> -> memref<128x128xf32, #tpu.memory_space<vmem>>
      %dma_start3A_285 = arith.constant 0 : i32
      %dma_start3A_286 = arith.constant 0 : i32
      %dma_start3A_287 = tpu.memref_slice %arg8[%dma_start3A_285, %dma_start3A_286] : memref<10112x128xf32, #tpu.memory_space<vmem_shared>> -> memref<10112x128xf32, #tpu.memory_space<vmem_shared>>
      tpu.enqueue_indirect_dma source(%dma_start3A_284 : memref<128x128xf32, #tpu.memory_space<vmem>>) target(%dma_start3A_287 : memref<10112x128xf32, #tpu.memory_space<vmem_shared>>) offsets(%arg17 : memref<128xi32, #tpu.memory_space<vmem>>) semaphore(%arg21 : memref<!tpu.dma_semaphore, #tpu.memory_space<semaphore_mem>>) {add = true}
    }
    %dma_wait3A = arith.constant 0 : i32
    %dma_wait3A_59 = arith.constant 0 : i32
    %dma_wait3A_60 = arith.constant 0 : i32
    %dma_wait3A_61 = tpu.memref_slice %arg9[%dma_wait3A, %dma_wait3A_59, %dma_wait3A_60] : memref<2x128x128xf32, #tpu.memory_space<vmem>> -> memref<1x128x128xf32, #tpu.memory_space<vmem>>
    %dma_wait3A_62 = tpu.memref_squeeze %dma_wait3A_61 : memref<1x128x128xf32, #tpu.memory_space<vmem>> -> memref<128x128xf32, #tpu.memory_space<vmem>>
    %dma_wait3A_63 = arith.constant 0 : i32
    %dma_wait3A_64 = arith.constant 0 : i32
    %dma_wait3A_65 = tpu.memref_slice %arg2[%dma_wait3A_63, %dma_wait3A_64] : memref<10000x128xf32, #tpu.memory_space<hbm>> -> memref<128x128xf32, #tpu.memory_space<hbm>>
    %dma_wait3A_66 = arith.constant 0 : i32
    %dma_wait3A_67 = arith.constant 0 : i32
    %dma_wait3A_68 = tpu.memref_slice %arg9[%dma_wait3A, %dma_wait3A_66, %dma_wait3A_67] : memref<2x128x128xf32, #tpu.memory_space<vmem>> -> memref<1x128x128xf32, #tpu.memory_space<vmem>>
    %dma_wait3A_69 = tpu.memref_squeeze %dma_wait3A_68 : memref<1x128x128xf32, #tpu.memory_space<vmem>> -> memref<128x128xf32, #tpu.memory_space<vmem>>
    %dma_wait3A_70 = arith.constant 0 : i32
    %dma_wait3A_71 = arith.constant 0 : i32
    %dma_wait3A_72 = tpu.memref_slice %arg2[%dma_wait3A_70, %dma_wait3A_71] : memref<10000x128xf32, #tpu.memory_space<hbm>> -> memref<128x128xf32, #tpu.memory_space<hbm>>
    tpu.wait_dma2 semaphore(%arg20 : memref<!tpu.dma_semaphore, #tpu.memory_space<semaphore_mem>>) src(%dma_wait3A_72 : memref<128x128xf32, #tpu.memory_space<hbm>>) dst(%dma_wait3A_69 : memref<128x128xf32, #tpu.memory_space<vmem>>)
    %dma_wait3A_73 = arith.constant 1 : i32
    %dma_wait3A_74 = arith.constant 0 : i32
    %dma_wait3A_75 = arith.constant 0 : i32
    %dma_wait3A_76 = tpu.memref_slice %arg9[%dma_wait3A_73, %dma_wait3A_74, %dma_wait3A_75] : memref<2x128x128xf32, #tpu.memory_space<vmem>> -> memref<1x128x128xf32, #tpu.memory_space<vmem>>
    %dma_wait3A_77 = tpu.memref_squeeze %dma_wait3A_76 : memref<1x128x128xf32, #tpu.memory_space<vmem>> -> memref<128x128xf32, #tpu.memory_space<vmem>>
    %dma_wait3A_78 = arith.constant 0 : i32
    %dma_wait3A_79 = arith.constant 0 : i32
    %dma_wait3A_80 = tpu.memref_slice %arg2[%dma_wait3A_78, %dma_wait3A_79] : memref<10000x128xf32, #tpu.memory_space<hbm>> -> memref<128x128xf32, #tpu.memory_space<hbm>>
    %dma_wait3A_81 = arith.constant 0 : i32
    %dma_wait3A_82 = arith.constant 0 : i32
    %dma_wait3A_83 = tpu.memref_slice %arg9[%dma_wait3A_73, %dma_wait3A_81, %dma_wait3A_82] : memref<2x128x128xf32, #tpu.memory_space<vmem>> -> memref<1x128x128xf32, #tpu.memory_space<vmem>>
    %dma_wait3A_84 = tpu.memref_squeeze %dma_wait3A_83 : memref<1x128x128xf32, #tpu.memory_space<vmem>> -> memref<128x128xf32, #tpu.memory_space<vmem>>
    %dma_wait3A_85 = arith.constant 0 : i32
    %dma_wait3A_86 = arith.constant 0 : i32
    %dma_wait3A_87 = tpu.memref_slice %arg2[%dma_wait3A_85, %dma_wait3A_86] : memref<10000x128xf32, #tpu.memory_space<hbm>> -> memref<128x128xf32, #tpu.memory_space<hbm>>
    tpu.wait_dma2 semaphore(%arg21 : memref<!tpu.dma_semaphore, #tpu.memory_space<semaphore_mem>>) src(%dma_wait3A_87 : memref<128x128xf32, #tpu.memory_space<hbm>>) dst(%dma_wait3A_84 : memref<128x128xf32, #tpu.memory_space<vmem>>)
    %barrier3A_88 = arith.constant 0 : index
    tpu.barrier barrier_id(%barrier3A_88)
    %eq3A_89 = arith.constant 0 : i32
    %eq3A_90 = arith.cmpi eq, %arg0, %eq3A_89 : i32
    %convert_element_type3A = arith.extui %eq3A_90 : i1 to i32
    %cond3A = arith.constant 0 : i32
    %cond3A_91 = arith.cmpi ne, %convert_element_type3A, %cond3A : i32
    scf.if %cond3A_91 {
      %mul3A_97 = arith.constant 632 : i32
      %mul3A_98 = arith.muli %arg1, %mul3A_97 : i32
      %mul3A_99 = arith.constant 632 : i32
      %mul3A_100 = arith.muli %arg1, %mul3A_99 : i32
      "tpu.region"() ({
        %run_scoped3A = tpu.sem_alloc : memref<!tpu.dma_semaphore, #tpu.memory_space<semaphore_mem>>
        %dma_start3A_101 = arith.constant 0 : i32
        %dma_start3A_102 = tpu.memref_slice %arg6[%mul3A_100, %dma_start3A_101] : memref<10112x128xf32, #tpu.memory_space<hbm>> -> memref<632x128xf32, #tpu.memory_space<hbm>>
        %dma_start3A_103 = arith.constant 0 : i32
        %dma_start3A_104 = tpu.memref_slice %arg8[%mul3A_98, %dma_start3A_103] : memref<10112x128xf32, #tpu.memory_space<vmem_shared>> -> memref<632x128xf32, #tpu.memory_space<vmem_shared>>
        tpu.enqueue_dma source(%dma_start3A_104 : memref<632x128xf32, #tpu.memory_space<vmem_shared>>) target(%dma_start3A_102 : memref<632x128xf32, #tpu.memory_space<hbm>>) target_semaphore(%run_scoped3A : memref<!tpu.dma_semaphore, #tpu.memory_space<semaphore_mem>>)
        %dma_wait3A_105 = arith.constant 0 : i32
        %dma_wait3A_106 = tpu.memref_slice %arg6[%mul3A_100, %dma_wait3A_105] : memref<10112x128xf32, #tpu.memory_space<hbm>> -> memref<632x128xf32, #tpu.memory_space<hbm>>
        %dma_wait3A_107 = arith.constant 0 : i32
        %dma_wait3A_108 = tpu.memref_slice %arg8[%mul3A_98, %dma_wait3A_107] : memref<10112x128xf32, #tpu.memory_space<vmem_shared>> -> memref<632x128xf32, #tpu.memory_space<vmem_shared>>
        tpu.wait_dma2 semaphore(%run_scoped3A : memref<!tpu.dma_semaphore, #tpu.memory_space<semaphore_mem>>) src(%dma_wait3A_108 : memref<632x128xf32, #tpu.memory_space<vmem_shared>>) dst(%dma_wait3A_106 : memref<632x128xf32, #tpu.memory_space<hbm>>)
        tpu.yield
      }) : () -> ()
    } else {
    }
    %eq3A_92 = arith.constant 1 : i32
    %eq3A_93 = arith.cmpi eq, %arg0, %eq3A_92 : i32
    %convert_element_type3A_94 = arith.extui %eq3A_93 : i1 to i32
    %cond3A_95 = arith.constant 0 : i32
    %cond3A_96 = arith.cmpi ne, %convert_element_type3A_94, %cond3A_95 : i32
    scf.if %cond3A_96 {
      %mul3A_97 = arith.constant 632 : i32
      %mul3A_98 = arith.muli %arg1, %mul3A_97 : i32
      %mul3A_99 = arith.constant 632 : i32
      %mul3A_100 = arith.muli %arg1, %mul3A_99 : i32
      "tpu.region"() ({
        %run_scoped3A = tpu.sem_alloc : memref<!tpu.dma_semaphore, #tpu.memory_space<semaphore_mem>>
        %dma_start3A_101 = arith.constant 0 : i32
        %dma_start3A_102 = tpu.memref_slice %arg7[%mul3A_100, %dma_start3A_101] : memref<10112x128xf32, #tpu.memory_space<hbm>> -> memref<632x128xf32, #tpu.memory_space<hbm>>
        %dma_start3A_103 = arith.constant 0 : i32
        %dma_start3A_104 = tpu.memref_slice %arg8[%mul3A_98, %dma_start3A_103] : memref<10112x128xf32, #tpu.memory_space<vmem_shared>> -> memref<632x128xf32, #tpu.memory_space<vmem_shared>>
        tpu.enqueue_dma source(%dma_start3A_104 : memref<632x128xf32, #tpu.memory_space<vmem_shared>>) target(%dma_start3A_102 : memref<632x128xf32, #tpu.memory_space<hbm>>) target_semaphore(%run_scoped3A : memref<!tpu.dma_semaphore, #tpu.memory_space<semaphore_mem>>)
        %dma_wait3A_105 = arith.constant 0 : i32
        %dma_wait3A_106 = tpu.memref_slice %arg7[%mul3A_100, %dma_wait3A_105] : memref<10112x128xf32, #tpu.memory_space<hbm>> -> memref<632x128xf32, #tpu.memory_space<hbm>>
        %dma_wait3A_107 = arith.constant 0 : i32
        %dma_wait3A_108 = tpu.memref_slice %arg8[%mul3A_98, %dma_wait3A_107] : memref<10112x128xf32, #tpu.memory_space<vmem_shared>> -> memref<632x128xf32, #tpu.memory_space<vmem_shared>>
        tpu.wait_dma2 semaphore(%run_scoped3A : memref<!tpu.dma_semaphore, #tpu.memory_space<semaphore_mem>>) src(%dma_wait3A_108 : memref<632x128xf32, #tpu.memory_space<vmem_shared>>) dst(%dma_wait3A_106 : memref<632x128xf32, #tpu.memory_space<hbm>>)
        tpu.yield
      }) : () -> ()
    } else {
    }
    return
  }
}

#map = affine_map<(d0, d1) -> (0, 0)>
#map1 = affine_map<(d0, d1) -> (0)>
module attributes {stable_mosaic.version = 14 : i64} {
  func.func @_sc_agg_body(%arg0: i32, %arg1: i32, %arg2: memref<10000x128xf32, #tpu.memory_space<hbm>>, %arg3: memref<327680xi32, #tpu.memory_space<hbm>>, %arg4: memref<327680xi32, #tpu.memory_space<hbm>>, %arg5: memref<10112x128xf32, #tpu.memory_space<hbm>>, %arg6: memref<10112x128xf32, #tpu.memory_space<hbm>>, %arg7: memref<10112x128xf32, #tpu.memory_space<hbm>>, %arg8: memref<10112x128xf32, #tpu.memory_space<vmem_shared>>, %arg9: memref<2x128x128xf32, #tpu.memory_space<vmem>>, %arg10: memref<128xi32, #tpu.memory_space<vmem>>, %arg11: memref<128xi32, #tpu.memory_space<vmem>>, %arg12: memref<128xi32, #tpu.memory_space<vmem>>, %arg13: memref<128xi32, #tpu.memory_space<vmem>>, %arg14: memref<128xi32, #tpu.memory_space<vmem>>, %arg15: memref<128xi32, #tpu.memory_space<vmem>>, %arg16: memref<128xi32, #tpu.memory_space<vmem>>, %arg17: memref<128xi32, #tpu.memory_space<vmem>>, %arg18: memref<!tpu.dma_semaphore, #tpu.memory_space<semaphore_mem>>, %arg19: memref<!tpu.dma_semaphore, #tpu.memory_space<semaphore_mem>>, %arg20: memref<!tpu.dma_semaphore, #tpu.memory_space<semaphore_mem>>, %arg21: memref<!tpu.dma_semaphore, #tpu.memory_space<semaphore_mem>>, %arg22: memref<!tpu.dma_semaphore, #tpu.memory_space<semaphore_mem>>, %arg23: memref<!tpu.dma_semaphore, #tpu.memory_space<semaphore_mem>>, %arg24: memref<!tpu.dma_semaphore, #tpu.memory_space<semaphore_mem>>, %arg25: memref<!tpu.dma_semaphore, #tpu.memory_space<semaphore_mem>>) attributes {dimension_semantics = [#tpu.dimension_semantics<core_parallel>, #tpu.dimension_semantics<subcore_parallel>], iteration_bounds = array<i64: 2, 16>, scalar_prefetch = 0 : i64, scratch_operands = 18 : i64, tpu.core_type = #tpu.core_type<sc_vector_subcore>, window_params = [{transform_indices = #map}, {transform_indices = #map1}, {transform_indices = #map1}, {transform_indices = #map}, {transform_indices = #map}, {transform_indices = #map}]} {
    %eq3A = arith.constant 0 : i32
    %eq3A_0 = arith.cmpi eq, %arg0, %eq3A : i32
    %mul3A = arith.constant 128 : i32
    %mul3A_1 = arith.muli %arg1, %mul3A : i32
    %mul3A_2 = arith.constant 32 : i32
    %mul3A_3 = arith.muli %arg1, %mul3A_2 : i32
    %add3A = arith.constant 2048 : i32
    %add3A_4 = arith.addi %add3A, %mul3A_3 : i32
    %select_n3A = arith.select %eq3A_0, %mul3A_1, %add3A_4 : i32
    %eq3A_5 = arith.constant 0 : i32
    %eq3A_6 = arith.cmpi eq, %arg0, %eq3A_5 : i32
    %jit3A = arith.constant 128 : i32
    %jit3A_7 = arith.constant 32 : i32
    %select_n3A_8 = arith.select %eq3A_6, %jit3A, %jit3A_7 : i32
    %mul3A_9 = arith.constant 632 : i32
    %mul3A_10 = arith.muli %arg1, %mul3A_9 : i32
    %mul3A_11 = arith.constant 632 : i32
    %mul3A_12 = arith.muli %arg1, %mul3A_11 : i32
    "tpu.region"() ({
      %run_scoped3A = tpu.sem_alloc : memref<!tpu.dma_semaphore, #tpu.memory_space<semaphore_mem>>
      %dma_start3A_97 = arith.constant 0 : i32
      %dma_start3A_98 = tpu.memref_slice %arg8[%mul3A_12, %dma_start3A_97] : memref<10112x128xf32, #tpu.memory_space<vmem_shared>> -> memref<632x128xf32, #tpu.memory_space<vmem_shared>>
      %dma_start3A_99 = arith.constant 0 : i32
      %dma_start3A_100 = tpu.memref_slice %arg5[%mul3A_10, %dma_start3A_99] : memref<10112x128xf32, #tpu.memory_space<hbm>> -> memref<632x128xf32, #tpu.memory_space<hbm>>
      tpu.enqueue_dma source(%dma_start3A_100 : memref<632x128xf32, #tpu.memory_space<hbm>>) target(%dma_start3A_98 : memref<632x128xf32, #tpu.memory_space<vmem_shared>>) target_semaphore(%run_scoped3A : memref<!tpu.dma_semaphore, #tpu.memory_space<semaphore_mem>>)
      %dma_wait3A_101 = arith.constant 0 : i32
      %dma_wait3A_102 = tpu.memref_slice %arg8[%mul3A_12, %dma_wait3A_101] : memref<10112x128xf32, #tpu.memory_space<vmem_shared>> -> memref<632x128xf32, #tpu.memory_space<vmem_shared>>
      %dma_wait3A_103 = arith.constant 0 : i32
      %dma_wait3A_104 = tpu.memref_slice %arg5[%mul3A_10, %dma_wait3A_103] : memref<10112x128xf32, #tpu.memory_space<hbm>> -> memref<632x128xf32, #tpu.memory_space<hbm>>
      tpu.wait_dma2 semaphore(%run_scoped3A : memref<!tpu.dma_semaphore, #tpu.memory_space<semaphore_mem>>) src(%dma_wait3A_104 : memref<632x128xf32, #tpu.memory_space<hbm>>) dst(%dma_wait3A_102 : memref<632x128xf32, #tpu.memory_space<vmem_shared>>)
      tpu.yield
    }) : () -> ()
    %barrier3A = arith.constant 0 : index
    tpu.barrier barrier_id(%barrier3A)
    %mul3A_13 = arith.constant 128 : i32
    %mul3A_14 = arith.muli %select_n3A, %mul3A_13 : i32
    "tpu.region"() ({
      %run_scoped3A = tpu.sem_alloc : memref<!tpu.dma_semaphore, #tpu.memory_space<semaphore_mem>>
      %dma_start3A_97 = tpu.memref_slice %arg3[%mul3A_14] : memref<327680xi32, #tpu.memory_space<hbm>> -> memref<128xi32, #tpu.memory_space<hbm>>
      %dma_start3A_98 = tpu.memref_slice %arg3[%mul3A_14] : memref<327680xi32, #tpu.memory_space<hbm>> -> memref<128xi32, #tpu.memory_space<hbm>>
      tpu.enqueue_dma source(%dma_start3A_98 : memref<128xi32, #tpu.memory_space<hbm>>) target(%arg10 : memref<128xi32, #tpu.memory_space<vmem>>) target_semaphore(%run_scoped3A : memref<!tpu.dma_semaphore, #tpu.memory_space<semaphore_mem>>)
      %dma_wait3A_99 = tpu.memref_slice %arg3[%mul3A_14] : memref<327680xi32, #tpu.memory_space<hbm>> -> memref<128xi32, #tpu.memory_space<hbm>>
      %dma_wait3A_100 = tpu.memref_slice %arg3[%mul3A_14] : memref<327680xi32, #tpu.memory_space<hbm>> -> memref<128xi32, #tpu.memory_space<hbm>>
      tpu.wait_dma2 semaphore(%run_scoped3A : memref<!tpu.dma_semaphore, #tpu.memory_space<semaphore_mem>>) src(%dma_wait3A_100 : memref<128xi32, #tpu.memory_space<hbm>>) dst(%arg10 : memref<128xi32, #tpu.memory_space<vmem>>)
      tpu.yield
    }) : () -> ()
    %mul3A_15 = arith.constant 128 : i32
    %mul3A_16 = arith.muli %select_n3A, %mul3A_15 : i32
    "tpu.region"() ({
      %run_scoped3A = tpu.sem_alloc : memref<!tpu.dma_semaphore, #tpu.memory_space<semaphore_mem>>
      %dma_start3A_97 = tpu.memref_slice %arg4[%mul3A_16] : memref<327680xi32, #tpu.memory_space<hbm>> -> memref<128xi32, #tpu.memory_space<hbm>>
      %dma_start3A_98 = tpu.memref_slice %arg4[%mul3A_16] : memref<327680xi32, #tpu.memory_space<hbm>> -> memref<128xi32, #tpu.memory_space<hbm>>
      tpu.enqueue_dma source(%dma_start3A_98 : memref<128xi32, #tpu.memory_space<hbm>>) target(%arg14 : memref<128xi32, #tpu.memory_space<vmem>>) target_semaphore(%run_scoped3A : memref<!tpu.dma_semaphore, #tpu.memory_space<semaphore_mem>>)
      %dma_wait3A_99 = tpu.memref_slice %arg4[%mul3A_16] : memref<327680xi32, #tpu.memory_space<hbm>> -> memref<128xi32, #tpu.memory_space<hbm>>
      %dma_wait3A_100 = tpu.memref_slice %arg4[%mul3A_16] : memref<327680xi32, #tpu.memory_space<hbm>> -> memref<128xi32, #tpu.memory_space<hbm>>
      tpu.wait_dma2 semaphore(%run_scoped3A : memref<!tpu.dma_semaphore, #tpu.memory_space<semaphore_mem>>) src(%dma_wait3A_100 : memref<128xi32, #tpu.memory_space<hbm>>) dst(%arg14 : memref<128xi32, #tpu.memory_space<vmem>>)
      tpu.yield
    }) : () -> ()
    %add3A_17 = arith.constant 1 : i32
    %add3A_18 = arith.addi %select_n3A, %add3A_17 : i32
    %mul3A_19 = arith.constant 128 : i32
    %mul3A_20 = arith.muli %add3A_18, %mul3A_19 : i32
    %dma_start3A = tpu.memref_slice %arg3[%mul3A_20] : memref<327680xi32, #tpu.memory_space<hbm>> -> memref<128xi32, #tpu.memory_space<hbm>>
    %dma_start3A_21 = tpu.memref_slice %arg3[%mul3A_20] : memref<327680xi32, #tpu.memory_space<hbm>> -> memref<128xi32, #tpu.memory_space<hbm>>
    tpu.enqueue_dma source(%dma_start3A_21 : memref<128xi32, #tpu.memory_space<hbm>>) target(%arg11 : memref<128xi32, #tpu.memory_space<vmem>>) target_semaphore(%arg23 : memref<!tpu.dma_semaphore, #tpu.memory_space<semaphore_mem>>)
    %dma_start3A_22 = tpu.memref_slice %arg4[%mul3A_20] : memref<327680xi32, #tpu.memory_space<hbm>> -> memref<128xi32, #tpu.memory_space<hbm>>
    %dma_start3A_23 = tpu.memref_slice %arg4[%mul3A_20] : memref<327680xi32, #tpu.memory_space<hbm>> -> memref<128xi32, #tpu.memory_space<hbm>>
    tpu.enqueue_dma source(%dma_start3A_23 : memref<128xi32, #tpu.memory_space<hbm>>) target(%arg15 : memref<128xi32, #tpu.memory_space<vmem>>) target_semaphore(%arg23 : memref<!tpu.dma_semaphore, #tpu.memory_space<semaphore_mem>>)
    %dma_start3A_24 = arith.constant 0 : i32
    %dma_start3A_25 = arith.constant 0 : i32
    %dma_start3A_26 = arith.constant 0 : i32
    %dma_start3A_27 = tpu.memref_slice %arg9[%dma_start3A_24, %dma_start3A_25, %dma_start3A_26] : memref<2x128x128xf32, #tpu.memory_space<vmem>> -> memref<1x128x128xf32, #tpu.memory_space<vmem>>
    %dma_start3A_28 = tpu.memref_squeeze %dma_start3A_27 : memref<1x128x128xf32, #tpu.memory_space<vmem>> -> memref<128x128xf32, #tpu.memory_space<vmem>>
    %dma_start3A_29 = arith.constant 0 : i32
    %dma_start3A_30 = arith.constant 0 : i32
    %dma_start3A_31 = tpu.memref_slice %arg2[%dma_start3A_29, %dma_start3A_30] : memref<10000x128xf32, #tpu.memory_space<hbm>> -> memref<10000x128xf32, #tpu.memory_space<hbm>>
    tpu.enqueue_indirect_dma source(%dma_start3A_31 : memref<10000x128xf32, #tpu.memory_space<hbm>>) target(%dma_start3A_28 : memref<128x128xf32, #tpu.memory_space<vmem>>) offsets(%arg10 : memref<128xi32, #tpu.memory_space<vmem>>) semaphore(%arg18 : memref<!tpu.dma_semaphore, #tpu.memory_space<semaphore_mem>>)
    %jit3A_32 = arith.constant 4 : i32
    %div3A = arith.divsi %select_n3A_8, %jit3A_32 : i32
    %sign3A = arith.constant 0 : i32
    %sign3A_33 = arith.cmpi sgt, %select_n3A_8, %sign3A : i32
    %sign3A_34 = arith.extui %sign3A_33 : i1 to i32
    %sign3A_35 = arith.constant 0 : i32
    %sign3A_36 = arith.cmpi slt, %select_n3A_8, %sign3A_35 : i32
    %sign3A_37 = arith.extui %sign3A_36 : i1 to i32
    %sign3A_38 = arith.subi %sign3A_34, %sign3A_37 : i32
    %sign3A_39 = arith.constant 0 : i32
    %sign3A_40 = arith.cmpi sgt, %jit3A_32, %sign3A_39 : i32
    %sign3A_41 = arith.extui %sign3A_40 : i1 to i32
    %sign3A_42 = arith.constant 0 : i32
    %sign3A_43 = arith.cmpi slt, %jit3A_32, %sign3A_42 : i32
    %sign3A_44 = arith.extui %sign3A_43 : i1 to i32
    %sign3A_45 = arith.subi %sign3A_41, %sign3A_44 : i32
    %ne3A = arith.cmpi ne, %sign3A_38, %sign3A_45 : i32
    %rem3A = arith.remsi %select_n3A_8, %jit3A_32 : i32
    %ne3A_46 = arith.constant 0 : i32
    %ne3A_47 = arith.cmpi ne, %rem3A, %ne3A_46 : i32
    %and3A = arith.andi %ne3A, %ne3A_47 : i1
    %sub3A = arith.constant 1 : i32
    %sub3A_48 = arith.subi %div3A, %sub3A : i32
    %select_n3A_49 = arith.select %and3A, %sub3A_48, %div3A : i32
    %while3A = arith.constant 0 : i32
    %while3A_50 = arith.constant 0 : i32
    %while3A_51 = arith.subi %select_n3A_49, %while3A_50 : i32
    %while3A_52 = arith.addi %while3A_50, %while3A_51 : i32
    %while3A_53 = arith.constant 1 : i32
    %while3A_54 = arith.divsi %while3A_51, %while3A_53 : i32
    %while3A_55 = arith.muli %while3A_54, %while3A_53 : i32
    %while3A_56 = arith.addi %while3A_50, %while3A_55 : i32
    %while3A_57 = arith.constant 1 : i32
    scf.for %while3A_97 = %while3A_50 to %while3A_56 step %while3A_57  : i32 {
      %mul3A_98 = arith.constant 4 : i32
      %mul3A_99 = arith.muli %while3A_97, %mul3A_98 : i32
      %add3A_100 = arith.constant 0 : i32
      %add3A_101 = arith.addi %mul3A_99, %add3A_100 : i32
      %ge3A = arith.constant 1 : i32
      %ge3A_102 = arith.cmpi sge, %add3A_101, %ge3A : i32
      %add3A_103 = arith.constant 1 : i32
      %add3A_104 = arith.addi %add3A_101, %add3A_103 : i32
      %lt3A = arith.cmpi slt, %add3A_104, %select_n3A_8 : i32
      %and3A_105 = arith.andi %ge3A_102, %lt3A : i1
      %convert_element_type3A_106 = arith.extui %and3A_105 : i1 to i32
      %cond3A_107 = arith.constant 0 : i32
      %cond3A_108 = arith.cmpi ne, %convert_element_type3A_106, %cond3A_107 : i32
      scf.if %cond3A_108 {
        %dma_wait3A_288 = arith.constant 1 : i32
        %dma_wait3A_289 = arith.constant 0 : i32
        %dma_wait3A_290 = arith.constant 0 : i32
        %dma_wait3A_291 = tpu.memref_slice %arg9[%dma_wait3A_288, %dma_wait3A_289, %dma_wait3A_290] : memref<2x128x128xf32, #tpu.memory_space<vmem>> -> memref<1x128x128xf32, #tpu.memory_space<vmem>>
        %dma_wait3A_292 = tpu.memref_squeeze %dma_wait3A_291 : memref<1x128x128xf32, #tpu.memory_space<vmem>> -> memref<128x128xf32, #tpu.memory_space<vmem>>
        %dma_wait3A_293 = arith.constant 0 : i32
        %dma_wait3A_294 = arith.constant 0 : i32
        %dma_wait3A_295 = tpu.memref_slice %arg2[%dma_wait3A_293, %dma_wait3A_294] : memref<10000x128xf32, #tpu.memory_space<hbm>> -> memref<128x128xf32, #tpu.memory_space<hbm>>
        %dma_wait3A_296 = arith.constant 0 : i32
        %dma_wait3A_297 = arith.constant 0 : i32
        %dma_wait3A_298 = tpu.memref_slice %arg9[%dma_wait3A_288, %dma_wait3A_296, %dma_wait3A_297] : memref<2x128x128xf32, #tpu.memory_space<vmem>> -> memref<1x128x128xf32, #tpu.memory_space<vmem>>
        %dma_wait3A_299 = tpu.memref_squeeze %dma_wait3A_298 : memref<1x128x128xf32, #tpu.memory_space<vmem>> -> memref<128x128xf32, #tpu.memory_space<vmem>>
        %dma_wait3A_300 = arith.constant 0 : i32
        %dma_wait3A_301 = arith.constant 0 : i32
        %dma_wait3A_302 = tpu.memref_slice %arg2[%dma_wait3A_300, %dma_wait3A_301] : memref<10000x128xf32, #tpu.memory_space<hbm>> -> memref<128x128xf32, #tpu.memory_space<hbm>>
        tpu.wait_dma2 semaphore(%arg21 : memref<!tpu.dma_semaphore, #tpu.memory_space<semaphore_mem>>) src(%dma_wait3A_302 : memref<128x128xf32, #tpu.memory_space<hbm>>) dst(%dma_wait3A_299 : memref<128x128xf32, #tpu.memory_space<vmem>>)
      } else {
      }
      %add3A_109 = arith.constant 1 : i32
      %add3A_110 = arith.addi %add3A_101, %add3A_109 : i32
      %lt3A_111 = arith.cmpi slt, %add3A_110, %select_n3A_8 : i32
      %convert_element_type3A_112 = arith.extui %lt3A_111 : i1 to i32
      %cond3A_113 = arith.constant 0 : i32
      %cond3A_114 = arith.cmpi ne, %convert_element_type3A_112, %cond3A_113 : i32
      scf.if %cond3A_114 {
        %dma_wait3A_288 = arith.constant 0 : i32
        %dma_wait3A_289 = tpu.memref_slice %arg3[%dma_wait3A_288] : memref<327680xi32, #tpu.memory_space<hbm>> -> memref<128xi32, #tpu.memory_space<hbm>>
        %dma_wait3A_290 = arith.constant 0 : i32
        %dma_wait3A_291 = tpu.memref_slice %arg3[%dma_wait3A_290] : memref<327680xi32, #tpu.memory_space<hbm>> -> memref<128xi32, #tpu.memory_space<hbm>>
        tpu.wait_dma2 semaphore(%arg23 : memref<!tpu.dma_semaphore, #tpu.memory_space<semaphore_mem>>) src(%dma_wait3A_291 : memref<128xi32, #tpu.memory_space<hbm>>) dst(%arg11 : memref<128xi32, #tpu.memory_space<vmem>>)
        %dma_wait3A_292 = arith.constant 0 : i32
        %dma_wait3A_293 = tpu.memref_slice %arg3[%dma_wait3A_292] : memref<327680xi32, #tpu.memory_space<hbm>> -> memref<128xi32, #tpu.memory_space<hbm>>
        %dma_wait3A_294 = arith.constant 0 : i32
        %dma_wait3A_295 = tpu.memref_slice %arg3[%dma_wait3A_294] : memref<327680xi32, #tpu.memory_space<hbm>> -> memref<128xi32, #tpu.memory_space<hbm>>
        tpu.wait_dma2 semaphore(%arg23 : memref<!tpu.dma_semaphore, #tpu.memory_space<semaphore_mem>>) src(%dma_wait3A_295 : memref<128xi32, #tpu.memory_space<hbm>>) dst(%arg15 : memref<128xi32, #tpu.memory_space<vmem>>)
        %dma_start3A_296 = arith.constant 1 : i32
        %dma_start3A_297 = arith.constant 0 : i32
        %dma_start3A_298 = arith.constant 0 : i32
        %dma_start3A_299 = tpu.memref_slice %arg9[%dma_start3A_296, %dma_start3A_297, %dma_start3A_298] : memref<2x128x128xf32, #tpu.memory_space<vmem>> -> memref<1x128x128xf32, #tpu.memory_space<vmem>>
        %dma_start3A_300 = tpu.memref_squeeze %dma_start3A_299 : memref<1x128x128xf32, #tpu.memory_space<vmem>> -> memref<128x128xf32, #tpu.memory_space<vmem>>
        %dma_start3A_301 = arith.constant 0 : i32
        %dma_start3A_302 = arith.constant 0 : i32
        %dma_start3A_303 = tpu.memref_slice %arg2[%dma_start3A_301, %dma_start3A_302] : memref<10000x128xf32, #tpu.memory_space<hbm>> -> memref<10000x128xf32, #tpu.memory_space<hbm>>
        tpu.enqueue_indirect_dma source(%dma_start3A_303 : memref<10000x128xf32, #tpu.memory_space<hbm>>) target(%dma_start3A_300 : memref<128x128xf32, #tpu.memory_space<vmem>>) offsets(%arg11 : memref<128xi32, #tpu.memory_space<vmem>>) semaphore(%arg19 : memref<!tpu.dma_semaphore, #tpu.memory_space<semaphore_mem>>)
      } else {
      }
      %add3A_115 = arith.constant 2 : i32
      %add3A_116 = arith.addi %add3A_101, %add3A_115 : i32
      %lt3A_117 = arith.cmpi slt, %add3A_116, %select_n3A_8 : i32
      %convert_element_type3A_118 = arith.extui %lt3A_117 : i1 to i32
      %cond3A_119 = arith.constant 0 : i32
      %cond3A_120 = arith.cmpi ne, %convert_element_type3A_118, %cond3A_119 : i32
      scf.if %cond3A_120 {
        %add3A_288 = arith.constant 2 : i32
        %add3A_289 = arith.addi %add3A_101, %add3A_288 : i32
        %add3A_290 = arith.addi %select_n3A, %add3A_289 : i32
        %mul3A_291 = arith.constant 128 : i32
        %mul3A_292 = arith.muli %add3A_290, %mul3A_291 : i32
        %dma_start3A_293 = tpu.memref_slice %arg3[%mul3A_292] : memref<327680xi32, #tpu.memory_space<hbm>> -> memref<128xi32, #tpu.memory_space<hbm>>
        %dma_start3A_294 = tpu.memref_slice %arg3[%mul3A_292] : memref<327680xi32, #tpu.memory_space<hbm>> -> memref<128xi32, #tpu.memory_space<hbm>>
        tpu.enqueue_dma source(%dma_start3A_294 : memref<128xi32, #tpu.memory_space<hbm>>) target(%arg12 : memref<128xi32, #tpu.memory_space<vmem>>) target_semaphore(%arg24 : memref<!tpu.dma_semaphore, #tpu.memory_space<semaphore_mem>>)
        %dma_start3A_295 = tpu.memref_slice %arg4[%mul3A_292] : memref<327680xi32, #tpu.memory_space<hbm>> -> memref<128xi32, #tpu.memory_space<hbm>>
        %dma_start3A_296 = tpu.memref_slice %arg4[%mul3A_292] : memref<327680xi32, #tpu.memory_space<hbm>> -> memref<128xi32, #tpu.memory_space<hbm>>
        tpu.enqueue_dma source(%dma_start3A_296 : memref<128xi32, #tpu.memory_space<hbm>>) target(%arg16 : memref<128xi32, #tpu.memory_space<vmem>>) target_semaphore(%arg24 : memref<!tpu.dma_semaphore, #tpu.memory_space<semaphore_mem>>)
      } else {
      }
      %dma_wait3A_121 = arith.constant 0 : i32
      %dma_wait3A_122 = arith.constant 0 : i32
      %dma_wait3A_123 = arith.constant 0 : i32
      %dma_wait3A_124 = tpu.memref_slice %arg9[%dma_wait3A_121, %dma_wait3A_122, %dma_wait3A_123] : memref<2x128x128xf32, #tpu.memory_space<vmem>> -> memref<1x128x128xf32, #tpu.memory_space<vmem>>
      %dma_wait3A_125 = tpu.memref_squeeze %dma_wait3A_124 : memref<1x128x128xf32, #tpu.memory_space<vmem>> -> memref<128x128xf32, #tpu.memory_space<vmem>>
      %dma_wait3A_126 = arith.constant 0 : i32
      %dma_wait3A_127 = arith.constant 0 : i32
      %dma_wait3A_128 = tpu.memref_slice %arg2[%dma_wait3A_126, %dma_wait3A_127] : memref<10000x128xf32, #tpu.memory_space<hbm>> -> memref<128x128xf32, #tpu.memory_space<hbm>>
      %dma_wait3A_129 = arith.constant 0 : i32
      %dma_wait3A_130 = arith.constant 0 : i32
      %dma_wait3A_131 = tpu.memref_slice %arg9[%dma_wait3A_121, %dma_wait3A_129, %dma_wait3A_130] : memref<2x128x128xf32, #tpu.memory_space<vmem>> -> memref<1x128x128xf32, #tpu.memory_space<vmem>>
      %dma_wait3A_132 = tpu.memref_squeeze %dma_wait3A_131 : memref<1x128x128xf32, #tpu.memory_space<vmem>> -> memref<128x128xf32, #tpu.memory_space<vmem>>
      %dma_wait3A_133 = arith.constant 0 : i32
      %dma_wait3A_134 = arith.constant 0 : i32
      %dma_wait3A_135 = tpu.memref_slice %arg2[%dma_wait3A_133, %dma_wait3A_134] : memref<10000x128xf32, #tpu.memory_space<hbm>> -> memref<128x128xf32, #tpu.memory_space<hbm>>
      tpu.wait_dma2 semaphore(%arg18 : memref<!tpu.dma_semaphore, #tpu.memory_space<semaphore_mem>>) src(%dma_wait3A_135 : memref<128x128xf32, #tpu.memory_space<hbm>>) dst(%dma_wait3A_132 : memref<128x128xf32, #tpu.memory_space<vmem>>)
      %dma_start3A_136 = arith.constant 0 : i32
      %dma_start3A_137 = arith.constant 0 : i32
      %dma_start3A_138 = arith.constant 0 : i32
      %dma_start3A_139 = tpu.memref_slice %arg9[%dma_start3A_136, %dma_start3A_137, %dma_start3A_138] : memref<2x128x128xf32, #tpu.memory_space<vmem>> -> memref<1x128x128xf32, #tpu.memory_space<vmem>>
      %dma_start3A_140 = tpu.memref_squeeze %dma_start3A_139 : memref<1x128x128xf32, #tpu.memory_space<vmem>> -> memref<128x128xf32, #tpu.memory_space<vmem>>
      %dma_start3A_141 = arith.constant 0 : i32
      %dma_start3A_142 = arith.constant 0 : i32
      %dma_start3A_143 = tpu.memref_slice %arg8[%dma_start3A_141, %dma_start3A_142] : memref<10112x128xf32, #tpu.memory_space<vmem_shared>> -> memref<10112x128xf32, #tpu.memory_space<vmem_shared>>
      tpu.enqueue_indirect_dma source(%dma_start3A_140 : memref<128x128xf32, #tpu.memory_space<vmem>>) target(%dma_start3A_143 : memref<10112x128xf32, #tpu.memory_space<vmem_shared>>) offsets(%arg14 : memref<128xi32, #tpu.memory_space<vmem>>) semaphore(%arg20 : memref<!tpu.dma_semaphore, #tpu.memory_space<semaphore_mem>>) {add = true}
      %mul3A_144 = arith.constant 4 : i32
      %mul3A_145 = arith.muli %while3A_97, %mul3A_144 : i32
      %add3A_146 = arith.constant 1 : i32
      %add3A_147 = arith.addi %mul3A_145, %add3A_146 : i32
      %ge3A_148 = arith.constant 1 : i32
      %ge3A_149 = arith.cmpi sge, %add3A_147, %ge3A_148 : i32
      %add3A_150 = arith.constant 1 : i32
      %add3A_151 = arith.addi %add3A_147, %add3A_150 : i32
      %lt3A_152 = arith.cmpi slt, %add3A_151, %select_n3A_8 : i32
      %and3A_153 = arith.andi %ge3A_149, %lt3A_152 : i1
      %convert_element_type3A_154 = arith.extui %and3A_153 : i1 to i32
      %cond3A_155 = arith.constant 0 : i32
      %cond3A_156 = arith.cmpi ne, %convert_element_type3A_154, %cond3A_155 : i32
      scf.if %cond3A_156 {
        %dma_wait3A_288 = arith.constant 0 : i32
        %dma_wait3A_289 = arith.constant 0 : i32
        %dma_wait3A_290 = arith.constant 0 : i32
        %dma_wait3A_291 = tpu.memref_slice %arg9[%dma_wait3A_288, %dma_wait3A_289, %dma_wait3A_290] : memref<2x128x128xf32, #tpu.memory_space<vmem>> -> memref<1x128x128xf32, #tpu.memory_space<vmem>>
        %dma_wait3A_292 = tpu.memref_squeeze %dma_wait3A_291 : memref<1x128x128xf32, #tpu.memory_space<vmem>> -> memref<128x128xf32, #tpu.memory_space<vmem>>
        %dma_wait3A_293 = arith.constant 0 : i32
        %dma_wait3A_294 = arith.constant 0 : i32
        %dma_wait3A_295 = tpu.memref_slice %arg2[%dma_wait3A_293, %dma_wait3A_294] : memref<10000x128xf32, #tpu.memory_space<hbm>> -> memref<128x128xf32, #tpu.memory_space<hbm>>
        %dma_wait3A_296 = arith.constant 0 : i32
        %dma_wait3A_297 = arith.constant 0 : i32
        %dma_wait3A_298 = tpu.memref_slice %arg9[%dma_wait3A_288, %dma_wait3A_296, %dma_wait3A_297] : memref<2x128x128xf32, #tpu.memory_space<vmem>> -> memref<1x128x128xf32, #tpu.memory_space<vmem>>
        %dma_wait3A_299 = tpu.memref_squeeze %dma_wait3A_298 : memref<1x128x128xf32, #tpu.memory_space<vmem>> -> memref<128x128xf32, #tpu.memory_space<vmem>>
        %dma_wait3A_300 = arith.constant 0 : i32
        %dma_wait3A_301 = arith.constant 0 : i32
        %dma_wait3A_302 = tpu.memref_slice %arg2[%dma_wait3A_300, %dma_wait3A_301] : memref<10000x128xf32, #tpu.memory_space<hbm>> -> memref<128x128xf32, #tpu.memory_space<hbm>>
        tpu.wait_dma2 semaphore(%arg20 : memref<!tpu.dma_semaphore, #tpu.memory_space<semaphore_mem>>) src(%dma_wait3A_302 : memref<128x128xf32, #tpu.memory_space<hbm>>) dst(%dma_wait3A_299 : memref<128x128xf32, #tpu.memory_space<vmem>>)
      } else {
      }
      %add3A_157 = arith.constant 1 : i32
      %add3A_158 = arith.addi %add3A_147, %add3A_157 : i32
      %lt3A_159 = arith.cmpi slt, %add3A_158, %select_n3A_8 : i32
      %convert_element_type3A_160 = arith.extui %lt3A_159 : i1 to i32
      %cond3A_161 = arith.constant 0 : i32
      %cond3A_162 = arith.cmpi ne, %convert_element_type3A_160, %cond3A_161 : i32
      scf.if %cond3A_162 {
        %dma_wait3A_288 = arith.constant 0 : i32
        %dma_wait3A_289 = tpu.memref_slice %arg3[%dma_wait3A_288] : memref<327680xi32, #tpu.memory_space<hbm>> -> memref<128xi32, #tpu.memory_space<hbm>>
        %dma_wait3A_290 = arith.constant 0 : i32
        %dma_wait3A_291 = tpu.memref_slice %arg3[%dma_wait3A_290] : memref<327680xi32, #tpu.memory_space<hbm>> -> memref<128xi32, #tpu.memory_space<hbm>>
        tpu.wait_dma2 semaphore(%arg24 : memref<!tpu.dma_semaphore, #tpu.memory_space<semaphore_mem>>) src(%dma_wait3A_291 : memref<128xi32, #tpu.memory_space<hbm>>) dst(%arg12 : memref<128xi32, #tpu.memory_space<vmem>>)
        %dma_wait3A_292 = arith.constant 0 : i32
        %dma_wait3A_293 = tpu.memref_slice %arg3[%dma_wait3A_292] : memref<327680xi32, #tpu.memory_space<hbm>> -> memref<128xi32, #tpu.memory_space<hbm>>
        %dma_wait3A_294 = arith.constant 0 : i32
        %dma_wait3A_295 = tpu.memref_slice %arg3[%dma_wait3A_294] : memref<327680xi32, #tpu.memory_space<hbm>> -> memref<128xi32, #tpu.memory_space<hbm>>
        tpu.wait_dma2 semaphore(%arg24 : memref<!tpu.dma_semaphore, #tpu.memory_space<semaphore_mem>>) src(%dma_wait3A_295 : memref<128xi32, #tpu.memory_space<hbm>>) dst(%arg16 : memref<128xi32, #tpu.memory_space<vmem>>)
        %dma_start3A_296 = arith.constant 0 : i32
        %dma_start3A_297 = arith.constant 0 : i32
        %dma_start3A_298 = arith.constant 0 : i32
        %dma_start3A_299 = tpu.memref_slice %arg9[%dma_start3A_296, %dma_start3A_297, %dma_start3A_298] : memref<2x128x128xf32, #tpu.memory_space<vmem>> -> memref<1x128x128xf32, #tpu.memory_space<vmem>>
        %dma_start3A_300 = tpu.memref_squeeze %dma_start3A_299 : memref<1x128x128xf32, #tpu.memory_space<vmem>> -> memref<128x128xf32, #tpu.memory_space<vmem>>
        %dma_start3A_301 = arith.constant 0 : i32
        %dma_start3A_302 = arith.constant 0 : i32
        %dma_start3A_303 = tpu.memref_slice %arg2[%dma_start3A_301, %dma_start3A_302] : memref<10000x128xf32, #tpu.memory_space<hbm>> -> memref<10000x128xf32, #tpu.memory_space<hbm>>
        tpu.enqueue_indirect_dma source(%dma_start3A_303 : memref<10000x128xf32, #tpu.memory_space<hbm>>) target(%dma_start3A_300 : memref<128x128xf32, #tpu.memory_space<vmem>>) offsets(%arg12 : memref<128xi32, #tpu.memory_space<vmem>>) semaphore(%arg18 : memref<!tpu.dma_semaphore, #tpu.memory_space<semaphore_mem>>)
      } else {
      }
      %add3A_163 = arith.constant 2 : i32
      %add3A_164 = arith.addi %add3A_147, %add3A_163 : i32
      %lt3A_165 = arith.cmpi slt, %add3A_164, %select_n3A_8 : i32
      %convert_element_type3A_166 = arith.extui %lt3A_165 : i1 to i32
      %cond3A_167 = arith.constant 0 : i32
      %cond3A_168 = arith.cmpi ne, %convert_element_type3A_166, %cond3A_167 : i32
      scf.if %cond3A_168 {
        %add3A_288 = arith.constant 2 : i32
        %add3A_289 = arith.addi %add3A_147, %add3A_288 : i32
        %add3A_290 = arith.addi %select_n3A, %add3A_289 : i32
        %mul3A_291 = arith.constant 128 : i32
        %mul3A_292 = arith.muli %add3A_290, %mul3A_291 : i32
        %dma_start3A_293 = tpu.memref_slice %arg3[%mul3A_292] : memref<327680xi32, #tpu.memory_space<hbm>> -> memref<128xi32, #tpu.memory_space<hbm>>
        %dma_start3A_294 = tpu.memref_slice %arg3[%mul3A_292] : memref<327680xi32, #tpu.memory_space<hbm>> -> memref<128xi32, #tpu.memory_space<hbm>>
        tpu.enqueue_dma source(%dma_start3A_294 : memref<128xi32, #tpu.memory_space<hbm>>) target(%arg13 : memref<128xi32, #tpu.memory_space<vmem>>) target_semaphore(%arg25 : memref<!tpu.dma_semaphore, #tpu.memory_space<semaphore_mem>>)
        %dma_start3A_295 = tpu.memref_slice %arg4[%mul3A_292] : memref<327680xi32, #tpu.memory_space<hbm>> -> memref<128xi32, #tpu.memory_space<hbm>>
        %dma_start3A_296 = tpu.memref_slice %arg4[%mul3A_292] : memref<327680xi32, #tpu.memory_space<hbm>> -> memref<128xi32, #tpu.memory_space<hbm>>
        tpu.enqueue_dma source(%dma_start3A_296 : memref<128xi32, #tpu.memory_space<hbm>>) target(%arg17 : memref<128xi32, #tpu.memory_space<vmem>>) target_semaphore(%arg25 : memref<!tpu.dma_semaphore, #tpu.memory_space<semaphore_mem>>)
      } else {
      }
      %dma_wait3A_169 = arith.constant 1 : i32
      %dma_wait3A_170 = arith.constant 0 : i32
      %dma_wait3A_171 = arith.constant 0 : i32
      %dma_wait3A_172 = tpu.memref_slice %arg9[%dma_wait3A_169, %dma_wait3A_170, %dma_wait3A_171] : memref<2x128x128xf32, #tpu.memory_space<vmem>> -> memref<1x128x128xf32, #tpu.memory_space<vmem>>
      %dma_wait3A_173 = tpu.memref_squeeze %dma_wait3A_172 : memref<1x128x128xf32, #tpu.memory_space<vmem>> -> memref<128x128xf32, #tpu.memory_space<vmem>>
      %dma_wait3A_174 = arith.constant 0 : i32
      %dma_wait3A_175 = arith.constant 0 : i32
      %dma_wait3A_176 = tpu.memref_slice %arg2[%dma_wait3A_174, %dma_wait3A_175] : memref<10000x128xf32, #tpu.memory_space<hbm>> -> memref<128x128xf32, #tpu.memory_space<hbm>>
      %dma_wait3A_177 = arith.constant 0 : i32
      %dma_wait3A_178 = arith.constant 0 : i32
      %dma_wait3A_179 = tpu.memref_slice %arg9[%dma_wait3A_169, %dma_wait3A_177, %dma_wait3A_178] : memref<2x128x128xf32, #tpu.memory_space<vmem>> -> memref<1x128x128xf32, #tpu.memory_space<vmem>>
      %dma_wait3A_180 = tpu.memref_squeeze %dma_wait3A_179 : memref<1x128x128xf32, #tpu.memory_space<vmem>> -> memref<128x128xf32, #tpu.memory_space<vmem>>
      %dma_wait3A_181 = arith.constant 0 : i32
      %dma_wait3A_182 = arith.constant 0 : i32
      %dma_wait3A_183 = tpu.memref_slice %arg2[%dma_wait3A_181, %dma_wait3A_182] : memref<10000x128xf32, #tpu.memory_space<hbm>> -> memref<128x128xf32, #tpu.memory_space<hbm>>
      tpu.wait_dma2 semaphore(%arg19 : memref<!tpu.dma_semaphore, #tpu.memory_space<semaphore_mem>>) src(%dma_wait3A_183 : memref<128x128xf32, #tpu.memory_space<hbm>>) dst(%dma_wait3A_180 : memref<128x128xf32, #tpu.memory_space<vmem>>)
      %dma_start3A_184 = arith.constant 1 : i32
      %dma_start3A_185 = arith.constant 0 : i32
      %dma_start3A_186 = arith.constant 0 : i32
      %dma_start3A_187 = tpu.memref_slice %arg9[%dma_start3A_184, %dma_start3A_185, %dma_start3A_186] : memref<2x128x128xf32, #tpu.memory_space<vmem>> -> memref<1x128x128xf32, #tpu.memory_space<vmem>>
      %dma_start3A_188 = tpu.memref_squeeze %dma_start3A_187 : memref<1x128x128xf32, #tpu.memory_space<vmem>> -> memref<128x128xf32, #tpu.memory_space<vmem>>
      %dma_start3A_189 = arith.constant 0 : i32
      %dma_start3A_190 = arith.constant 0 : i32
      %dma_start3A_191 = tpu.memref_slice %arg8[%dma_start3A_189, %dma_start3A_190] : memref<10112x128xf32, #tpu.memory_space<vmem_shared>> -> memref<10112x128xf32, #tpu.memory_space<vmem_shared>>
      tpu.enqueue_indirect_dma source(%dma_start3A_188 : memref<128x128xf32, #tpu.memory_space<vmem>>) target(%dma_start3A_191 : memref<10112x128xf32, #tpu.memory_space<vmem_shared>>) offsets(%arg15 : memref<128xi32, #tpu.memory_space<vmem>>) semaphore(%arg21 : memref<!tpu.dma_semaphore, #tpu.memory_space<semaphore_mem>>) {add = true}
      %mul3A_192 = arith.constant 4 : i32
      %mul3A_193 = arith.muli %while3A_97, %mul3A_192 : i32
      %add3A_194 = arith.constant 2 : i32
      %add3A_195 = arith.addi %mul3A_193, %add3A_194 : i32
      %ge3A_196 = arith.constant 1 : i32
      %ge3A_197 = arith.cmpi sge, %add3A_195, %ge3A_196 : i32
      %add3A_198 = arith.constant 1 : i32
      %add3A_199 = arith.addi %add3A_195, %add3A_198 : i32
      %lt3A_200 = arith.cmpi slt, %add3A_199, %select_n3A_8 : i32
      %and3A_201 = arith.andi %ge3A_197, %lt3A_200 : i1
      %convert_element_type3A_202 = arith.extui %and3A_201 : i1 to i32
      %cond3A_203 = arith.constant 0 : i32
      %cond3A_204 = arith.cmpi ne, %convert_element_type3A_202, %cond3A_203 : i32
      scf.if %cond3A_204 {
        %dma_wait3A_288 = arith.constant 1 : i32
        %dma_wait3A_289 = arith.constant 0 : i32
        %dma_wait3A_290 = arith.constant 0 : i32
        %dma_wait3A_291 = tpu.memref_slice %arg9[%dma_wait3A_288, %dma_wait3A_289, %dma_wait3A_290] : memref<2x128x128xf32, #tpu.memory_space<vmem>> -> memref<1x128x128xf32, #tpu.memory_space<vmem>>
        %dma_wait3A_292 = tpu.memref_squeeze %dma_wait3A_291 : memref<1x128x128xf32, #tpu.memory_space<vmem>> -> memref<128x128xf32, #tpu.memory_space<vmem>>
        %dma_wait3A_293 = arith.constant 0 : i32
        %dma_wait3A_294 = arith.constant 0 : i32
        %dma_wait3A_295 = tpu.memref_slice %arg2[%dma_wait3A_293, %dma_wait3A_294] : memref<10000x128xf32, #tpu.memory_space<hbm>> -> memref<128x128xf32, #tpu.memory_space<hbm>>
        %dma_wait3A_296 = arith.constant 0 : i32
        %dma_wait3A_297 = arith.constant 0 : i32
        %dma_wait3A_298 = tpu.memref_slice %arg9[%dma_wait3A_288, %dma_wait3A_296, %dma_wait3A_297] : memref<2x128x128xf32, #tpu.memory_space<vmem>> -> memref<1x128x128xf32, #tpu.memory_space<vmem>>
        %dma_wait3A_299 = tpu.memref_squeeze %dma_wait3A_298 : memref<1x128x128xf32, #tpu.memory_space<vmem>> -> memref<128x128xf32, #tpu.memory_space<vmem>>
        %dma_wait3A_300 = arith.constant 0 : i32
        %dma_wait3A_301 = arith.constant 0 : i32
        %dma_wait3A_302 = tpu.memref_slice %arg2[%dma_wait3A_300, %dma_wait3A_301] : memref<10000x128xf32, #tpu.memory_space<hbm>> -> memref<128x128xf32, #tpu.memory_space<hbm>>
        tpu.wait_dma2 semaphore(%arg21 : memref<!tpu.dma_semaphore, #tpu.memory_space<semaphore_mem>>) src(%dma_wait3A_302 : memref<128x128xf32, #tpu.memory_space<hbm>>) dst(%dma_wait3A_299 : memref<128x128xf32, #tpu.memory_space<vmem>>)
      } else {
      }
      %add3A_205 = arith.constant 1 : i32
      %add3A_206 = arith.addi %add3A_195, %add3A_205 : i32
      %lt3A_207 = arith.cmpi slt, %add3A_206, %select_n3A_8 : i32
      %convert_element_type3A_208 = arith.extui %lt3A_207 : i1 to i32
      %cond3A_209 = arith.constant 0 : i32
      %cond3A_210 = arith.cmpi ne, %convert_element_type3A_208, %cond3A_209 : i32
      scf.if %cond3A_210 {
        %dma_wait3A_288 = arith.constant 0 : i32
        %dma_wait3A_289 = tpu.memref_slice %arg3[%dma_wait3A_288] : memref<327680xi32, #tpu.memory_space<hbm>> -> memref<128xi32, #tpu.memory_space<hbm>>
        %dma_wait3A_290 = arith.constant 0 : i32
        %dma_wait3A_291 = tpu.memref_slice %arg3[%dma_wait3A_290] : memref<327680xi32, #tpu.memory_space<hbm>> -> memref<128xi32, #tpu.memory_space<hbm>>
        tpu.wait_dma2 semaphore(%arg25 : memref<!tpu.dma_semaphore, #tpu.memory_space<semaphore_mem>>) src(%dma_wait3A_291 : memref<128xi32, #tpu.memory_space<hbm>>) dst(%arg13 : memref<128xi32, #tpu.memory_space<vmem>>)
        %dma_wait3A_292 = arith.constant 0 : i32
        %dma_wait3A_293 = tpu.memref_slice %arg3[%dma_wait3A_292] : memref<327680xi32, #tpu.memory_space<hbm>> -> memref<128xi32, #tpu.memory_space<hbm>>
        %dma_wait3A_294 = arith.constant 0 : i32
        %dma_wait3A_295 = tpu.memref_slice %arg3[%dma_wait3A_294] : memref<327680xi32, #tpu.memory_space<hbm>> -> memref<128xi32, #tpu.memory_space<hbm>>
        tpu.wait_dma2 semaphore(%arg25 : memref<!tpu.dma_semaphore, #tpu.memory_space<semaphore_mem>>) src(%dma_wait3A_295 : memref<128xi32, #tpu.memory_space<hbm>>) dst(%arg17 : memref<128xi32, #tpu.memory_space<vmem>>)
        %dma_start3A_296 = arith.constant 1 : i32
        %dma_start3A_297 = arith.constant 0 : i32
        %dma_start3A_298 = arith.constant 0 : i32
        %dma_start3A_299 = tpu.memref_slice %arg9[%dma_start3A_296, %dma_start3A_297, %dma_start3A_298] : memref<2x128x128xf32, #tpu.memory_space<vmem>> -> memref<1x128x128xf32, #tpu.memory_space<vmem>>
        %dma_start3A_300 = tpu.memref_squeeze %dma_start3A_299 : memref<1x128x128xf32, #tpu.memory_space<vmem>> -> memref<128x128xf32, #tpu.memory_space<vmem>>
        %dma_start3A_301 = arith.constant 0 : i32
        %dma_start3A_302 = arith.constant 0 : i32
        %dma_start3A_303 = tpu.memref_slice %arg2[%dma_start3A_301, %dma_start3A_302] : memref<10000x128xf32, #tpu.memory_space<hbm>> -> memref<10000x128xf32, #tpu.memory_space<hbm>>
        tpu.enqueue_indirect_dma source(%dma_start3A_303 : memref<10000x128xf32, #tpu.memory_space<hbm>>) target(%dma_start3A_300 : memref<128x128xf32, #tpu.memory_space<vmem>>) offsets(%arg13 : memref<128xi32, #tpu.memory_space<vmem>>) semaphore(%arg19 : memref<!tpu.dma_semaphore, #tpu.memory_space<semaphore_mem>>)
      } else {
      }
      %add3A_211 = arith.constant 2 : i32
      %add3A_212 = arith.addi %add3A_195, %add3A_211 : i32
      %lt3A_213 = arith.cmpi slt, %add3A_212, %select_n3A_8 : i32
      %convert_element_type3A_214 = arith.extui %lt3A_213 : i1 to i32
      %cond3A_215 = arith.constant 0 : i32
      %cond3A_216 = arith.cmpi ne, %convert_element_type3A_214, %cond3A_215 : i32
      scf.if %cond3A_216 {
        %add3A_288 = arith.constant 2 : i32
        %add3A_289 = arith.addi %add3A_195, %add3A_288 : i32
        %add3A_290 = arith.addi %select_n3A, %add3A_289 : i32
        %mul3A_291 = arith.constant 128 : i32
        %mul3A_292 = arith.muli %add3A_290, %mul3A_291 : i32
        %dma_start3A_293 = tpu.memref_slice %arg3[%mul3A_292] : memref<327680xi32, #tpu.memory_space<hbm>> -> memref<128xi32, #tpu.memory_space<hbm>>
        %dma_start3A_294 = tpu.memref_slice %arg3[%mul3A_292] : memref<327680xi32, #tpu.memory_space<hbm>> -> memref<128xi32, #tpu.memory_space<hbm>>
        tpu.enqueue_dma source(%dma_start3A_294 : memref<128xi32, #tpu.memory_space<hbm>>) target(%arg10 : memref<128xi32, #tpu.memory_space<vmem>>) target_semaphore(%arg22 : memref<!tpu.dma_semaphore, #tpu.memory_space<semaphore_mem>>)
        %dma_start3A_295 = tpu.memref_slice %arg4[%mul3A_292] : memref<327680xi32, #tpu.memory_space<hbm>> -> memref<128xi32, #tpu.memory_space<hbm>>
        %dma_start3A_296 = tpu.memref_slice %arg4[%mul3A_292] : memref<327680xi32, #tpu.memory_space<hbm>> -> memref<128xi32, #tpu.memory_space<hbm>>
        tpu.enqueue_dma source(%dma_start3A_296 : memref<128xi32, #tpu.memory_space<hbm>>) target(%arg14 : memref<128xi32, #tpu.memory_space<vmem>>) target_semaphore(%arg22 : memref<!tpu.dma_semaphore, #tpu.memory_space<semaphore_mem>>)
      } else {
      }
      %dma_wait3A_217 = arith.constant 0 : i32
      %dma_wait3A_218 = arith.constant 0 : i32
      %dma_wait3A_219 = arith.constant 0 : i32
      %dma_wait3A_220 = tpu.memref_slice %arg9[%dma_wait3A_217, %dma_wait3A_218, %dma_wait3A_219] : memref<2x128x128xf32, #tpu.memory_space<vmem>> -> memref<1x128x128xf32, #tpu.memory_space<vmem>>
      %dma_wait3A_221 = tpu.memref_squeeze %dma_wait3A_220 : memref<1x128x128xf32, #tpu.memory_space<vmem>> -> memref<128x128xf32, #tpu.memory_space<vmem>>
      %dma_wait3A_222 = arith.constant 0 : i32
      %dma_wait3A_223 = arith.constant 0 : i32
      %dma_wait3A_224 = tpu.memref_slice %arg2[%dma_wait3A_222, %dma_wait3A_223] : memref<10000x128xf32, #tpu.memory_space<hbm>> -> memref<128x128xf32, #tpu.memory_space<hbm>>
      %dma_wait3A_225 = arith.constant 0 : i32
      %dma_wait3A_226 = arith.constant 0 : i32
      %dma_wait3A_227 = tpu.memref_slice %arg9[%dma_wait3A_217, %dma_wait3A_225, %dma_wait3A_226] : memref<2x128x128xf32, #tpu.memory_space<vmem>> -> memref<1x128x128xf32, #tpu.memory_space<vmem>>
      %dma_wait3A_228 = tpu.memref_squeeze %dma_wait3A_227 : memref<1x128x128xf32, #tpu.memory_space<vmem>> -> memref<128x128xf32, #tpu.memory_space<vmem>>
      %dma_wait3A_229 = arith.constant 0 : i32
      %dma_wait3A_230 = arith.constant 0 : i32
      %dma_wait3A_231 = tpu.memref_slice %arg2[%dma_wait3A_229, %dma_wait3A_230] : memref<10000x128xf32, #tpu.memory_space<hbm>> -> memref<128x128xf32, #tpu.memory_space<hbm>>
      tpu.wait_dma2 semaphore(%arg18 : memref<!tpu.dma_semaphore, #tpu.memory_space<semaphore_mem>>) src(%dma_wait3A_231 : memref<128x128xf32, #tpu.memory_space<hbm>>) dst(%dma_wait3A_228 : memref<128x128xf32, #tpu.memory_space<vmem>>)
      %dma_start3A_232 = arith.constant 0 : i32
      %dma_start3A_233 = arith.constant 0 : i32
      %dma_start3A_234 = arith.constant 0 : i32
      %dma_start3A_235 = tpu.memref_slice %arg9[%dma_start3A_232, %dma_start3A_233, %dma_start3A_234] : memref<2x128x128xf32, #tpu.memory_space<vmem>> -> memref<1x128x128xf32, #tpu.memory_space<vmem>>
      %dma_start3A_236 = tpu.memref_squeeze %dma_start3A_235 : memref<1x128x128xf32, #tpu.memory_space<vmem>> -> memref<128x128xf32, #tpu.memory_space<vmem>>
      %dma_start3A_237 = arith.constant 0 : i32
      %dma_start3A_238 = arith.constant 0 : i32
      %dma_start3A_239 = tpu.memref_slice %arg8[%dma_start3A_237, %dma_start3A_238] : memref<10112x128xf32, #tpu.memory_space<vmem_shared>> -> memref<10112x128xf32, #tpu.memory_space<vmem_shared>>
      tpu.enqueue_indirect_dma source(%dma_start3A_236 : memref<128x128xf32, #tpu.memory_space<vmem>>) target(%dma_start3A_239 : memref<10112x128xf32, #tpu.memory_space<vmem_shared>>) offsets(%arg16 : memref<128xi32, #tpu.memory_space<vmem>>) semaphore(%arg20 : memref<!tpu.dma_semaphore, #tpu.memory_space<semaphore_mem>>) {add = true}
      %mul3A_240 = arith.constant 4 : i32
      %mul3A_241 = arith.muli %while3A_97, %mul3A_240 : i32
      %add3A_242 = arith.constant 3 : i32
      %add3A_243 = arith.addi %mul3A_241, %add3A_242 : i32
      %ge3A_244 = arith.constant 1 : i32
      %ge3A_245 = arith.cmpi sge, %add3A_243, %ge3A_244 : i32
      %add3A_246 = arith.constant 1 : i32
      %add3A_247 = arith.addi %add3A_243, %add3A_246 : i32
      %lt3A_248 = arith.cmpi slt, %add3A_247, %select_n3A_8 : i32
      %and3A_249 = arith.andi %ge3A_245, %lt3A_248 : i1
      %convert_element_type3A_250 = arith.extui %and3A_249 : i1 to i32
      %cond3A_251 = arith.constant 0 : i32
      %cond3A_252 = arith.cmpi ne, %convert_element_type3A_250, %cond3A_251 : i32
      scf.if %cond3A_252 {
        %dma_wait3A_288 = arith.constant 0 : i32
        %dma_wait3A_289 = arith.constant 0 : i32
        %dma_wait3A_290 = arith.constant 0 : i32
        %dma_wait3A_291 = tpu.memref_slice %arg9[%dma_wait3A_288, %dma_wait3A_289, %dma_wait3A_290] : memref<2x128x128xf32, #tpu.memory_space<vmem>> -> memref<1x128x128xf32, #tpu.memory_space<vmem>>
        %dma_wait3A_292 = tpu.memref_squeeze %dma_wait3A_291 : memref<1x128x128xf32, #tpu.memory_space<vmem>> -> memref<128x128xf32, #tpu.memory_space<vmem>>
        %dma_wait3A_293 = arith.constant 0 : i32
        %dma_wait3A_294 = arith.constant 0 : i32
        %dma_wait3A_295 = tpu.memref_slice %arg2[%dma_wait3A_293, %dma_wait3A_294] : memref<10000x128xf32, #tpu.memory_space<hbm>> -> memref<128x128xf32, #tpu.memory_space<hbm>>
        %dma_wait3A_296 = arith.constant 0 : i32
        %dma_wait3A_297 = arith.constant 0 : i32
        %dma_wait3A_298 = tpu.memref_slice %arg9[%dma_wait3A_288, %dma_wait3A_296, %dma_wait3A_297] : memref<2x128x128xf32, #tpu.memory_space<vmem>> -> memref<1x128x128xf32, #tpu.memory_space<vmem>>
        %dma_wait3A_299 = tpu.memref_squeeze %dma_wait3A_298 : memref<1x128x128xf32, #tpu.memory_space<vmem>> -> memref<128x128xf32, #tpu.memory_space<vmem>>
        %dma_wait3A_300 = arith.constant 0 : i32
        %dma_wait3A_301 = arith.constant 0 : i32
        %dma_wait3A_302 = tpu.memref_slice %arg2[%dma_wait3A_300, %dma_wait3A_301] : memref<10000x128xf32, #tpu.memory_space<hbm>> -> memref<128x128xf32, #tpu.memory_space<hbm>>
        tpu.wait_dma2 semaphore(%arg20 : memref<!tpu.dma_semaphore, #tpu.memory_space<semaphore_mem>>) src(%dma_wait3A_302 : memref<128x128xf32, #tpu.memory_space<hbm>>) dst(%dma_wait3A_299 : memref<128x128xf32, #tpu.memory_space<vmem>>)
      } else {
      }
      %add3A_253 = arith.constant 1 : i32
      %add3A_254 = arith.addi %add3A_243, %add3A_253 : i32
      %lt3A_255 = arith.cmpi slt, %add3A_254, %select_n3A_8 : i32
      %convert_element_type3A_256 = arith.extui %lt3A_255 : i1 to i32
      %cond3A_257 = arith.constant 0 : i32
      %cond3A_258 = arith.cmpi ne, %convert_element_type3A_256, %cond3A_257 : i32
      scf.if %cond3A_258 {
        %dma_wait3A_288 = arith.constant 0 : i32
        %dma_wait3A_289 = tpu.memref_slice %arg3[%dma_wait3A_288] : memref<327680xi32, #tpu.memory_space<hbm>> -> memref<128xi32, #tpu.memory_space<hbm>>
        %dma_wait3A_290 = arith.constant 0 : i32
        %dma_wait3A_291 = tpu.memref_slice %arg3[%dma_wait3A_290] : memref<327680xi32, #tpu.memory_space<hbm>> -> memref<128xi32, #tpu.memory_space<hbm>>
        tpu.wait_dma2 semaphore(%arg22 : memref<!tpu.dma_semaphore, #tpu.memory_space<semaphore_mem>>) src(%dma_wait3A_291 : memref<128xi32, #tpu.memory_space<hbm>>) dst(%arg10 : memref<128xi32, #tpu.memory_space<vmem>>)
        %dma_wait3A_292 = arith.constant 0 : i32
        %dma_wait3A_293 = tpu.memref_slice %arg3[%dma_wait3A_292] : memref<327680xi32, #tpu.memory_space<hbm>> -> memref<128xi32, #tpu.memory_space<hbm>>
        %dma_wait3A_294 = arith.constant 0 : i32
        %dma_wait3A_295 = tpu.memref_slice %arg3[%dma_wait3A_294] : memref<327680xi32, #tpu.memory_space<hbm>> -> memref<128xi32, #tpu.memory_space<hbm>>
        tpu.wait_dma2 semaphore(%arg22 : memref<!tpu.dma_semaphore, #tpu.memory_space<semaphore_mem>>) src(%dma_wait3A_295 : memref<128xi32, #tpu.memory_space<hbm>>) dst(%arg14 : memref<128xi32, #tpu.memory_space<vmem>>)
        %dma_start3A_296 = arith.constant 0 : i32
        %dma_start3A_297 = arith.constant 0 : i32
        %dma_start3A_298 = arith.constant 0 : i32
        %dma_start3A_299 = tpu.memref_slice %arg9[%dma_start3A_296, %dma_start3A_297, %dma_start3A_298] : memref<2x128x128xf32, #tpu.memory_space<vmem>> -> memref<1x128x128xf32, #tpu.memory_space<vmem>>
        %dma_start3A_300 = tpu.memref_squeeze %dma_start3A_299 : memref<1x128x128xf32, #tpu.memory_space<vmem>> -> memref<128x128xf32, #tpu.memory_space<vmem>>
        %dma_start3A_301 = arith.constant 0 : i32
        %dma_start3A_302 = arith.constant 0 : i32
        %dma_start3A_303 = tpu.memref_slice %arg2[%dma_start3A_301, %dma_start3A_302] : memref<10000x128xf32, #tpu.memory_space<hbm>> -> memref<10000x128xf32, #tpu.memory_space<hbm>>
        tpu.enqueue_indirect_dma source(%dma_start3A_303 : memref<10000x128xf32, #tpu.memory_space<hbm>>) target(%dma_start3A_300 : memref<128x128xf32, #tpu.memory_space<vmem>>) offsets(%arg10 : memref<128xi32, #tpu.memory_space<vmem>>) semaphore(%arg18 : memref<!tpu.dma_semaphore, #tpu.memory_space<semaphore_mem>>)
      } else {
      }
      %add3A_259 = arith.constant 2 : i32
      %add3A_260 = arith.addi %add3A_243, %add3A_259 : i32
      %lt3A_261 = arith.cmpi slt, %add3A_260, %select_n3A_8 : i32
      %convert_element_type3A_262 = arith.extui %lt3A_261 : i1 to i32
      %cond3A_263 = arith.constant 0 : i32
      %cond3A_264 = arith.cmpi ne, %convert_element_type3A_262, %cond3A_263 : i32
      scf.if %cond3A_264 {
        %add3A_288 = arith.constant 2 : i32
        %add3A_289 = arith.addi %add3A_243, %add3A_288 : i32
        %add3A_290 = arith.addi %select_n3A, %add3A_289 : i32
        %mul3A_291 = arith.constant 128 : i32
        %mul3A_292 = arith.muli %add3A_290, %mul3A_291 : i32
        %dma_start3A_293 = tpu.memref_slice %arg3[%mul3A_292] : memref<327680xi32, #tpu.memory_space<hbm>> -> memref<128xi32, #tpu.memory_space<hbm>>
        %dma_start3A_294 = tpu.memref_slice %arg3[%mul3A_292] : memref<327680xi32, #tpu.memory_space<hbm>> -> memref<128xi32, #tpu.memory_space<hbm>>
        tpu.enqueue_dma source(%dma_start3A_294 : memref<128xi32, #tpu.memory_space<hbm>>) target(%arg11 : memref<128xi32, #tpu.memory_space<vmem>>) target_semaphore(%arg23 : memref<!tpu.dma_semaphore, #tpu.memory_space<semaphore_mem>>)
        %dma_start3A_295 = tpu.memref_slice %arg4[%mul3A_292] : memref<327680xi32, #tpu.memory_space<hbm>> -> memref<128xi32, #tpu.memory_space<hbm>>
        %dma_start3A_296 = tpu.memref_slice %arg4[%mul3A_292] : memref<327680xi32, #tpu.memory_space<hbm>> -> memref<128xi32, #tpu.memory_space<hbm>>
        tpu.enqueue_dma source(%dma_start3A_296 : memref<128xi32, #tpu.memory_space<hbm>>) target(%arg15 : memref<128xi32, #tpu.memory_space<vmem>>) target_semaphore(%arg23 : memref<!tpu.dma_semaphore, #tpu.memory_space<semaphore_mem>>)
      } else {
      }
      %dma_wait3A_265 = arith.constant 1 : i32
      %dma_wait3A_266 = arith.constant 0 : i32
      %dma_wait3A_267 = arith.constant 0 : i32
      %dma_wait3A_268 = tpu.memref_slice %arg9[%dma_wait3A_265, %dma_wait3A_266, %dma_wait3A_267] : memref<2x128x128xf32, #tpu.memory_space<vmem>> -> memref<1x128x128xf32, #tpu.memory_space<vmem>>
      %dma_wait3A_269 = tpu.memref_squeeze %dma_wait3A_268 : memref<1x128x128xf32, #tpu.memory_space<vmem>> -> memref<128x128xf32, #tpu.memory_space<vmem>>
      %dma_wait3A_270 = arith.constant 0 : i32
      %dma_wait3A_271 = arith.constant 0 : i32
      %dma_wait3A_272 = tpu.memref_slice %arg2[%dma_wait3A_270, %dma_wait3A_271] : memref<10000x128xf32, #tpu.memory_space<hbm>> -> memref<128x128xf32, #tpu.memory_space<hbm>>
      %dma_wait3A_273 = arith.constant 0 : i32
      %dma_wait3A_274 = arith.constant 0 : i32
      %dma_wait3A_275 = tpu.memref_slice %arg9[%dma_wait3A_265, %dma_wait3A_273, %dma_wait3A_274] : memref<2x128x128xf32, #tpu.memory_space<vmem>> -> memref<1x128x128xf32, #tpu.memory_space<vmem>>
      %dma_wait3A_276 = tpu.memref_squeeze %dma_wait3A_275 : memref<1x128x128xf32, #tpu.memory_space<vmem>> -> memref<128x128xf32, #tpu.memory_space<vmem>>
      %dma_wait3A_277 = arith.constant 0 : i32
      %dma_wait3A_278 = arith.constant 0 : i32
      %dma_wait3A_279 = tpu.memref_slice %arg2[%dma_wait3A_277, %dma_wait3A_278] : memref<10000x128xf32, #tpu.memory_space<hbm>> -> memref<128x128xf32, #tpu.memory_space<hbm>>
      tpu.wait_dma2 semaphore(%arg19 : memref<!tpu.dma_semaphore, #tpu.memory_space<semaphore_mem>>) src(%dma_wait3A_279 : memref<128x128xf32, #tpu.memory_space<hbm>>) dst(%dma_wait3A_276 : memref<128x128xf32, #tpu.memory_space<vmem>>)
      %dma_start3A_280 = arith.constant 1 : i32
      %dma_start3A_281 = arith.constant 0 : i32
      %dma_start3A_282 = arith.constant 0 : i32
      %dma_start3A_283 = tpu.memref_slice %arg9[%dma_start3A_280, %dma_start3A_281, %dma_start3A_282] : memref<2x128x128xf32, #tpu.memory_space<vmem>> -> memref<1x128x128xf32, #tpu.memory_space<vmem>>
      %dma_start3A_284 = tpu.memref_squeeze %dma_start3A_283 : memref<1x128x128xf32, #tpu.memory_space<vmem>> -> memref<128x128xf32, #tpu.memory_space<vmem>>
      %dma_start3A_285 = arith.constant 0 : i32
      %dma_start3A_286 = arith.constant 0 : i32
      %dma_start3A_287 = tpu.memref_slice %arg8[%dma_start3A_285, %dma_start3A_286] : memref<10112x128xf32, #tpu.memory_space<vmem_shared>> -> memref<10112x128xf32, #tpu.memory_space<vmem_shared>>
      tpu.enqueue_indirect_dma source(%dma_start3A_284 : memref<128x128xf32, #tpu.memory_space<vmem>>) target(%dma_start3A_287 : memref<10112x128xf32, #tpu.memory_space<vmem_shared>>) offsets(%arg17 : memref<128xi32, #tpu.memory_space<vmem>>) semaphore(%arg21 : memref<!tpu.dma_semaphore, #tpu.memory_space<semaphore_mem>>) {add = true}
    }
    %while3A_58 = arith.constant 1 : i32
    scf.for %while3A_97 = %while3A_56 to %while3A_52 step %while3A_58  : i32 {
      %mul3A_98 = arith.constant 4 : i32
      %mul3A_99 = arith.muli %while3A_97, %mul3A_98 : i32
      %add3A_100 = arith.constant 0 : i32
      %add3A_101 = arith.addi %mul3A_99, %add3A_100 : i32
      %ge3A = arith.constant 1 : i32
      %ge3A_102 = arith.cmpi sge, %add3A_101, %ge3A : i32
      %add3A_103 = arith.constant 1 : i32
      %add3A_104 = arith.addi %add3A_101, %add3A_103 : i32
      %lt3A = arith.cmpi slt, %add3A_104, %select_n3A_8 : i32
      %and3A_105 = arith.andi %ge3A_102, %lt3A : i1
      %convert_element_type3A_106 = arith.extui %and3A_105 : i1 to i32
      %cond3A_107 = arith.constant 0 : i32
      %cond3A_108 = arith.cmpi ne, %convert_element_type3A_106, %cond3A_107 : i32
      scf.if %cond3A_108 {
        %dma_wait3A_288 = arith.constant 1 : i32
        %dma_wait3A_289 = arith.constant 0 : i32
        %dma_wait3A_290 = arith.constant 0 : i32
        %dma_wait3A_291 = tpu.memref_slice %arg9[%dma_wait3A_288, %dma_wait3A_289, %dma_wait3A_290] : memref<2x128x128xf32, #tpu.memory_space<vmem>> -> memref<1x128x128xf32, #tpu.memory_space<vmem>>
        %dma_wait3A_292 = tpu.memref_squeeze %dma_wait3A_291 : memref<1x128x128xf32, #tpu.memory_space<vmem>> -> memref<128x128xf32, #tpu.memory_space<vmem>>
        %dma_wait3A_293 = arith.constant 0 : i32
        %dma_wait3A_294 = arith.constant 0 : i32
        %dma_wait3A_295 = tpu.memref_slice %arg2[%dma_wait3A_293, %dma_wait3A_294] : memref<10000x128xf32, #tpu.memory_space<hbm>> -> memref<128x128xf32, #tpu.memory_space<hbm>>
        %dma_wait3A_296 = arith.constant 0 : i32
        %dma_wait3A_297 = arith.constant 0 : i32
        %dma_wait3A_298 = tpu.memref_slice %arg9[%dma_wait3A_288, %dma_wait3A_296, %dma_wait3A_297] : memref<2x128x128xf32, #tpu.memory_space<vmem>> -> memref<1x128x128xf32, #tpu.memory_space<vmem>>
        %dma_wait3A_299 = tpu.memref_squeeze %dma_wait3A_298 : memref<1x128x128xf32, #tpu.memory_space<vmem>> -> memref<128x128xf32, #tpu.memory_space<vmem>>
        %dma_wait3A_300 = arith.constant 0 : i32
        %dma_wait3A_301 = arith.constant 0 : i32
        %dma_wait3A_302 = tpu.memref_slice %arg2[%dma_wait3A_300, %dma_wait3A_301] : memref<10000x128xf32, #tpu.memory_space<hbm>> -> memref<128x128xf32, #tpu.memory_space<hbm>>
        tpu.wait_dma2 semaphore(%arg21 : memref<!tpu.dma_semaphore, #tpu.memory_space<semaphore_mem>>) src(%dma_wait3A_302 : memref<128x128xf32, #tpu.memory_space<hbm>>) dst(%dma_wait3A_299 : memref<128x128xf32, #tpu.memory_space<vmem>>)
      } else {
      }
      %add3A_109 = arith.constant 1 : i32
      %add3A_110 = arith.addi %add3A_101, %add3A_109 : i32
      %lt3A_111 = arith.cmpi slt, %add3A_110, %select_n3A_8 : i32
      %convert_element_type3A_112 = arith.extui %lt3A_111 : i1 to i32
      %cond3A_113 = arith.constant 0 : i32
      %cond3A_114 = arith.cmpi ne, %convert_element_type3A_112, %cond3A_113 : i32
      scf.if %cond3A_114 {
        %dma_wait3A_288 = arith.constant 0 : i32
        %dma_wait3A_289 = tpu.memref_slice %arg3[%dma_wait3A_288] : memref<327680xi32, #tpu.memory_space<hbm>> -> memref<128xi32, #tpu.memory_space<hbm>>
        %dma_wait3A_290 = arith.constant 0 : i32
        %dma_wait3A_291 = tpu.memref_slice %arg3[%dma_wait3A_290] : memref<327680xi32, #tpu.memory_space<hbm>> -> memref<128xi32, #tpu.memory_space<hbm>>
        tpu.wait_dma2 semaphore(%arg23 : memref<!tpu.dma_semaphore, #tpu.memory_space<semaphore_mem>>) src(%dma_wait3A_291 : memref<128xi32, #tpu.memory_space<hbm>>) dst(%arg11 : memref<128xi32, #tpu.memory_space<vmem>>)
        %dma_wait3A_292 = arith.constant 0 : i32
        %dma_wait3A_293 = tpu.memref_slice %arg3[%dma_wait3A_292] : memref<327680xi32, #tpu.memory_space<hbm>> -> memref<128xi32, #tpu.memory_space<hbm>>
        %dma_wait3A_294 = arith.constant 0 : i32
        %dma_wait3A_295 = tpu.memref_slice %arg3[%dma_wait3A_294] : memref<327680xi32, #tpu.memory_space<hbm>> -> memref<128xi32, #tpu.memory_space<hbm>>
        tpu.wait_dma2 semaphore(%arg23 : memref<!tpu.dma_semaphore, #tpu.memory_space<semaphore_mem>>) src(%dma_wait3A_295 : memref<128xi32, #tpu.memory_space<hbm>>) dst(%arg15 : memref<128xi32, #tpu.memory_space<vmem>>)
        %dma_start3A_296 = arith.constant 1 : i32
        %dma_start3A_297 = arith.constant 0 : i32
        %dma_start3A_298 = arith.constant 0 : i32
        %dma_start3A_299 = tpu.memref_slice %arg9[%dma_start3A_296, %dma_start3A_297, %dma_start3A_298] : memref<2x128x128xf32, #tpu.memory_space<vmem>> -> memref<1x128x128xf32, #tpu.memory_space<vmem>>
        %dma_start3A_300 = tpu.memref_squeeze %dma_start3A_299 : memref<1x128x128xf32, #tpu.memory_space<vmem>> -> memref<128x128xf32, #tpu.memory_space<vmem>>
        %dma_start3A_301 = arith.constant 0 : i32
        %dma_start3A_302 = arith.constant 0 : i32
        %dma_start3A_303 = tpu.memref_slice %arg2[%dma_start3A_301, %dma_start3A_302] : memref<10000x128xf32, #tpu.memory_space<hbm>> -> memref<10000x128xf32, #tpu.memory_space<hbm>>
        tpu.enqueue_indirect_dma source(%dma_start3A_303 : memref<10000x128xf32, #tpu.memory_space<hbm>>) target(%dma_start3A_300 : memref<128x128xf32, #tpu.memory_space<vmem>>) offsets(%arg11 : memref<128xi32, #tpu.memory_space<vmem>>) semaphore(%arg19 : memref<!tpu.dma_semaphore, #tpu.memory_space<semaphore_mem>>)
      } else {
      }
      %add3A_115 = arith.constant 2 : i32
      %add3A_116 = arith.addi %add3A_101, %add3A_115 : i32
      %lt3A_117 = arith.cmpi slt, %add3A_116, %select_n3A_8 : i32
      %convert_element_type3A_118 = arith.extui %lt3A_117 : i1 to i32
      %cond3A_119 = arith.constant 0 : i32
      %cond3A_120 = arith.cmpi ne, %convert_element_type3A_118, %cond3A_119 : i32
      scf.if %cond3A_120 {
        %add3A_288 = arith.constant 2 : i32
        %add3A_289 = arith.addi %add3A_101, %add3A_288 : i32
        %add3A_290 = arith.addi %select_n3A, %add3A_289 : i32
        %mul3A_291 = arith.constant 128 : i32
        %mul3A_292 = arith.muli %add3A_290, %mul3A_291 : i32
        %dma_start3A_293 = tpu.memref_slice %arg3[%mul3A_292] : memref<327680xi32, #tpu.memory_space<hbm>> -> memref<128xi32, #tpu.memory_space<hbm>>
        %dma_start3A_294 = tpu.memref_slice %arg3[%mul3A_292] : memref<327680xi32, #tpu.memory_space<hbm>> -> memref<128xi32, #tpu.memory_space<hbm>>
        tpu.enqueue_dma source(%dma_start3A_294 : memref<128xi32, #tpu.memory_space<hbm>>) target(%arg12 : memref<128xi32, #tpu.memory_space<vmem>>) target_semaphore(%arg24 : memref<!tpu.dma_semaphore, #tpu.memory_space<semaphore_mem>>)
        %dma_start3A_295 = tpu.memref_slice %arg4[%mul3A_292] : memref<327680xi32, #tpu.memory_space<hbm>> -> memref<128xi32, #tpu.memory_space<hbm>>
        %dma_start3A_296 = tpu.memref_slice %arg4[%mul3A_292] : memref<327680xi32, #tpu.memory_space<hbm>> -> memref<128xi32, #tpu.memory_space<hbm>>
        tpu.enqueue_dma source(%dma_start3A_296 : memref<128xi32, #tpu.memory_space<hbm>>) target(%arg16 : memref<128xi32, #tpu.memory_space<vmem>>) target_semaphore(%arg24 : memref<!tpu.dma_semaphore, #tpu.memory_space<semaphore_mem>>)
      } else {
      }
      %dma_wait3A_121 = arith.constant 0 : i32
      %dma_wait3A_122 = arith.constant 0 : i32
      %dma_wait3A_123 = arith.constant 0 : i32
      %dma_wait3A_124 = tpu.memref_slice %arg9[%dma_wait3A_121, %dma_wait3A_122, %dma_wait3A_123] : memref<2x128x128xf32, #tpu.memory_space<vmem>> -> memref<1x128x128xf32, #tpu.memory_space<vmem>>
      %dma_wait3A_125 = tpu.memref_squeeze %dma_wait3A_124 : memref<1x128x128xf32, #tpu.memory_space<vmem>> -> memref<128x128xf32, #tpu.memory_space<vmem>>
      %dma_wait3A_126 = arith.constant 0 : i32
      %dma_wait3A_127 = arith.constant 0 : i32
      %dma_wait3A_128 = tpu.memref_slice %arg2[%dma_wait3A_126, %dma_wait3A_127] : memref<10000x128xf32, #tpu.memory_space<hbm>> -> memref<128x128xf32, #tpu.memory_space<hbm>>
      %dma_wait3A_129 = arith.constant 0 : i32
      %dma_wait3A_130 = arith.constant 0 : i32
      %dma_wait3A_131 = tpu.memref_slice %arg9[%dma_wait3A_121, %dma_wait3A_129, %dma_wait3A_130] : memref<2x128x128xf32, #tpu.memory_space<vmem>> -> memref<1x128x128xf32, #tpu.memory_space<vmem>>
      %dma_wait3A_132 = tpu.memref_squeeze %dma_wait3A_131 : memref<1x128x128xf32, #tpu.memory_space<vmem>> -> memref<128x128xf32, #tpu.memory_space<vmem>>
      %dma_wait3A_133 = arith.constant 0 : i32
      %dma_wait3A_134 = arith.constant 0 : i32
      %dma_wait3A_135 = tpu.memref_slice %arg2[%dma_wait3A_133, %dma_wait3A_134] : memref<10000x128xf32, #tpu.memory_space<hbm>> -> memref<128x128xf32, #tpu.memory_space<hbm>>
      tpu.wait_dma2 semaphore(%arg18 : memref<!tpu.dma_semaphore, #tpu.memory_space<semaphore_mem>>) src(%dma_wait3A_135 : memref<128x128xf32, #tpu.memory_space<hbm>>) dst(%dma_wait3A_132 : memref<128x128xf32, #tpu.memory_space<vmem>>)
      %dma_start3A_136 = arith.constant 0 : i32
      %dma_start3A_137 = arith.constant 0 : i32
      %dma_start3A_138 = arith.constant 0 : i32
      %dma_start3A_139 = tpu.memref_slice %arg9[%dma_start3A_136, %dma_start3A_137, %dma_start3A_138] : memref<2x128x128xf32, #tpu.memory_space<vmem>> -> memref<1x128x128xf32, #tpu.memory_space<vmem>>
      %dma_start3A_140 = tpu.memref_squeeze %dma_start3A_139 : memref<1x128x128xf32, #tpu.memory_space<vmem>> -> memref<128x128xf32, #tpu.memory_space<vmem>>
      %dma_start3A_141 = arith.constant 0 : i32
      %dma_start3A_142 = arith.constant 0 : i32
      %dma_start3A_143 = tpu.memref_slice %arg8[%dma_start3A_141, %dma_start3A_142] : memref<10112x128xf32, #tpu.memory_space<vmem_shared>> -> memref<10112x128xf32, #tpu.memory_space<vmem_shared>>
      tpu.enqueue_indirect_dma source(%dma_start3A_140 : memref<128x128xf32, #tpu.memory_space<vmem>>) target(%dma_start3A_143 : memref<10112x128xf32, #tpu.memory_space<vmem_shared>>) offsets(%arg14 : memref<128xi32, #tpu.memory_space<vmem>>) semaphore(%arg20 : memref<!tpu.dma_semaphore, #tpu.memory_space<semaphore_mem>>) {add = true}
      %mul3A_144 = arith.constant 4 : i32
      %mul3A_145 = arith.muli %while3A_97, %mul3A_144 : i32
      %add3A_146 = arith.constant 1 : i32
      %add3A_147 = arith.addi %mul3A_145, %add3A_146 : i32
      %ge3A_148 = arith.constant 1 : i32
      %ge3A_149 = arith.cmpi sge, %add3A_147, %ge3A_148 : i32
      %add3A_150 = arith.constant 1 : i32
      %add3A_151 = arith.addi %add3A_147, %add3A_150 : i32
      %lt3A_152 = arith.cmpi slt, %add3A_151, %select_n3A_8 : i32
      %and3A_153 = arith.andi %ge3A_149, %lt3A_152 : i1
      %convert_element_type3A_154 = arith.extui %and3A_153 : i1 to i32
      %cond3A_155 = arith.constant 0 : i32
      %cond3A_156 = arith.cmpi ne, %convert_element_type3A_154, %cond3A_155 : i32
      scf.if %cond3A_156 {
        %dma_wait3A_288 = arith.constant 0 : i32
        %dma_wait3A_289 = arith.constant 0 : i32
        %dma_wait3A_290 = arith.constant 0 : i32
        %dma_wait3A_291 = tpu.memref_slice %arg9[%dma_wait3A_288, %dma_wait3A_289, %dma_wait3A_290] : memref<2x128x128xf32, #tpu.memory_space<vmem>> -> memref<1x128x128xf32, #tpu.memory_space<vmem>>
        %dma_wait3A_292 = tpu.memref_squeeze %dma_wait3A_291 : memref<1x128x128xf32, #tpu.memory_space<vmem>> -> memref<128x128xf32, #tpu.memory_space<vmem>>
        %dma_wait3A_293 = arith.constant 0 : i32
        %dma_wait3A_294 = arith.constant 0 : i32
        %dma_wait3A_295 = tpu.memref_slice %arg2[%dma_wait3A_293, %dma_wait3A_294] : memref<10000x128xf32, #tpu.memory_space<hbm>> -> memref<128x128xf32, #tpu.memory_space<hbm>>
        %dma_wait3A_296 = arith.constant 0 : i32
        %dma_wait3A_297 = arith.constant 0 : i32
        %dma_wait3A_298 = tpu.memref_slice %arg9[%dma_wait3A_288, %dma_wait3A_296, %dma_wait3A_297] : memref<2x128x128xf32, #tpu.memory_space<vmem>> -> memref<1x128x128xf32, #tpu.memory_space<vmem>>
        %dma_wait3A_299 = tpu.memref_squeeze %dma_wait3A_298 : memref<1x128x128xf32, #tpu.memory_space<vmem>> -> memref<128x128xf32, #tpu.memory_space<vmem>>
        %dma_wait3A_300 = arith.constant 0 : i32
        %dma_wait3A_301 = arith.constant 0 : i32
        %dma_wait3A_302 = tpu.memref_slice %arg2[%dma_wait3A_300, %dma_wait3A_301] : memref<10000x128xf32, #tpu.memory_space<hbm>> -> memref<128x128xf32, #tpu.memory_space<hbm>>
        tpu.wait_dma2 semaphore(%arg20 : memref<!tpu.dma_semaphore, #tpu.memory_space<semaphore_mem>>) src(%dma_wait3A_302 : memref<128x128xf32, #tpu.memory_space<hbm>>) dst(%dma_wait3A_299 : memref<128x128xf32, #tpu.memory_space<vmem>>)
      } else {
      }
      %add3A_157 = arith.constant 1 : i32
      %add3A_158 = arith.addi %add3A_147, %add3A_157 : i32
      %lt3A_159 = arith.cmpi slt, %add3A_158, %select_n3A_8 : i32
      %convert_element_type3A_160 = arith.extui %lt3A_159 : i1 to i32
      %cond3A_161 = arith.constant 0 : i32
      %cond3A_162 = arith.cmpi ne, %convert_element_type3A_160, %cond3A_161 : i32
      scf.if %cond3A_162 {
        %dma_wait3A_288 = arith.constant 0 : i32
        %dma_wait3A_289 = tpu.memref_slice %arg3[%dma_wait3A_288] : memref<327680xi32, #tpu.memory_space<hbm>> -> memref<128xi32, #tpu.memory_space<hbm>>
        %dma_wait3A_290 = arith.constant 0 : i32
        %dma_wait3A_291 = tpu.memref_slice %arg3[%dma_wait3A_290] : memref<327680xi32, #tpu.memory_space<hbm>> -> memref<128xi32, #tpu.memory_space<hbm>>
        tpu.wait_dma2 semaphore(%arg24 : memref<!tpu.dma_semaphore, #tpu.memory_space<semaphore_mem>>) src(%dma_wait3A_291 : memref<128xi32, #tpu.memory_space<hbm>>) dst(%arg12 : memref<128xi32, #tpu.memory_space<vmem>>)
        %dma_wait3A_292 = arith.constant 0 : i32
        %dma_wait3A_293 = tpu.memref_slice %arg3[%dma_wait3A_292] : memref<327680xi32, #tpu.memory_space<hbm>> -> memref<128xi32, #tpu.memory_space<hbm>>
        %dma_wait3A_294 = arith.constant 0 : i32
        %dma_wait3A_295 = tpu.memref_slice %arg3[%dma_wait3A_294] : memref<327680xi32, #tpu.memory_space<hbm>> -> memref<128xi32, #tpu.memory_space<hbm>>
        tpu.wait_dma2 semaphore(%arg24 : memref<!tpu.dma_semaphore, #tpu.memory_space<semaphore_mem>>) src(%dma_wait3A_295 : memref<128xi32, #tpu.memory_space<hbm>>) dst(%arg16 : memref<128xi32, #tpu.memory_space<vmem>>)
        %dma_start3A_296 = arith.constant 0 : i32
        %dma_start3A_297 = arith.constant 0 : i32
        %dma_start3A_298 = arith.constant 0 : i32
        %dma_start3A_299 = tpu.memref_slice %arg9[%dma_start3A_296, %dma_start3A_297, %dma_start3A_298] : memref<2x128x128xf32, #tpu.memory_space<vmem>> -> memref<1x128x128xf32, #tpu.memory_space<vmem>>
        %dma_start3A_300 = tpu.memref_squeeze %dma_start3A_299 : memref<1x128x128xf32, #tpu.memory_space<vmem>> -> memref<128x128xf32, #tpu.memory_space<vmem>>
        %dma_start3A_301 = arith.constant 0 : i32
        %dma_start3A_302 = arith.constant 0 : i32
        %dma_start3A_303 = tpu.memref_slice %arg2[%dma_start3A_301, %dma_start3A_302] : memref<10000x128xf32, #tpu.memory_space<hbm>> -> memref<10000x128xf32, #tpu.memory_space<hbm>>
        tpu.enqueue_indirect_dma source(%dma_start3A_303 : memref<10000x128xf32, #tpu.memory_space<hbm>>) target(%dma_start3A_300 : memref<128x128xf32, #tpu.memory_space<vmem>>) offsets(%arg12 : memref<128xi32, #tpu.memory_space<vmem>>) semaphore(%arg18 : memref<!tpu.dma_semaphore, #tpu.memory_space<semaphore_mem>>)
      } else {
      }
      %add3A_163 = arith.constant 2 : i32
      %add3A_164 = arith.addi %add3A_147, %add3A_163 : i32
      %lt3A_165 = arith.cmpi slt, %add3A_164, %select_n3A_8 : i32
      %convert_element_type3A_166 = arith.extui %lt3A_165 : i1 to i32
      %cond3A_167 = arith.constant 0 : i32
      %cond3A_168 = arith.cmpi ne, %convert_element_type3A_166, %cond3A_167 : i32
      scf.if %cond3A_168 {
        %add3A_288 = arith.constant 2 : i32
        %add3A_289 = arith.addi %add3A_147, %add3A_288 : i32
        %add3A_290 = arith.addi %select_n3A, %add3A_289 : i32
        %mul3A_291 = arith.constant 128 : i32
        %mul3A_292 = arith.muli %add3A_290, %mul3A_291 : i32
        %dma_start3A_293 = tpu.memref_slice %arg3[%mul3A_292] : memref<327680xi32, #tpu.memory_space<hbm>> -> memref<128xi32, #tpu.memory_space<hbm>>
        %dma_start3A_294 = tpu.memref_slice %arg3[%mul3A_292] : memref<327680xi32, #tpu.memory_space<hbm>> -> memref<128xi32, #tpu.memory_space<hbm>>
        tpu.enqueue_dma source(%dma_start3A_294 : memref<128xi32, #tpu.memory_space<hbm>>) target(%arg13 : memref<128xi32, #tpu.memory_space<vmem>>) target_semaphore(%arg25 : memref<!tpu.dma_semaphore, #tpu.memory_space<semaphore_mem>>)
        %dma_start3A_295 = tpu.memref_slice %arg4[%mul3A_292] : memref<327680xi32, #tpu.memory_space<hbm>> -> memref<128xi32, #tpu.memory_space<hbm>>
        %dma_start3A_296 = tpu.memref_slice %arg4[%mul3A_292] : memref<327680xi32, #tpu.memory_space<hbm>> -> memref<128xi32, #tpu.memory_space<hbm>>
        tpu.enqueue_dma source(%dma_start3A_296 : memref<128xi32, #tpu.memory_space<hbm>>) target(%arg17 : memref<128xi32, #tpu.memory_space<vmem>>) target_semaphore(%arg25 : memref<!tpu.dma_semaphore, #tpu.memory_space<semaphore_mem>>)
      } else {
      }
      %dma_wait3A_169 = arith.constant 1 : i32
      %dma_wait3A_170 = arith.constant 0 : i32
      %dma_wait3A_171 = arith.constant 0 : i32
      %dma_wait3A_172 = tpu.memref_slice %arg9[%dma_wait3A_169, %dma_wait3A_170, %dma_wait3A_171] : memref<2x128x128xf32, #tpu.memory_space<vmem>> -> memref<1x128x128xf32, #tpu.memory_space<vmem>>
      %dma_wait3A_173 = tpu.memref_squeeze %dma_wait3A_172 : memref<1x128x128xf32, #tpu.memory_space<vmem>> -> memref<128x128xf32, #tpu.memory_space<vmem>>
      %dma_wait3A_174 = arith.constant 0 : i32
      %dma_wait3A_175 = arith.constant 0 : i32
      %dma_wait3A_176 = tpu.memref_slice %arg2[%dma_wait3A_174, %dma_wait3A_175] : memref<10000x128xf32, #tpu.memory_space<hbm>> -> memref<128x128xf32, #tpu.memory_space<hbm>>
      %dma_wait3A_177 = arith.constant 0 : i32
      %dma_wait3A_178 = arith.constant 0 : i32
      %dma_wait3A_179 = tpu.memref_slice %arg9[%dma_wait3A_169, %dma_wait3A_177, %dma_wait3A_178] : memref<2x128x128xf32, #tpu.memory_space<vmem>> -> memref<1x128x128xf32, #tpu.memory_space<vmem>>
      %dma_wait3A_180 = tpu.memref_squeeze %dma_wait3A_179 : memref<1x128x128xf32, #tpu.memory_space<vmem>> -> memref<128x128xf32, #tpu.memory_space<vmem>>
      %dma_wait3A_181 = arith.constant 0 : i32
      %dma_wait3A_182 = arith.constant 0 : i32
      %dma_wait3A_183 = tpu.memref_slice %arg2[%dma_wait3A_181, %dma_wait3A_182] : memref<10000x128xf32, #tpu.memory_space<hbm>> -> memref<128x128xf32, #tpu.memory_space<hbm>>
      tpu.wait_dma2 semaphore(%arg19 : memref<!tpu.dma_semaphore, #tpu.memory_space<semaphore_mem>>) src(%dma_wait3A_183 : memref<128x128xf32, #tpu.memory_space<hbm>>) dst(%dma_wait3A_180 : memref<128x128xf32, #tpu.memory_space<vmem>>)
      %dma_start3A_184 = arith.constant 1 : i32
      %dma_start3A_185 = arith.constant 0 : i32
      %dma_start3A_186 = arith.constant 0 : i32
      %dma_start3A_187 = tpu.memref_slice %arg9[%dma_start3A_184, %dma_start3A_185, %dma_start3A_186] : memref<2x128x128xf32, #tpu.memory_space<vmem>> -> memref<1x128x128xf32, #tpu.memory_space<vmem>>
      %dma_start3A_188 = tpu.memref_squeeze %dma_start3A_187 : memref<1x128x128xf32, #tpu.memory_space<vmem>> -> memref<128x128xf32, #tpu.memory_space<vmem>>
      %dma_start3A_189 = arith.constant 0 : i32
      %dma_start3A_190 = arith.constant 0 : i32
      %dma_start3A_191 = tpu.memref_slice %arg8[%dma_start3A_189, %dma_start3A_190] : memref<10112x128xf32, #tpu.memory_space<vmem_shared>> -> memref<10112x128xf32, #tpu.memory_space<vmem_shared>>
      tpu.enqueue_indirect_dma source(%dma_start3A_188 : memref<128x128xf32, #tpu.memory_space<vmem>>) target(%dma_start3A_191 : memref<10112x128xf32, #tpu.memory_space<vmem_shared>>) offsets(%arg15 : memref<128xi32, #tpu.memory_space<vmem>>) semaphore(%arg21 : memref<!tpu.dma_semaphore, #tpu.memory_space<semaphore_mem>>) {add = true}
      %mul3A_192 = arith.constant 4 : i32
      %mul3A_193 = arith.muli %while3A_97, %mul3A_192 : i32
      %add3A_194 = arith.constant 2 : i32
      %add3A_195 = arith.addi %mul3A_193, %add3A_194 : i32
      %ge3A_196 = arith.constant 1 : i32
      %ge3A_197 = arith.cmpi sge, %add3A_195, %ge3A_196 : i32
      %add3A_198 = arith.constant 1 : i32
      %add3A_199 = arith.addi %add3A_195, %add3A_198 : i32
      %lt3A_200 = arith.cmpi slt, %add3A_199, %select_n3A_8 : i32
      %and3A_201 = arith.andi %ge3A_197, %lt3A_200 : i1
      %convert_element_type3A_202 = arith.extui %and3A_201 : i1 to i32
      %cond3A_203 = arith.constant 0 : i32
      %cond3A_204 = arith.cmpi ne, %convert_element_type3A_202, %cond3A_203 : i32
      scf.if %cond3A_204 {
        %dma_wait3A_288 = arith.constant 1 : i32
        %dma_wait3A_289 = arith.constant 0 : i32
        %dma_wait3A_290 = arith.constant 0 : i32
        %dma_wait3A_291 = tpu.memref_slice %arg9[%dma_wait3A_288, %dma_wait3A_289, %dma_wait3A_290] : memref<2x128x128xf32, #tpu.memory_space<vmem>> -> memref<1x128x128xf32, #tpu.memory_space<vmem>>
        %dma_wait3A_292 = tpu.memref_squeeze %dma_wait3A_291 : memref<1x128x128xf32, #tpu.memory_space<vmem>> -> memref<128x128xf32, #tpu.memory_space<vmem>>
        %dma_wait3A_293 = arith.constant 0 : i32
        %dma_wait3A_294 = arith.constant 0 : i32
        %dma_wait3A_295 = tpu.memref_slice %arg2[%dma_wait3A_293, %dma_wait3A_294] : memref<10000x128xf32, #tpu.memory_space<hbm>> -> memref<128x128xf32, #tpu.memory_space<hbm>>
        %dma_wait3A_296 = arith.constant 0 : i32
        %dma_wait3A_297 = arith.constant 0 : i32
        %dma_wait3A_298 = tpu.memref_slice %arg9[%dma_wait3A_288, %dma_wait3A_296, %dma_wait3A_297] : memref<2x128x128xf32, #tpu.memory_space<vmem>> -> memref<1x128x128xf32, #tpu.memory_space<vmem>>
        %dma_wait3A_299 = tpu.memref_squeeze %dma_wait3A_298 : memref<1x128x128xf32, #tpu.memory_space<vmem>> -> memref<128x128xf32, #tpu.memory_space<vmem>>
        %dma_wait3A_300 = arith.constant 0 : i32
        %dma_wait3A_301 = arith.constant 0 : i32
        %dma_wait3A_302 = tpu.memref_slice %arg2[%dma_wait3A_300, %dma_wait3A_301] : memref<10000x128xf32, #tpu.memory_space<hbm>> -> memref<128x128xf32, #tpu.memory_space<hbm>>
        tpu.wait_dma2 semaphore(%arg21 : memref<!tpu.dma_semaphore, #tpu.memory_space<semaphore_mem>>) src(%dma_wait3A_302 : memref<128x128xf32, #tpu.memory_space<hbm>>) dst(%dma_wait3A_299 : memref<128x128xf32, #tpu.memory_space<vmem>>)
      } else {
      }
      %add3A_205 = arith.constant 1 : i32
      %add3A_206 = arith.addi %add3A_195, %add3A_205 : i32
      %lt3A_207 = arith.cmpi slt, %add3A_206, %select_n3A_8 : i32
      %convert_element_type3A_208 = arith.extui %lt3A_207 : i1 to i32
      %cond3A_209 = arith.constant 0 : i32
      %cond3A_210 = arith.cmpi ne, %convert_element_type3A_208, %cond3A_209 : i32
      scf.if %cond3A_210 {
        %dma_wait3A_288 = arith.constant 0 : i32
        %dma_wait3A_289 = tpu.memref_slice %arg3[%dma_wait3A_288] : memref<327680xi32, #tpu.memory_space<hbm>> -> memref<128xi32, #tpu.memory_space<hbm>>
        %dma_wait3A_290 = arith.constant 0 : i32
        %dma_wait3A_291 = tpu.memref_slice %arg3[%dma_wait3A_290] : memref<327680xi32, #tpu.memory_space<hbm>> -> memref<128xi32, #tpu.memory_space<hbm>>
        tpu.wait_dma2 semaphore(%arg25 : memref<!tpu.dma_semaphore, #tpu.memory_space<semaphore_mem>>) src(%dma_wait3A_291 : memref<128xi32, #tpu.memory_space<hbm>>) dst(%arg13 : memref<128xi32, #tpu.memory_space<vmem>>)
        %dma_wait3A_292 = arith.constant 0 : i32
        %dma_wait3A_293 = tpu.memref_slice %arg3[%dma_wait3A_292] : memref<327680xi32, #tpu.memory_space<hbm>> -> memref<128xi32, #tpu.memory_space<hbm>>
        %dma_wait3A_294 = arith.constant 0 : i32
        %dma_wait3A_295 = tpu.memref_slice %arg3[%dma_wait3A_294] : memref<327680xi32, #tpu.memory_space<hbm>> -> memref<128xi32, #tpu.memory_space<hbm>>
        tpu.wait_dma2 semaphore(%arg25 : memref<!tpu.dma_semaphore, #tpu.memory_space<semaphore_mem>>) src(%dma_wait3A_295 : memref<128xi32, #tpu.memory_space<hbm>>) dst(%arg17 : memref<128xi32, #tpu.memory_space<vmem>>)
        %dma_start3A_296 = arith.constant 1 : i32
        %dma_start3A_297 = arith.constant 0 : i32
        %dma_start3A_298 = arith.constant 0 : i32
        %dma_start3A_299 = tpu.memref_slice %arg9[%dma_start3A_296, %dma_start3A_297, %dma_start3A_298] : memref<2x128x128xf32, #tpu.memory_space<vmem>> -> memref<1x128x128xf32, #tpu.memory_space<vmem>>
        %dma_start3A_300 = tpu.memref_squeeze %dma_start3A_299 : memref<1x128x128xf32, #tpu.memory_space<vmem>> -> memref<128x128xf32, #tpu.memory_space<vmem>>
        %dma_start3A_301 = arith.constant 0 : i32
        %dma_start3A_302 = arith.constant 0 : i32
        %dma_start3A_303 = tpu.memref_slice %arg2[%dma_start3A_301, %dma_start3A_302] : memref<10000x128xf32, #tpu.memory_space<hbm>> -> memref<10000x128xf32, #tpu.memory_space<hbm>>
        tpu.enqueue_indirect_dma source(%dma_start3A_303 : memref<10000x128xf32, #tpu.memory_space<hbm>>) target(%dma_start3A_300 : memref<128x128xf32, #tpu.memory_space<vmem>>) offsets(%arg13 : memref<128xi32, #tpu.memory_space<vmem>>) semaphore(%arg19 : memref<!tpu.dma_semaphore, #tpu.memory_space<semaphore_mem>>)
      } else {
      }
      %add3A_211 = arith.constant 2 : i32
      %add3A_212 = arith.addi %add3A_195, %add3A_211 : i32
      %lt3A_213 = arith.cmpi slt, %add3A_212, %select_n3A_8 : i32
      %convert_element_type3A_214 = arith.extui %lt3A_213 : i1 to i32
      %cond3A_215 = arith.constant 0 : i32
      %cond3A_216 = arith.cmpi ne, %convert_element_type3A_214, %cond3A_215 : i32
      scf.if %cond3A_216 {
        %add3A_288 = arith.constant 2 : i32
        %add3A_289 = arith.addi %add3A_195, %add3A_288 : i32
        %add3A_290 = arith.addi %select_n3A, %add3A_289 : i32
        %mul3A_291 = arith.constant 128 : i32
        %mul3A_292 = arith.muli %add3A_290, %mul3A_291 : i32
        %dma_start3A_293 = tpu.memref_slice %arg3[%mul3A_292] : memref<327680xi32, #tpu.memory_space<hbm>> -> memref<128xi32, #tpu.memory_space<hbm>>
        %dma_start3A_294 = tpu.memref_slice %arg3[%mul3A_292] : memref<327680xi32, #tpu.memory_space<hbm>> -> memref<128xi32, #tpu.memory_space<hbm>>
        tpu.enqueue_dma source(%dma_start3A_294 : memref<128xi32, #tpu.memory_space<hbm>>) target(%arg10 : memref<128xi32, #tpu.memory_space<vmem>>) target_semaphore(%arg22 : memref<!tpu.dma_semaphore, #tpu.memory_space<semaphore_mem>>)
        %dma_start3A_295 = tpu.memref_slice %arg4[%mul3A_292] : memref<327680xi32, #tpu.memory_space<hbm>> -> memref<128xi32, #tpu.memory_space<hbm>>
        %dma_start3A_296 = tpu.memref_slice %arg4[%mul3A_292] : memref<327680xi32, #tpu.memory_space<hbm>> -> memref<128xi32, #tpu.memory_space<hbm>>
        tpu.enqueue_dma source(%dma_start3A_296 : memref<128xi32, #tpu.memory_space<hbm>>) target(%arg14 : memref<128xi32, #tpu.memory_space<vmem>>) target_semaphore(%arg22 : memref<!tpu.dma_semaphore, #tpu.memory_space<semaphore_mem>>)
      } else {
      }
      %dma_wait3A_217 = arith.constant 0 : i32
      %dma_wait3A_218 = arith.constant 0 : i32
      %dma_wait3A_219 = arith.constant 0 : i32
      %dma_wait3A_220 = tpu.memref_slice %arg9[%dma_wait3A_217, %dma_wait3A_218, %dma_wait3A_219] : memref<2x128x128xf32, #tpu.memory_space<vmem>> -> memref<1x128x128xf32, #tpu.memory_space<vmem>>
      %dma_wait3A_221 = tpu.memref_squeeze %dma_wait3A_220 : memref<1x128x128xf32, #tpu.memory_space<vmem>> -> memref<128x128xf32, #tpu.memory_space<vmem>>
      %dma_wait3A_222 = arith.constant 0 : i32
      %dma_wait3A_223 = arith.constant 0 : i32
      %dma_wait3A_224 = tpu.memref_slice %arg2[%dma_wait3A_222, %dma_wait3A_223] : memref<10000x128xf32, #tpu.memory_space<hbm>> -> memref<128x128xf32, #tpu.memory_space<hbm>>
      %dma_wait3A_225 = arith.constant 0 : i32
      %dma_wait3A_226 = arith.constant 0 : i32
      %dma_wait3A_227 = tpu.memref_slice %arg9[%dma_wait3A_217, %dma_wait3A_225, %dma_wait3A_226] : memref<2x128x128xf32, #tpu.memory_space<vmem>> -> memref<1x128x128xf32, #tpu.memory_space<vmem>>
      %dma_wait3A_228 = tpu.memref_squeeze %dma_wait3A_227 : memref<1x128x128xf32, #tpu.memory_space<vmem>> -> memref<128x128xf32, #tpu.memory_space<vmem>>
      %dma_wait3A_229 = arith.constant 0 : i32
      %dma_wait3A_230 = arith.constant 0 : i32
      %dma_wait3A_231 = tpu.memref_slice %arg2[%dma_wait3A_229, %dma_wait3A_230] : memref<10000x128xf32, #tpu.memory_space<hbm>> -> memref<128x128xf32, #tpu.memory_space<hbm>>
      tpu.wait_dma2 semaphore(%arg18 : memref<!tpu.dma_semaphore, #tpu.memory_space<semaphore_mem>>) src(%dma_wait3A_231 : memref<128x128xf32, #tpu.memory_space<hbm>>) dst(%dma_wait3A_228 : memref<128x128xf32, #tpu.memory_space<vmem>>)
      %dma_start3A_232 = arith.constant 0 : i32
      %dma_start3A_233 = arith.constant 0 : i32
      %dma_start3A_234 = arith.constant 0 : i32
      %dma_start3A_235 = tpu.memref_slice %arg9[%dma_start3A_232, %dma_start3A_233, %dma_start3A_234] : memref<2x128x128xf32, #tpu.memory_space<vmem>> -> memref<1x128x128xf32, #tpu.memory_space<vmem>>
      %dma_start3A_236 = tpu.memref_squeeze %dma_start3A_235 : memref<1x128x128xf32, #tpu.memory_space<vmem>> -> memref<128x128xf32, #tpu.memory_space<vmem>>
      %dma_start3A_237 = arith.constant 0 : i32
      %dma_start3A_238 = arith.constant 0 : i32
      %dma_start3A_239 = tpu.memref_slice %arg8[%dma_start3A_237, %dma_start3A_238] : memref<10112x128xf32, #tpu.memory_space<vmem_shared>> -> memref<10112x128xf32, #tpu.memory_space<vmem_shared>>
      tpu.enqueue_indirect_dma source(%dma_start3A_236 : memref<128x128xf32, #tpu.memory_space<vmem>>) target(%dma_start3A_239 : memref<10112x128xf32, #tpu.memory_space<vmem_shared>>) offsets(%arg16 : memref<128xi32, #tpu.memory_space<vmem>>) semaphore(%arg20 : memref<!tpu.dma_semaphore, #tpu.memory_space<semaphore_mem>>) {add = true}
      %mul3A_240 = arith.constant 4 : i32
      %mul3A_241 = arith.muli %while3A_97, %mul3A_240 : i32
      %add3A_242 = arith.constant 3 : i32
      %add3A_243 = arith.addi %mul3A_241, %add3A_242 : i32
      %ge3A_244 = arith.constant 1 : i32
      %ge3A_245 = arith.cmpi sge, %add3A_243, %ge3A_244 : i32
      %add3A_246 = arith.constant 1 : i32
      %add3A_247 = arith.addi %add3A_243, %add3A_246 : i32
      %lt3A_248 = arith.cmpi slt, %add3A_247, %select_n3A_8 : i32
      %and3A_249 = arith.andi %ge3A_245, %lt3A_248 : i1
      %convert_element_type3A_250 = arith.extui %and3A_249 : i1 to i32
      %cond3A_251 = arith.constant 0 : i32
      %cond3A_252 = arith.cmpi ne, %convert_element_type3A_250, %cond3A_251 : i32
      scf.if %cond3A_252 {
        %dma_wait3A_288 = arith.constant 0 : i32
        %dma_wait3A_289 = arith.constant 0 : i32
        %dma_wait3A_290 = arith.constant 0 : i32
        %dma_wait3A_291 = tpu.memref_slice %arg9[%dma_wait3A_288, %dma_wait3A_289, %dma_wait3A_290] : memref<2x128x128xf32, #tpu.memory_space<vmem>> -> memref<1x128x128xf32, #tpu.memory_space<vmem>>
        %dma_wait3A_292 = tpu.memref_squeeze %dma_wait3A_291 : memref<1x128x128xf32, #tpu.memory_space<vmem>> -> memref<128x128xf32, #tpu.memory_space<vmem>>
        %dma_wait3A_293 = arith.constant 0 : i32
        %dma_wait3A_294 = arith.constant 0 : i32
        %dma_wait3A_295 = tpu.memref_slice %arg2[%dma_wait3A_293, %dma_wait3A_294] : memref<10000x128xf32, #tpu.memory_space<hbm>> -> memref<128x128xf32, #tpu.memory_space<hbm>>
        %dma_wait3A_296 = arith.constant 0 : i32
        %dma_wait3A_297 = arith.constant 0 : i32
        %dma_wait3A_298 = tpu.memref_slice %arg9[%dma_wait3A_288, %dma_wait3A_296, %dma_wait3A_297] : memref<2x128x128xf32, #tpu.memory_space<vmem>> -> memref<1x128x128xf32, #tpu.memory_space<vmem>>
        %dma_wait3A_299 = tpu.memref_squeeze %dma_wait3A_298 : memref<1x128x128xf32, #tpu.memory_space<vmem>> -> memref<128x128xf32, #tpu.memory_space<vmem>>
        %dma_wait3A_300 = arith.constant 0 : i32
        %dma_wait3A_301 = arith.constant 0 : i32
        %dma_wait3A_302 = tpu.memref_slice %arg2[%dma_wait3A_300, %dma_wait3A_301] : memref<10000x128xf32, #tpu.memory_space<hbm>> -> memref<128x128xf32, #tpu.memory_space<hbm>>
        tpu.wait_dma2 semaphore(%arg20 : memref<!tpu.dma_semaphore, #tpu.memory_space<semaphore_mem>>) src(%dma_wait3A_302 : memref<128x128xf32, #tpu.memory_space<hbm>>) dst(%dma_wait3A_299 : memref<128x128xf32, #tpu.memory_space<vmem>>)
      } else {
      }
      %add3A_253 = arith.constant 1 : i32
      %add3A_254 = arith.addi %add3A_243, %add3A_253 : i32
      %lt3A_255 = arith.cmpi slt, %add3A_254, %select_n3A_8 : i32
      %convert_element_type3A_256 = arith.extui %lt3A_255 : i1 to i32
      %cond3A_257 = arith.constant 0 : i32
      %cond3A_258 = arith.cmpi ne, %convert_element_type3A_256, %cond3A_257 : i32
      scf.if %cond3A_258 {
        %dma_wait3A_288 = arith.constant 0 : i32
        %dma_wait3A_289 = tpu.memref_slice %arg3[%dma_wait3A_288] : memref<327680xi32, #tpu.memory_space<hbm>> -> memref<128xi32, #tpu.memory_space<hbm>>
        %dma_wait3A_290 = arith.constant 0 : i32
        %dma_wait3A_291 = tpu.memref_slice %arg3[%dma_wait3A_290] : memref<327680xi32, #tpu.memory_space<hbm>> -> memref<128xi32, #tpu.memory_space<hbm>>
        tpu.wait_dma2 semaphore(%arg22 : memref<!tpu.dma_semaphore, #tpu.memory_space<semaphore_mem>>) src(%dma_wait3A_291 : memref<128xi32, #tpu.memory_space<hbm>>) dst(%arg10 : memref<128xi32, #tpu.memory_space<vmem>>)
        %dma_wait3A_292 = arith.constant 0 : i32
        %dma_wait3A_293 = tpu.memref_slice %arg3[%dma_wait3A_292] : memref<327680xi32, #tpu.memory_space<hbm>> -> memref<128xi32, #tpu.memory_space<hbm>>
        %dma_wait3A_294 = arith.constant 0 : i32
        %dma_wait3A_295 = tpu.memref_slice %arg3[%dma_wait3A_294] : memref<327680xi32, #tpu.memory_space<hbm>> -> memref<128xi32, #tpu.memory_space<hbm>>
        tpu.wait_dma2 semaphore(%arg22 : memref<!tpu.dma_semaphore, #tpu.memory_space<semaphore_mem>>) src(%dma_wait3A_295 : memref<128xi32, #tpu.memory_space<hbm>>) dst(%arg14 : memref<128xi32, #tpu.memory_space<vmem>>)
        %dma_start3A_296 = arith.constant 0 : i32
        %dma_start3A_297 = arith.constant 0 : i32
        %dma_start3A_298 = arith.constant 0 : i32
        %dma_start3A_299 = tpu.memref_slice %arg9[%dma_start3A_296, %dma_start3A_297, %dma_start3A_298] : memref<2x128x128xf32, #tpu.memory_space<vmem>> -> memref<1x128x128xf32, #tpu.memory_space<vmem>>
        %dma_start3A_300 = tpu.memref_squeeze %dma_start3A_299 : memref<1x128x128xf32, #tpu.memory_space<vmem>> -> memref<128x128xf32, #tpu.memory_space<vmem>>
        %dma_start3A_301 = arith.constant 0 : i32
        %dma_start3A_302 = arith.constant 0 : i32
        %dma_start3A_303 = tpu.memref_slice %arg2[%dma_start3A_301, %dma_start3A_302] : memref<10000x128xf32, #tpu.memory_space<hbm>> -> memref<10000x128xf32, #tpu.memory_space<hbm>>
        tpu.enqueue_indirect_dma source(%dma_start3A_303 : memref<10000x128xf32, #tpu.memory_space<hbm>>) target(%dma_start3A_300 : memref<128x128xf32, #tpu.memory_space<vmem>>) offsets(%arg10 : memref<128xi32, #tpu.memory_space<vmem>>) semaphore(%arg18 : memref<!tpu.dma_semaphore, #tpu.memory_space<semaphore_mem>>)
      } else {
      }
      %add3A_259 = arith.constant 2 : i32
      %add3A_260 = arith.addi %add3A_243, %add3A_259 : i32
      %lt3A_261 = arith.cmpi slt, %add3A_260, %select_n3A_8 : i32
      %convert_element_type3A_262 = arith.extui %lt3A_261 : i1 to i32
      %cond3A_263 = arith.constant 0 : i32
      %cond3A_264 = arith.cmpi ne, %convert_element_type3A_262, %cond3A_263 : i32
      scf.if %cond3A_264 {
        %add3A_288 = arith.constant 2 : i32
        %add3A_289 = arith.addi %add3A_243, %add3A_288 : i32
        %add3A_290 = arith.addi %select_n3A, %add3A_289 : i32
        %mul3A_291 = arith.constant 128 : i32
        %mul3A_292 = arith.muli %add3A_290, %mul3A_291 : i32
        %dma_start3A_293 = tpu.memref_slice %arg3[%mul3A_292] : memref<327680xi32, #tpu.memory_space<hbm>> -> memref<128xi32, #tpu.memory_space<hbm>>
        %dma_start3A_294 = tpu.memref_slice %arg3[%mul3A_292] : memref<327680xi32, #tpu.memory_space<hbm>> -> memref<128xi32, #tpu.memory_space<hbm>>
        tpu.enqueue_dma source(%dma_start3A_294 : memref<128xi32, #tpu.memory_space<hbm>>) target(%arg11 : memref<128xi32, #tpu.memory_space<vmem>>) target_semaphore(%arg23 : memref<!tpu.dma_semaphore, #tpu.memory_space<semaphore_mem>>)
        %dma_start3A_295 = tpu.memref_slice %arg4[%mul3A_292] : memref<327680xi32, #tpu.memory_space<hbm>> -> memref<128xi32, #tpu.memory_space<hbm>>
        %dma_start3A_296 = tpu.memref_slice %arg4[%mul3A_292] : memref<327680xi32, #tpu.memory_space<hbm>> -> memref<128xi32, #tpu.memory_space<hbm>>
        tpu.enqueue_dma source(%dma_start3A_296 : memref<128xi32, #tpu.memory_space<hbm>>) target(%arg15 : memref<128xi32, #tpu.memory_space<vmem>>) target_semaphore(%arg23 : memref<!tpu.dma_semaphore, #tpu.memory_space<semaphore_mem>>)
      } else {
      }
      %dma_wait3A_265 = arith.constant 1 : i32
      %dma_wait3A_266 = arith.constant 0 : i32
      %dma_wait3A_267 = arith.constant 0 : i32
      %dma_wait3A_268 = tpu.memref_slice %arg9[%dma_wait3A_265, %dma_wait3A_266, %dma_wait3A_267] : memref<2x128x128xf32, #tpu.memory_space<vmem>> -> memref<1x128x128xf32, #tpu.memory_space<vmem>>
      %dma_wait3A_269 = tpu.memref_squeeze %dma_wait3A_268 : memref<1x128x128xf32, #tpu.memory_space<vmem>> -> memref<128x128xf32, #tpu.memory_space<vmem>>
      %dma_wait3A_270 = arith.constant 0 : i32
      %dma_wait3A_271 = arith.constant 0 : i32
      %dma_wait3A_272 = tpu.memref_slice %arg2[%dma_wait3A_270, %dma_wait3A_271] : memref<10000x128xf32, #tpu.memory_space<hbm>> -> memref<128x128xf32, #tpu.memory_space<hbm>>
      %dma_wait3A_273 = arith.constant 0 : i32
      %dma_wait3A_274 = arith.constant 0 : i32
      %dma_wait3A_275 = tpu.memref_slice %arg9[%dma_wait3A_265, %dma_wait3A_273, %dma_wait3A_274] : memref<2x128x128xf32, #tpu.memory_space<vmem>> -> memref<1x128x128xf32, #tpu.memory_space<vmem>>
      %dma_wait3A_276 = tpu.memref_squeeze %dma_wait3A_275 : memref<1x128x128xf32, #tpu.memory_space<vmem>> -> memref<128x128xf32, #tpu.memory_space<vmem>>
      %dma_wait3A_277 = arith.constant 0 : i32
      %dma_wait3A_278 = arith.constant 0 : i32
      %dma_wait3A_279 = tpu.memref_slice %arg2[%dma_wait3A_277, %dma_wait3A_278] : memref<10000x128xf32, #tpu.memory_space<hbm>> -> memref<128x128xf32, #tpu.memory_space<hbm>>
      tpu.wait_dma2 semaphore(%arg19 : memref<!tpu.dma_semaphore, #tpu.memory_space<semaphore_mem>>) src(%dma_wait3A_279 : memref<128x128xf32, #tpu.memory_space<hbm>>) dst(%dma_wait3A_276 : memref<128x128xf32, #tpu.memory_space<vmem>>)
      %dma_start3A_280 = arith.constant 1 : i32
      %dma_start3A_281 = arith.constant 0 : i32
      %dma_start3A_282 = arith.constant 0 : i32
      %dma_start3A_283 = tpu.memref_slice %arg9[%dma_start3A_280, %dma_start3A_281, %dma_start3A_282] : memref<2x128x128xf32, #tpu.memory_space<vmem>> -> memref<1x128x128xf32, #tpu.memory_space<vmem>>
      %dma_start3A_284 = tpu.memref_squeeze %dma_start3A_283 : memref<1x128x128xf32, #tpu.memory_space<vmem>> -> memref<128x128xf32, #tpu.memory_space<vmem>>
      %dma_start3A_285 = arith.constant 0 : i32
      %dma_start3A_286 = arith.constant 0 : i32
      %dma_start3A_287 = tpu.memref_slice %arg8[%dma_start3A_285, %dma_start3A_286] : memref<10112x128xf32, #tpu.memory_space<vmem_shared>> -> memref<10112x128xf32, #tpu.memory_space<vmem_shared>>
      tpu.enqueue_indirect_dma source(%dma_start3A_284 : memref<128x128xf32, #tpu.memory_space<vmem>>) target(%dma_start3A_287 : memref<10112x128xf32, #tpu.memory_space<vmem_shared>>) offsets(%arg17 : memref<128xi32, #tpu.memory_space<vmem>>) semaphore(%arg21 : memref<!tpu.dma_semaphore, #tpu.memory_space<semaphore_mem>>) {add = true}
    }
    %dma_wait3A = arith.constant 0 : i32
    %dma_wait3A_59 = arith.constant 0 : i32
    %dma_wait3A_60 = arith.constant 0 : i32
    %dma_wait3A_61 = tpu.memref_slice %arg9[%dma_wait3A, %dma_wait3A_59, %dma_wait3A_60] : memref<2x128x128xf32, #tpu.memory_space<vmem>> -> memref<1x128x128xf32, #tpu.memory_space<vmem>>
    %dma_wait3A_62 = tpu.memref_squeeze %dma_wait3A_61 : memref<1x128x128xf32, #tpu.memory_space<vmem>> -> memref<128x128xf32, #tpu.memory_space<vmem>>
    %dma_wait3A_63 = arith.constant 0 : i32
    %dma_wait3A_64 = arith.constant 0 : i32
    %dma_wait3A_65 = tpu.memref_slice %arg2[%dma_wait3A_63, %dma_wait3A_64] : memref<10000x128xf32, #tpu.memory_space<hbm>> -> memref<128x128xf32, #tpu.memory_space<hbm>>
    %dma_wait3A_66 = arith.constant 0 : i32
    %dma_wait3A_67 = arith.constant 0 : i32
    %dma_wait3A_68 = tpu.memref_slice %arg9[%dma_wait3A, %dma_wait3A_66, %dma_wait3A_67] : memref<2x128x128xf32, #tpu.memory_space<vmem>> -> memref<1x128x128xf32, #tpu.memory_space<vmem>>
    %dma_wait3A_69 = tpu.memref_squeeze %dma_wait3A_68 : memref<1x128x128xf32, #tpu.memory_space<vmem>> -> memref<128x128xf32, #tpu.memory_space<vmem>>
    %dma_wait3A_70 = arith.constant 0 : i32
    %dma_wait3A_71 = arith.constant 0 : i32
    %dma_wait3A_72 = tpu.memref_slice %arg2[%dma_wait3A_70, %dma_wait3A_71] : memref<10000x128xf32, #tpu.memory_space<hbm>> -> memref<128x128xf32, #tpu.memory_space<hbm>>
    tpu.wait_dma2 semaphore(%arg20 : memref<!tpu.dma_semaphore, #tpu.memory_space<semaphore_mem>>) src(%dma_wait3A_72 : memref<128x128xf32, #tpu.memory_space<hbm>>) dst(%dma_wait3A_69 : memref<128x128xf32, #tpu.memory_space<vmem>>)
    %dma_wait3A_73 = arith.constant 1 : i32
    %dma_wait3A_74 = arith.constant 0 : i32
    %dma_wait3A_75 = arith.constant 0 : i32
    %dma_wait3A_76 = tpu.memref_slice %arg9[%dma_wait3A_73, %dma_wait3A_74, %dma_wait3A_75] : memref<2x128x128xf32, #tpu.memory_space<vmem>> -> memref<1x128x128xf32, #tpu.memory_space<vmem>>
    %dma_wait3A_77 = tpu.memref_squeeze %dma_wait3A_76 : memref<1x128x128xf32, #tpu.memory_space<vmem>> -> memref<128x128xf32, #tpu.memory_space<vmem>>
    %dma_wait3A_78 = arith.constant 0 : i32
    %dma_wait3A_79 = arith.constant 0 : i32
    %dma_wait3A_80 = tpu.memref_slice %arg2[%dma_wait3A_78, %dma_wait3A_79] : memref<10000x128xf32, #tpu.memory_space<hbm>> -> memref<128x128xf32, #tpu.memory_space<hbm>>
    %dma_wait3A_81 = arith.constant 0 : i32
    %dma_wait3A_82 = arith.constant 0 : i32
    %dma_wait3A_83 = tpu.memref_slice %arg9[%dma_wait3A_73, %dma_wait3A_81, %dma_wait3A_82] : memref<2x128x128xf32, #tpu.memory_space<vmem>> -> memref<1x128x128xf32, #tpu.memory_space<vmem>>
    %dma_wait3A_84 = tpu.memref_squeeze %dma_wait3A_83 : memref<1x128x128xf32, #tpu.memory_space<vmem>> -> memref<128x128xf32, #tpu.memory_space<vmem>>
    %dma_wait3A_85 = arith.constant 0 : i32
    %dma_wait3A_86 = arith.constant 0 : i32
    %dma_wait3A_87 = tpu.memref_slice %arg2[%dma_wait3A_85, %dma_wait3A_86] : memref<10000x128xf32, #tpu.memory_space<hbm>> -> memref<128x128xf32, #tpu.memory_space<hbm>>
    tpu.wait_dma2 semaphore(%arg21 : memref<!tpu.dma_semaphore, #tpu.memory_space<semaphore_mem>>) src(%dma_wait3A_87 : memref<128x128xf32, #tpu.memory_space<hbm>>) dst(%dma_wait3A_84 : memref<128x128xf32, #tpu.memory_space<vmem>>)
    %barrier3A_88 = arith.constant 0 : index
    tpu.barrier barrier_id(%barrier3A_88)
    %eq3A_89 = arith.constant 0 : i32
    %eq3A_90 = arith.cmpi eq, %arg0, %eq3A_89 : i32
    %convert_element_type3A = arith.extui %eq3A_90 : i1 to i32
    %cond3A = arith.constant 0 : i32
    %cond3A_91 = arith.cmpi ne, %convert_element_type3A, %cond3A : i32
    scf.if %cond3A_91 {
      %mul3A_97 = arith.constant 632 : i32
      %mul3A_98 = arith.muli %arg1, %mul3A_97 : i32
      %mul3A_99 = arith.constant 632 : i32
      %mul3A_100 = arith.muli %arg1, %mul3A_99 : i32
      "tpu.region"() ({
        %run_scoped3A = tpu.sem_alloc : memref<!tpu.dma_semaphore, #tpu.memory_space<semaphore_mem>>
        %dma_start3A_101 = arith.constant 0 : i32
        %dma_start3A_102 = tpu.memref_slice %arg6[%mul3A_100, %dma_start3A_101] : memref<10112x128xf32, #tpu.memory_space<hbm>> -> memref<632x128xf32, #tpu.memory_space<hbm>>
        %dma_start3A_103 = arith.constant 0 : i32
        %dma_start3A_104 = tpu.memref_slice %arg8[%mul3A_98, %dma_start3A_103] : memref<10112x128xf32, #tpu.memory_space<vmem_shared>> -> memref<632x128xf32, #tpu.memory_space<vmem_shared>>
        tpu.enqueue_dma source(%dma_start3A_104 : memref<632x128xf32, #tpu.memory_space<vmem_shared>>) target(%dma_start3A_102 : memref<632x128xf32, #tpu.memory_space<hbm>>) target_semaphore(%run_scoped3A : memref<!tpu.dma_semaphore, #tpu.memory_space<semaphore_mem>>)
        %dma_wait3A_105 = arith.constant 0 : i32
        %dma_wait3A_106 = tpu.memref_slice %arg6[%mul3A_100, %dma_wait3A_105] : memref<10112x128xf32, #tpu.memory_space<hbm>> -> memref<632x128xf32, #tpu.memory_space<hbm>>
        %dma_wait3A_107 = arith.constant 0 : i32
        %dma_wait3A_108 = tpu.memref_slice %arg8[%mul3A_98, %dma_wait3A_107] : memref<10112x128xf32, #tpu.memory_space<vmem_shared>> -> memref<632x128xf32, #tpu.memory_space<vmem_shared>>
        tpu.wait_dma2 semaphore(%run_scoped3A : memref<!tpu.dma_semaphore, #tpu.memory_space<semaphore_mem>>) src(%dma_wait3A_108 : memref<632x128xf32, #tpu.memory_space<vmem_shared>>) dst(%dma_wait3A_106 : memref<632x128xf32, #tpu.memory_space<hbm>>)
        tpu.yield
      }) : () -> ()
    } else {
    }
    %eq3A_92 = arith.constant 1 : i32
    %eq3A_93 = arith.cmpi eq, %arg0, %eq3A_92 : i32
    %convert_element_type3A_94 = arith.extui %eq3A_93 : i1 to i32
    %cond3A_95 = arith.constant 0 : i32
    %cond3A_96 = arith.cmpi ne, %convert_element_type3A_94, %cond3A_95 : i32
    scf.if %cond3A_96 {
      %mul3A_97 = arith.constant 632 : i32
      %mul3A_98 = arith.muli %arg1, %mul3A_97 : i32
      %mul3A_99 = arith.constant 632 : i32
      %mul3A_100 = arith.muli %arg1, %mul3A_99 : i32
      "tpu.region"() ({
        %run_scoped3A = tpu.sem_alloc : memref<!tpu.dma_semaphore, #tpu.memory_space<semaphore_mem>>
        %dma_start3A_101 = arith.constant 0 : i32
        %dma_start3A_102 = tpu.memref_slice %arg7[%mul3A_100, %dma_start3A_101] : memref<10112x128xf32, #tpu.memory_space<hbm>> -> memref<632x128xf32, #tpu.memory_space<hbm>>
        %dma_start3A_103 = arith.constant 0 : i32
        %dma_start3A_104 = tpu.memref_slice %arg8[%mul3A_98, %dma_start3A_103] : memref<10112x128xf32, #tpu.memory_space<vmem_shared>> -> memref<632x128xf32, #tpu.memory_space<vmem_shared>>
        tpu.enqueue_dma source(%dma_start3A_104 : memref<632x128xf32, #tpu.memory_space<vmem_shared>>) target(%dma_start3A_102 : memref<632x128xf32, #tpu.memory_space<hbm>>) target_semaphore(%run_scoped3A : memref<!tpu.dma_semaphore, #tpu.memory_space<semaphore_mem>>)
        %dma_wait3A_105 = arith.constant 0 : i32
        %dma_wait3A_106 = tpu.memref_slice %arg7[%mul3A_100, %dma_wait3A_105] : memref<10112x128xf32, #tpu.memory_space<hbm>> -> memref<632x128xf32, #tpu.memory_space<hbm>>
        %dma_wait3A_107 = arith.constant 0 : i32
        %dma_wait3A_108 = tpu.memref_slice %arg8[%mul3A_98, %dma_wait3A_107] : memref<10112x128xf32, #tpu.memory_space<vmem_shared>> -> memref<632x128xf32, #tpu.memory_space<vmem_shared>>
        tpu.wait_dma2 semaphore(%run_scoped3A : memref<!tpu.dma_semaphore, #tpu.memory_space<semaphore_mem>>) src(%dma_wait3A_108 : memref<632x128xf32, #tpu.memory_space<vmem_shared>>) dst(%dma_wait3A_106 : memref<632x128xf32, #tpu.memory_space<hbm>>)
        tpu.yield
      }) : () -> ()
    } else {
    }
    return
  }
}

module attributes {stable_mosaic.version = 14 : i64} {
  func.func @_dense_body(%arg0: i32, %arg1: memref<400x128xf32, #tpu.memory_space<vmem>>, %arg2: memref<400x128xf32, #tpu.memory_space<vmem>>, %arg3: memref<400x128xf32, #tpu.memory_space<vmem>>, %arg4: memref<128x128xf32, #tpu.memory_space<vmem>>, %arg5: memref<1x128xf32, #tpu.memory_space<vmem>>, %arg6: memref<128x128xf32, #tpu.memory_space<vmem>>, %arg7: memref<400x128xf32, #tpu.memory_space<vmem>>) attributes {dimension_semantics = [#tpu.dimension_semantics<arbitrary>], iteration_bounds = array<i64: 25>, scalar_prefetch = 0 : i64, scratch_operands = 0 : i64, tpu.core_type = #tpu.core_type<tc>, window_params = [{transform_indices = @transform_0, window_bounds = array<i64: 400, 128>}, {transform_indices = @transform_1, window_bounds = array<i64: 400, 128>}, {transform_indices = @transform_2, window_bounds = array<i64: 400, 128>}, {pipeline_mode = #tpu.pipeline_mode<synchronous>, transform_indices = @transform_3, window_bounds = array<i64: 128, 128>}, {pipeline_mode = #tpu.pipeline_mode<synchronous>, transform_indices = @transform_4, window_bounds = array<i64: 1, 128>}, {pipeline_mode = #tpu.pipeline_mode<synchronous>, transform_indices = @transform_5, window_bounds = array<i64: 128, 128>}, {transform_indices = @transform_6, window_bounds = array<i64: 400, 128>}]} {
    %get3A = arith.constant 0 : index
    %get3A_0 = arith.constant 0 : index
    %get3A_1 = vector.load %arg1[%get3A, %get3A_0] : memref<400x128xf32, #tpu.memory_space<vmem>>, vector<400x128xf32>
    %get3A_2 = arith.constant 0 : index
    %get3A_3 = arith.constant 0 : index
    %get3A_4 = vector.load %arg2[%get3A_2, %get3A_3] : memref<400x128xf32, #tpu.memory_space<vmem>>, vector<400x128xf32>
    %add3A = arith.addf %get3A_1, %get3A_4 : vector<400x128xf32>
    %get3A_5 = arith.constant 0 : index
    %get3A_6 = arith.constant 0 : index
    %get3A_7 = vector.load %arg4[%get3A_5, %get3A_6] : memref<128x128xf32, #tpu.memory_space<vmem>>, vector<128x128xf32>
    %dot_general3A = arith.constant dense<0.000000e+00> : vector<400x128xf32>
    %dot_general3A_8 = tpu.matmul %add3A, %get3A_7, %dot_general3A {dimension_numbers = #tpu.dot_dimension_numbers<[1], [0], [0], [1], [0, 0, 1, 1], [], []>, transpose_lhs_hint = false} : vector<400x128xf32>, vector<128x128xf32>, vector<400x128xf32> -> vector<400x128xf32>
    %get3A_9 = arith.constant 0 : index
    %get3A_10 = arith.constant 0 : index
    %get3A_11 = vector.load %arg3[%get3A_9, %get3A_10] : memref<400x128xf32, #tpu.memory_space<vmem>>, vector<400x128xf32>
    %get3A_12 = arith.constant 0 : index
    %get3A_13 = arith.constant 0 : index
    %get3A_14 = vector.load %arg6[%get3A_12, %get3A_13] : memref<128x128xf32, #tpu.memory_space<vmem>>, vector<128x128xf32>
    %dot_general3A_15 = arith.constant dense<0.000000e+00> : vector<400x128xf32>
    %dot_general3A_16 = tpu.matmul %get3A_11, %get3A_14, %dot_general3A_15 {dimension_numbers = #tpu.dot_dimension_numbers<[1], [0], [0], [1], [0, 0, 1, 1], [], []>, transpose_lhs_hint = false} : vector<400x128xf32>, vector<128x128xf32>, vector<400x128xf32> -> vector<400x128xf32>
    %add3A_17 = arith.addf %dot_general3A_8, %dot_general3A_16 : vector<400x128xf32>
    %get3A_18 = arith.constant 0 : index
    %get3A_19 = arith.constant 0 : index
    %get3A_20 = vector.load %arg5[%get3A_18, %get3A_19] : memref<1x128xf32, #tpu.memory_space<vmem>>, vector<1x128xf32>
    %add3A_21 = vector.broadcast %get3A_20 : vector<1x128xf32> to vector<400x128xf32>
    %add3A_22 = arith.addf %add3A_17, %add3A_21 : vector<400x128xf32>
    %max3A = arith.constant 0.000000e+00 : f32
    %max3A_23 = vector.broadcast %max3A : f32 to vector<400x128xf32>
    %max3A_24 = arith.maximumf %add3A_22, %max3A_23 : vector<400x128xf32>
    %swap3A = arith.constant 0 : index
    %swap3A_25 = arith.constant 0 : index
    %swap3A_26 = vector.load %arg7[%swap3A, %swap3A_25] : memref<400x128xf32, #tpu.memory_space<vmem>>, vector<400x128xf32>
    tpu.vector_store %arg7[%swap3A, %swap3A_25], %max3A_24 {strides = array<i32>} : memref<400x128xf32, #tpu.memory_space<vmem>>, vector<400x128xf32>,
    return
  }
  func.func @transform_0(%arg0: i32) -> (i32, i32) {
    %c0_i32 = arith.constant 0 : i32
    %c0_i32_0 = arith.constant 0 : i32
    return %arg0, %c0_i32 : i32, i32
  }
  func.func @transform_1(%arg0: i32) -> (i32, i32) {
    %c0_i32 = arith.constant 0 : i32
    %c0_i32_0 = arith.constant 0 : i32
    return %arg0, %c0_i32 : i32, i32
  }
  func.func @transform_2(%arg0: i32) -> (i32, i32) {
    %c0_i32 = arith.constant 0 : i32
    %c0_i32_0 = arith.constant 0 : i32
    return %arg0, %c0_i32 : i32, i32
  }
  func.func @transform_3(%arg0: i32) -> (i32, i32) {
    %c0_i32 = arith.constant 0 : i32
    %c0_i32_0 = arith.constant 0 : i32
    %c0_i32_1 = arith.constant 0 : i32
    return %c0_i32, %c0_i32_0 : i32, i32
  }
  func.func @transform_4(%arg0: i32) -> (i32, i32) {
    %c0_i32 = arith.constant 0 : i32
    %c0_i32_0 = arith.constant 0 : i32
    %c0_i32_1 = arith.constant 0 : i32
    return %c0_i32, %c0_i32_0 : i32, i32
  }
  func.func @transform_5(%arg0: i32) -> (i32, i32) {
    %c0_i32 = arith.constant 0 : i32
    %c0_i32_0 = arith.constant 0 : i32
    %c0_i32_1 = arith.constant 0 : i32
    return %c0_i32, %c0_i32_0 : i32, i32
  }
  func.func @transform_6(%arg0: i32) -> (i32, i32) {
    %c0_i32 = arith.constant 0 : i32
    %c0_i32_0 = arith.constant 0 : i32
    return %arg0, %c0_i32 : i32, i32
  }
}

module attributes {stable_mosaic.version = 14 : i64} {
  func.func @_dense_body(%arg0: i32, %arg1: memref<400x128xf32, #tpu.memory_space<vmem>>, %arg2: memref<400x128xf32, #tpu.memory_space<vmem>>, %arg3: memref<400x128xf32, #tpu.memory_space<vmem>>, %arg4: memref<128x128xf32, #tpu.memory_space<vmem>>, %arg5: memref<1x128xf32, #tpu.memory_space<vmem>>, %arg6: memref<128x128xf32, #tpu.memory_space<vmem>>, %arg7: memref<400x128xf32, #tpu.memory_space<vmem>>) attributes {dimension_semantics = [#tpu.dimension_semantics<arbitrary>], iteration_bounds = array<i64: 25>, scalar_prefetch = 0 : i64, scratch_operands = 0 : i64, tpu.core_type = #tpu.core_type<tc>, window_params = [{transform_indices = @transform_0, window_bounds = array<i64: 400, 128>}, {transform_indices = @transform_1, window_bounds = array<i64: 400, 128>}, {transform_indices = @transform_2, window_bounds = array<i64: 400, 128>}, {pipeline_mode = #tpu.pipeline_mode<synchronous>, transform_indices = @transform_3, window_bounds = array<i64: 128, 128>}, {pipeline_mode = #tpu.pipeline_mode<synchronous>, transform_indices = @transform_4, window_bounds = array<i64: 1, 128>}, {pipeline_mode = #tpu.pipeline_mode<synchronous>, transform_indices = @transform_5, window_bounds = array<i64: 128, 128>}, {transform_indices = @transform_6, window_bounds = array<i64: 400, 128>}]} {
    %get3A = arith.constant 0 : index
    %get3A_0 = arith.constant 0 : index
    %get3A_1 = vector.load %arg1[%get3A, %get3A_0] : memref<400x128xf32, #tpu.memory_space<vmem>>, vector<400x128xf32>
    %get3A_2 = arith.constant 0 : index
    %get3A_3 = arith.constant 0 : index
    %get3A_4 = vector.load %arg2[%get3A_2, %get3A_3] : memref<400x128xf32, #tpu.memory_space<vmem>>, vector<400x128xf32>
    %add3A = arith.addf %get3A_1, %get3A_4 : vector<400x128xf32>
    %get3A_5 = arith.constant 0 : index
    %get3A_6 = arith.constant 0 : index
    %get3A_7 = vector.load %arg4[%get3A_5, %get3A_6] : memref<128x128xf32, #tpu.memory_space<vmem>>, vector<128x128xf32>
    %dot_general3A = arith.constant dense<0.000000e+00> : vector<400x128xf32>
    %dot_general3A_8 = tpu.matmul %add3A, %get3A_7, %dot_general3A {dimension_numbers = #tpu.dot_dimension_numbers<[1], [0], [0], [1], [0, 0, 1, 1], [], []>, transpose_lhs_hint = false} : vector<400x128xf32>, vector<128x128xf32>, vector<400x128xf32> -> vector<400x128xf32>
    %get3A_9 = arith.constant 0 : index
    %get3A_10 = arith.constant 0 : index
    %get3A_11 = vector.load %arg3[%get3A_9, %get3A_10] : memref<400x128xf32, #tpu.memory_space<vmem>>, vector<400x128xf32>
    %get3A_12 = arith.constant 0 : index
    %get3A_13 = arith.constant 0 : index
    %get3A_14 = vector.load %arg6[%get3A_12, %get3A_13] : memref<128x128xf32, #tpu.memory_space<vmem>>, vector<128x128xf32>
    %dot_general3A_15 = arith.constant dense<0.000000e+00> : vector<400x128xf32>
    %dot_general3A_16 = tpu.matmul %get3A_11, %get3A_14, %dot_general3A_15 {dimension_numbers = #tpu.dot_dimension_numbers<[1], [0], [0], [1], [0, 0, 1, 1], [], []>, transpose_lhs_hint = false} : vector<400x128xf32>, vector<128x128xf32>, vector<400x128xf32> -> vector<400x128xf32>
    %add3A_17 = arith.addf %dot_general3A_8, %dot_general3A_16 : vector<400x128xf32>
    %get3A_18 = arith.constant 0 : index
    %get3A_19 = arith.constant 0 : index
    %get3A_20 = vector.load %arg5[%get3A_18, %get3A_19] : memref<1x128xf32, #tpu.memory_space<vmem>>, vector<1x128xf32>
    %add3A_21 = vector.broadcast %get3A_20 : vector<1x128xf32> to vector<400x128xf32>
    %add3A_22 = arith.addf %add3A_17, %add3A_21 : vector<400x128xf32>
    %swap3A = arith.constant 0 : index
    %swap3A_23 = arith.constant 0 : index
    %swap3A_24 = vector.load %arg7[%swap3A, %swap3A_23] : memref<400x128xf32, #tpu.memory_space<vmem>>, vector<400x128xf32>
    tpu.vector_store %arg7[%swap3A, %swap3A_23], %add3A_22 {strides = array<i32>} : memref<400x128xf32, #tpu.memory_space<vmem>>, vector<400x128xf32>,
    return
  }
  func.func @transform_0(%arg0: i32) -> (i32, i32) {
    %c0_i32 = arith.constant 0 : i32
    %c0_i32_0 = arith.constant 0 : i32
    return %arg0, %c0_i32 : i32, i32
  }
  func.func @transform_1(%arg0: i32) -> (i32, i32) {
    %c0_i32 = arith.constant 0 : i32
    %c0_i32_0 = arith.constant 0 : i32
    return %arg0, %c0_i32 : i32, i32
  }
  func.func @transform_2(%arg0: i32) -> (i32, i32) {
    %c0_i32 = arith.constant 0 : i32
    %c0_i32_0 = arith.constant 0 : i32
    return %arg0, %c0_i32 : i32, i32
  }
  func.func @transform_3(%arg0: i32) -> (i32, i32) {
    %c0_i32 = arith.constant 0 : i32
    %c0_i32_0 = arith.constant 0 : i32
    %c0_i32_1 = arith.constant 0 : i32
    return %c0_i32, %c0_i32_0 : i32, i32
  }
  func.func @transform_4(%arg0: i32) -> (i32, i32) {
    %c0_i32 = arith.constant 0 : i32
    %c0_i32_0 = arith.constant 0 : i32
    %c0_i32_1 = arith.constant 0 : i32
    return %c0_i32, %c0_i32_0 : i32, i32
  }
  func.func @transform_5(%arg0: i32) -> (i32, i32) {
    %c0_i32 = arith.constant 0 : i32
    %c0_i32_0 = arith.constant 0 : i32
    %c0_i32_1 = arith.constant 0 : i32
    return %c0_i32, %c0_i32_0 : i32, i32
  }
  func.func @transform_6(%arg0: i32) -> (i32, i32) {
    %c0_i32 = arith.constant 0 : i32
    %c0_i32_0 = arith.constant 0 : i32
    return %arg0, %c0_i32 : i32, i32
  }
}

</mosaic_0001>

<sc_bundles>
// kernel: kernel.6.cloned.1.call-start
scs
__scs_entry_jumppad:
0x0: {  	(pc) =	sbr.rel $0x88, $3  }
0x1: {  	(tag) =	ssettag $0x0;
	lr =	simm.s32 $0x1  }
0x2: {  	[smem:$0x3F99] =	sst lr;
	_ =	strace $0xD0000000  }
0x3: {  	_ = 	snop  }
0x4: {  	_ = 	snop  }
0x5: {  	_ = 	snop  }
0x6: {  	_ = 	snop  }
0x7: {  	_ = 	snop  }
__scs_overlays_trampoline_lowered:
0x8: {  	[smem:$0x3FA8] =	sst s0  }
0x9: {  	[smem:$0x3FA9] =	sst s1  }
0xa: {  	[smem:$0x3FAA] =	sst s2  }
0xb: {  	[smem:$0x3FAB] =	sst s3  }
0xc: {  	[smem:$0x3FAC] =	sst s4  }
0xd: {  	[smem:$0x3FAD] =	sst s5  }
0xe: {  	[smem:$0x3FAE] =	sst s6  }
0xf: {  	[smem:$0x3FAF] =	sst s7  }
0x10: {  	[smem:$0x3FB0] =	sst s8  }
0x11: {  	[smem:$0x3FB1] =	sst s9;
	s0 =	simm.s32 @!p0 $0x0  }
0x12: {  	s1 =	sld [smem:$0x3F97];
	s0 =	simm.s32 @p0 $0x1  }
0x13: {  	[smem:$0x3FB2] =	sst s0;
	s0 =	simm.s32 @!p1 $0x0  }
0x14: {  	s2 =	sld [smem:$0x3F96];
	s0 =	simm.s32 @p1 $0x1  }
0x15: {  	[smem:$0x3FB3] =	sst s0;
	s0 =	simm.s32 @!p2 $0x0  }
0x16: {  	s3 =	sld [smem:$0x3FDB];
	s0 =	simm.s32 @p2 $0x1  }
0x17: {  	s4 =	simm.s32 $0x1BF5;
	[smem:$0x3FB5] =	sst s0  }
0x18: {  	s0 =	sld [smem:$0x3F98];
	_ =	swait.ge [sflag:s4], $0x0  }
0x19: {  	s7 =	sld [smem:$0x3F99]  }
0x1a: {  	s8 =	sadd.s32 $0xFFFFE003, lr  }
0x1b: {  	s9 =	sadd.s32 $0xFFFFFEF7, lr;
	s5 =	simm.s32 $0xFFFFFFFF;
	p2 =	slt.u32 s8, $0xFFFFF086  }
0x1c: {  	p1 =	slt.u32 s9, $0xF7A;
	s5 =	simm.s32 @!p2 $0x0  }
0x1d: {  	s5 =	simm.s32 @p1 $0x1;
	p0 =	seq.s32 s7, s2  }
0x1e: {  	s7 =	smul.u32 @!p0 $0xF7A, s2;
	p2 =	seq.s32 @!p0 s5, $0x0  }
0x1f: {  	s9 =	smul.u32 $0xF7A, s1;
	s8 =	simm.s32 @!p0 $0x1BF5;
	p2 =	por !p2, p0  }
0x20: {  	[sflag:s8] =	ssyncset.s32 @!p0 $0xFFFFF086;
	s6 =	sadd.s32 @!p0 s3, s7;
	s7 =	simm.s32 @!p0 $0x108  }
0x21: {  	s3 =	sadd.s32 s3, s9;
	s6 =	sadd.s32 @!p0 $0x88, s6;
	s7 =	simm.s32 @p2 $0x1082  }
0x22: {  	[simem:s7], [sflag:s8] =	dma.local @!p0 [hbm:s6], $0xF7A  }
0x23: {  	s9 =	sor.u32 $0xD0000000, s2;
	s6 =	simm.s32 $0x108;
	_ =	swait.ge @!p0 [sflag:s8], $0x0  }
0x24: {  	s3 =	sadd.s32 $0x88, s3;
	s6 =	simm.s32 @!p1 $0x1082;
	[sflag:s4] =	ssyncset.s32 $0xFFFFF086  }
0x25: {  	[simem:s6], [sflag:s4] =	dma.local [hbm:s3], $0xF7A  }
0x26: {  	[smem:$0x3F99] =	sst s1;
	(tag) =	ssettag s2;
	_ =	strace s9  }
0x27: {  	s1 =	sld [smem:$0x3FA9]  }
0x28: {  	s2 =	sld [smem:$0x3FAA]  }
0x29: {  	s4 =	sld [smem:$0x3FAC]  }
0x2a: {  	p0 =	seq.s32 s5, $0x0;
	s5 =	sld [smem:$0x3FAD]  }
0x2b: {  	s6 =	sld [smem:$0x3FAE]  }
0x2c: {  	s7 =	sld [smem:$0x3FAF]  }
0x2d: {  	s3 =	simm.s32 $0x108;
	s8 =	sld [smem:$0x3FB0]  }
0x2e: {  	s3 =	simm.s32 @!p0 $0x1082;
	s9 =	sld [smem:$0x3FB1]  }
0x2f: {  	lr =	sadd.s32 s0, s3;
	s0 =	sld [smem:$0x3FA8]  }
0x30: {  	s3 =	sld [smem:$0x3FAB]  }
0x31: {  	[smem:$0x3FB4] =	sst s10  }
0x32: {  	s10 =	sld [smem:$0x3FB2];
	_ =	sdelay $0x3  }
0x33: {  	p0 =	seq.s32 s10, $0x1;
	s10 =	sld [smem:$0x3FB4];
	_ =	sdelay $0x3  }
0x34: {  	[smem:$0x3FB4] =	sst s10  }
0x35: {  	s10 =	sld [smem:$0x3FB3];
	_ =	sdelay $0x3  }
0x36: {  	p1 =	seq.s32 s10, $0x1;
	s10 =	sld [smem:$0x3FB4];
	_ =	sdelay $0x3  }
0x37: {  	[smem:$0x3FB4] =	sst s10  }
0x38: {  	s10 =	sld [smem:$0x3FB5]  }
0x39: {  	_ = 	snop;
	(pc) =	sbr.ind lr, $3  }
0x3a: {  	_ = 	snop  }
0x3b: {  	_ = 	snop  }
0x3c: {  	p2 =	seq.s32 s10, $0x1;
	s10 =	sld [smem:$0x3FB4]  }
0x3d: {  	_ =	shalt  }
0x3e: {  	_ =	shalt  }
0x3f: {  	_ =	shalt  }
0x40: {  	_ =	shalt  }
0x41: {  	_ =	shalt  }
0x42: {  	_ =	shalt  }
0x43: {  	_ =	shalt  }
0x44: {  	_ =	shalt  }
0x45: {  	_ =	shalt  }
0x46: {  	_ =	shalt  }
0x47: {  	_ =	shalt  }
0x48: {  	_ =	shalt  }
0x49: {  	_ =	shalt  }
0x4a: {  	_ =	shalt  }
0x4b: {  	_ =	shalt  }
0x4c: {  	_ =	shalt  }
0x4d: {  	_ =	shalt  }
0x4e: {  	_ =	shalt  }
0x4f: {  	_ =	shalt  }
0x50: {  	_ =	shalt  }
0x51: {  	_ =	shalt  }
0x52: {  	_ =	shalt  }
0x53: {  	_ =	shalt  }
0x54: {  	_ =	shalt  }
0x55: {  	_ =	shalt  }
0x56: {  	_ =	shalt  }
0x57: {  	_ =	shalt  }
0x58: {  	_ =	shalt  }
0x59: {  	_ =	shalt  }
0x5a: {  	_ =	shalt  }
0x5b: {  	_ =	shalt  }
0x5c: {  	_ =	shalt  }
0x5d: {  	_ =	shalt  }
0x5e: {  	_ =	shalt  }
0x5f: {  	_ =	shalt  }
0x60: {  	_ =	shalt  }
0x61: {  	_ =	shalt  }
0x62: {  	_ =	shalt  }
0x63: {  	_ =	shalt  }
0x64: {  	_ =	shalt  }
0x65: {  	_ =	shalt  }
0x66: {  	_ =	shalt  }
0x67: {  	_ =	shalt  }
0x68: {  	_ =	shalt  }
0x69: {  	_ =	shalt  }
0x6a: {  	_ =	shalt  }
0x6b: {  	_ =	shalt  }
0x6c: {  	_ =	shalt  }
0x6d: {  	_ =	shalt  }
0x6e: {  	_ =	shalt  }
0x6f: {  	_ =	shalt  }
0x70: {  	_ =	shalt  }
0x71: {  	_ =	shalt  }
0x72: {  	_ =	shalt  }
0x73: {  	_ =	shalt  }
0x74: {  	_ =	shalt  }
0x75: {  	_ =	shalt  }
0x76: {  	_ =	shalt  }
0x77: {  	_ =	shalt  }
0x78: {  	_ =	shalt  }
0x79: {  	_ =	shalt  }
0x7a: {  	_ =	shalt  }
0x7b: {  	_ =	shalt  }
0x7c: {  	_ =	shalt  }
0x7d: {  	_ =	shalt  }
0x7e: {  	_ =	shalt  }
0x7f: {  	_ =	shalt  }
0x80: {  	_ =	shalt  }
0x81: {  	_ =	shalt  }
0x82: {  	_ =	shalt  }
0x83: {  	_ =	shalt  }
0x84: {  	_ =	shalt  }
0x85: {  	_ =	shalt  }
0x86: {  	_ =	shalt  }
0x87: {  	_ =	shalt  }
.Lfunc_end0:
.L_simem_size_0:
called_computation_lowered:
.L_overlay_start_0:
0x88: {  	s2 =	sld [smem:$0x3FD9]  }
0x89: {  	s3 =	sld [smem:$0x3FFE];
	_ =	sdelay $0x1  }
0x8a: {  	s1 =	srdreg.scid  }
0x8b: {  	s0 =	sand.u32 $0x1, s1  }
0x8c: {  	s17 =	sshll.u32 s0, $0xA;
	s2 =	sadd.s32 s3, s2  }
0x8d: {  	s2 =	sadd.s32 s2, s17  }
0x8e: {  	[smem:$0x3FC0] =	sst s2  }
0x8f: {  	_ = 	snop  }
0x90: {  	s2 =	sld [smem:$0x3FC9];
	(tm) =	ssettm $0x1  }
0x91: {  	s18 =	sld [smem:$0x3FFB];
	_ =	sdelay $0x3  }
0x92: {  	_ =	strace s18  }
0x93: {  	s3 =	sld [smem:$0x3FFC];
	_ =	sdelay $0x3  }
0x94: {  	_ =	strace s3  }
0x95: {  	s3 =	sld [smem:$0x3FFD];
	_ =	sdelay $0x3  }
0x96: {  	_ =	strace s3  }
0x97: {  	_ =	strace $0x8FFFFFFF  }
0x98: {  	s19 =	sld [smem:$0x3FDB];
	_ =	sdelay $0x1  }
0x99: {  	s4 =	simm.s32 $_scs_section_size  }
0x9a: {  	s5 =	simm.s32 $_size__tile_overlayer_lowered;
	s6 =	simm.s32 $_tile_overlayer_lowered  }
0x9b: {  	s22 =	simm.s32 $0x1BFF;
	s21 =	sshll.u32 s6, $0x1;
	s3 =	sadd.s32 s4, s19  }
0x9c: {  	s7 =	simm.s32 $0x0;
	s20 =	sshll.u32 s5, $0x1;
	s5 =	sadd.s32 s21, s3  }
0x9d: {  	[timem:s7], [sflag:s22] =	dma.local [hbm:s5], s20  }
0x9e: {  	_ =	swait.ge [sflag:s22], s20  }
0x9f: {  	s4 =	ssub.s32 $0x0, s20;
	[sflag:s22] =	ssyncset.done $0x0  }
0xa0: {  	[sflag:s22] =	ssyncadd.s32 s4;
	_ =	sdelay $0x1  }
0xa1: {  	s23 =	simm.s32 $0x1B8B  }
0xa2: {  	_ =	swait.ge [sflag:s23], $0x1  }
0xa3: {  	[sflag:s23] =	ssyncset.done $0x0  }
0xa4: {  	s25 =	simm.s32 $0x1B8E;
	s24 =	sld [smem:$0x3FFE];
	[sflag:s23] =	ssyncadd.s32 $0xFFFFFFFF  }
0xa5: {  	s26 =	simm.s32 $execute0_lowered;
	[smem:$0x3FD2] =	sst s25  }
0xa6: {  	s5 =	sshll.u32 s26, $0x1;
	_ =	strace $0x80000046;
	[dreg:$0x1] =	wrdreg $0xFFFFFFFF  }
0xa7: {  	s28 =	simm.s32 $_size_execute0_lowered;
	s3 =	sadd.s32 s3, s5;
	[dreg:$0x0] =	wrdreg $0x0  }
0xa8: {  	s5 =	sshll.u32 s28, $0x1;
	[dreg:$0x2] =	wrdreg s3  }
0xa9: {  	[dreg:$0x3] =	wrdreg s5  }
0xaa: {  	[dreg:$0x4] =	wrdreg $0xC0  }
0xab: {  	_ =	task [dreg:s7], $0x5FFFF  }
0xac: {  	[dreg:$0x1] =	wrdreg $0xFFFFFFFF  }
0xad: {  	[dreg:$0x0] =	wrdreg $0x60  }
0xae: {  	[dreg:$0x2] =	wrdreg s2  }
0xaf: {  	[dreg:$0x3] =	wrdreg s24  }
0xb0: {  	[dreg:$0x4] =	wrdreg $0x0  }
0xb1: {  	[dreg:$0x5] =	wrdreg $0x9  }
0xb2: {  	_ =	task.clear_ibuf [dreg:s7], $0x6FFFF;
	_ =	strace $0x90000046  }
0xb3: {  	s29 =	simm.s32 $0x9;
	_ =	strace $0x80000048  }
0xb4: {  	_ =	swait.ge [sflag:s29], $0x1  }
0xb5: {  	[sflag:s29] =	ssyncadd.s32 $0xFFFFFFFF  }
0xb6: {  	_ =	strace $0x90000048  }
0xb7: {  	_ =	sfence  }
0xb8: {  	s30 =	sld [smem:$0x0];
	_ =	sdelay $0x2  }
0xb9: {  	s31 =	sshll.u32 s1, $0xD;
	s1 =	sshrl.u32 s1, $0x2  }
0xba: {  	s3 =	sand.u32 $0x4000, s31;
	s1 =	sadd.s32 s1, s30  }
0xbb: {  	s0 =	sor.u32 s3, s0;
	s1 =	sshll.u32 s1, $0x11  }
0xbc: {  	s0 =	sor.u32 s1, s0  }
0xbd: {  	s0 =	sadd.s32 $0x8F2B, s0  }
0xbe: {  	[sflag:s0] =	ssyncadd.remote.s32 $0x1  }
0xbf: {  	_ =	sfence.sel $0xFFFF  }
0xc0: {  	[dreg:$0x0] =	wrdreg $0xFFFFFFFF;
	(pc) =	sbr.abs _section_cstart, $3  }
0xc1: {  	[dreg:$0x1] =	wrdreg $0xFFFFFFFF  }
0xc2: {  	_ =	task.clear_ibuf [dreg:s7], $0x2FFFF;
	_ =	strace $0x9FFFFFFF  }
0xc3: {  	(tm) =	ssettm $0x7FFFFFFF  }
tec
execute0_lowered:
.L_overlay_start_1:
0x0: {  	(tag) =	ssettag $0x1  }
0x1: {  	s1 =	rddreg [dreg:$0x0]  }
0x2: {  	s0 =	rddreg [dreg:$0x1]  }
0x3: {  	s3 =	rddreg [dreg:$0x2];
	s4 =	simm.s32 $0x0  }
0x4: {  	s14 =	stileid.u32;
	s5 =	srdreg.scid;
	s24 =	simm.s32 $0x1BF80  }
0x5: {  	s25 =	simm.s32 $0x17C00;
	s28 =	simm.s32 $0x2;
	s29 =	simm.s32 $0x3  }
0x6: {  	s30 =	simm.s32 $0x4;
	s31 =	simm.s32 $0x0;
	[smem:$0x7FF] =	sst s4  }
0x7: {  	s2 =	smul.u32 $0x2780, s14;
	s23 =	sadd.s32 $0xC800, s0;
	s26 =	sadd.s32 $0x2800, s0  }
0x8: {  	s5 =	sand.u32 $0x1, s5;
	s10 =	sadd.s32 $0x3E000, s0;
	s12 =	sshll.u32 s14, $0x5  }
0x9: {  	s9 =	sshll.u32 s14, $0x7;
	s11 =	smul.u32 $0x4F000, s14;
	s15 =	sshll.u32 s14, $0x6  }
0xa: {  	_ =	strace $0x80000047;
	s7 =	ssub.s32 $0x2, s5;
	[dreg:$0x5] =	wrdreg s24  }
0xb: {  	p0 =	seq.s32 s5, $0x0;
	s5 =	sor.u32 $0x800, s12;
	[dreg:$0x4] =	wrdreg s25  }
0xc: {  	s6 =	sadd.s32 s2, s0;
	s0 =	sadd.s32 $0x65800, s0;
	s8 =	sshrl.u32 s7, $0x1  }
0xd: {  	s5 =	smov.u32 @p0 s9;
	s13 =	sshrl.u32 s11, $0x2;
	s11 =	sor.u32 $0x1C09, s15  }
0xe: {  	s12 =	ssub.s32 s7, s8;
	s9 =	sshll.u32 s5, $0x4;
	s16 =	sadd.s32 $0x16800, s6  }
0xf: {  	s7 =	simm.s32 $0x80;
	[dreg:$0x6] =	wrdreg s16;
	s18 =	sadd.s32 s23, s9  }
0x10: {  	s8 =	simm.s32 $0x80;
	s19 =	sadd.s32 s26, s9;
	[dreg:$0x7] =	wrdreg s18  }
0x11: {  	s0 =	smov.u32 @p0 s10;
	s22 =	smax.u32 s12, $0x1;
	[dreg:$0x8] =	wrdreg s19  }
0x12: {  	s17 =	sor.u32 $0x10, s9;
	s0 =	sadd.s32 s0, s2;
	[dreg:$0xc] =	wrdreg s22  }
0x13: {  	s13 =	sadd.s32 s13, s3;
	s20 =	sadd.s32 s23, s17;
	[dreg:$0xd] =	wrdreg s0  }
0x14: {  	s7 =	simm.s32 @!p0 $0x20;
	s5 =	sadd.s32 s26, s17;
	[dreg:$0x9] =	wrdreg s20  }
0x15: {  	s21 =	sshrl.u32 s7, $0x2;
	s17 =	sadd.s32 $0xFFFFFFFF, s7;
	[dreg:$0xa] =	wrdreg s5  }
0x16: {  	[dreg:$0xb] =	wrdreg s21;
	s20 =	sshrl.u32 s13, $0x3;
	s21 =	simm.s32 $0x9  }
.LBB2_1:
0x17: {  	s0 =	rddreg [dreg:$0x6]  }
0x18: {  	[spmem:s20], [sflag:s11] =	dma.local [hbm:s0], $0x2780  }
0x19: {  	_ =	swait.ge [sflag:s21], $0x2780  }
0x1a: {  	[sflag:s21] =	ssyncset.done $0x0  }
0x1b: {  	[sflag:s21] =	ssyncadd.s32 $0xFFFFD880  }
0x1c: {  	[bflag:$0x0] =	sbarrier.arrive $0xFFFF  }
0x1d: {  	s2 =	simm.s32 $0x1BC00;
	s14 =	rddreg [dreg:$0x7]  }
0x1e: {  	[tilespmem:s2], [sflag:$0x9] =	stream.linear.gather [hbm4b:s14+s4], $0x80, $0x38;
	[tilespmem:$0x1C000] =	vst v63  }
0x1f: {  	_ =	swait.ge [sflag:s21], $0x80  }
0x20: {  	[sflag:s21] =	ssyncset.done $0x0  }
0x21: {  	s5 =	simm.s32 $0x1BE00;
	s15 =	rddreg [dreg:$0x8];
	[sflag:s21] =	ssyncadd.s32 $0xFFFFFF80  }
0x22: {  	[tilespmem:s5], [sflag:$0x9] =	stream.linear.gather [hbm4b:s15+s4], $0x80, $0x38;
	[tilespmem:$0x1C000] =	vst v63  }
0x23: {  	_ =	swait.ge [sflag:s21], $0x80  }
0x24: {  	s18 =	simm.s32 $0x1BC80;
	[sflag:s21] =	ssyncset.done $0x0;
	s25 =	rddreg [dreg:$0xb]  }
0x25: {  	s16 =	rddreg [dreg:$0x9];
	[sflag:s21] =	ssyncadd.s32 $0xFFFFFF80;
	s0 =	sadd.s32 $0xFFFFFFFF, s25  }
0x26: {  	[tilespmem:s18], [sflag:$0x6] =	stream.linear.gather [hbm4b:s16+s4], $0x80, $0x38;
	[tilespmem:$0x1C000] =	vst v63  }
0x27: {  	p1 =	sne.s32 s0, $0x0  }
.Ltmp0:
0x28: {  	s22 =	simm.s32 $0x1BE80;
	s19 =	rddreg [dreg:$0xa];
	(pc) =	sbr.rel @!p1 .LBB2_2-.Ltmp0, $4  }
0x29: {  	[tilespmem:s22], [sflag:$0x6] =	stream.linear.gather [hbm4b:s19+s4], $0x80, $0x38;
	[tilespmem:$0x1C000] =	vst v63  }
0x2a: {  	s24 =	simm.s32 $0x13C00;
	p2 =	por $0x1, $0x1  }
0x2b: {  	[tilespmem:s24], [sflag:$0x1] =	stream.indirect.gather [hbm4b:s1+s8], $0x80, s2, s8, $0xb8;
	[tilespmem:$0x1C000] =	vst v63  }
0x2c: {  	p0 =	por $0x0, $0x0;
	p4 =	sle.s32 @!p2 s17, $0x0;
	s24 =	simm.s32 $0x3  }
0x2d: {  	p0 =	por p4, p2  }
0x2e: {  	s2 =	simm.s32 @!p0 $0x4  }
0x2f: {  	_ =	swait.ge @!p0 [sflag:s2], $0x4000  }
0x30: {  	p1 =	sle.s32 s17, $0x0;
	[sflag:s2] =	ssyncset.done @!p0 $0x0  }
0x31: {  	[sflag:s2] =	ssyncadd.s32 @!p0 $0xFFFFC000;
	s2 =	simm.s32 @!p1 $0x6  }
0x32: {  	_ =	swait.ge @!p1 [sflag:s2], $0x80  }
0x33: {  	[sflag:s2] =	ssyncset.done @!p1 $0x0  }
0x34: {  	[sflag:s2] =	ssyncadd.s32 @!p1 $0xFFFFFF80  }
0x35: {  	s5 =	simm.s32 @!p1 $0x17C00;
	_ =	swait.ge @!p1 [sflag:s2], $0x80  }
0x36: {  	s6 =	simm.s32 @!p1 $0x1BC80;
	p0 =	sle.u32 s7, $0x2;
	[sflag:s2] =	ssyncset.done @!p1 $0x0  }
0x37: {  	s10 =	simm.s32 @!p1 $0x80;
	s12 =	simm.s32 @p0 $0x1;
	[sflag:s2] =	ssyncadd.s32 @!p1 $0xFFFFFF80  }
0x38: {  	[tilespmem:s5], [sflag:$0x2] =	stream.indirect.gather @!p1 [hbm4b:s1+s10], $0x80, s6, s10, $0xb8;
	[tilespmem:$0x1C000] =	vst v63  }
0x39: {  	s2 =	sadd.s32 @!p0 s23, s9;
	_ =	swait.ge @p0 [sflag:s12], $0x4000  }
0x3a: {  	s2 =	sadd.s32 @!p0 $0x20, s2;
	s5 =	simm.s32 @p0 $0x13C00;
	[sflag:s12] =	ssyncset.done @p0 $0x0  }
0x3b: {  	s6 =	simm.s32 @p0 $0x80;
	s10 =	simm.s32 @p0 $0x1BE00;
	[sflag:s12] =	ssyncadd.s32 @p0 $0xFFFFC000  }
0x3c: {  	[spmem:s3] =	stream.indirect.scatter.add.f32 @p0 [tilespmem:s5], [sflag:$0x3], $0x80, s10, s6, $0xb8;
	[tilespmem:$0x1C000] =	vst v63  }
0x3d: {  	s5 =	sadd.s32 @!p0 s26, s9;
	s6 =	simm.s32 @!p0 $0x0;
	s10 =	simm.s32 @!p0 $0x1BD00  }
0x3e: {  	[tilespmem:s10], [sflag:$0x7] =	stream.linear.gather @!p0 [hbm4b:s2+s6], $0x80, $0x38;
	[tilespmem:$0x1C000] =	vst v63  }
0x3f: {  	s12 =	simm.s32 @!p0 $0x1;
	s2 =	sadd.s32 @!p0 $0x20, s5;
	s5 =	simm.s32 @!p0 $0x1BF00  }
0x40: {  	[tilespmem:s5], [sflag:$0x7] =	stream.linear.gather @!p0 [hbm4b:s2+s6], $0x80, $0x38;
	[tilespmem:$0x1C000] =	vst v63  }
0x41: {  	_ =	swait.ge @!p0 [sflag:s12], $0x4000  }
0x42: {  	s13 =	simm.s32 @!p0 $0x1BE00;
	s2 =	simm.s32 @!p0 $0x13C00;
	[sflag:s12] =	ssyncset.done @!p0 $0x0  }
0x43: {  	s5 =	simm.s32 @!p0 $0x3;
	s6 =	simm.s32 @!p0 $0x80;
	[sflag:s12] =	ssyncadd.s32 @!p0 $0xFFFFC000  }
0x44: {  	[spmem:s3] =	stream.indirect.scatter.add.f32 @!p0 [tilespmem:s2], [sflag:$0x3], $0x80, s13, s6, $0xb8;
	[tilespmem:$0x1C000] =	vst v63  }
0x45: {  	_ =	swait.ge @!p0 [sflag:s5], $0x4000  }
0x46: {  	[sflag:s5] =	ssyncset.done @!p0 $0x0  }
0x47: {  	s12 =	simm.s32 @!p0 $0x7;
	[sflag:s5] =	ssyncadd.s32 @!p0 $0xFFFFC000  }
0x48: {  	_ =	swait.ge @!p0 [sflag:s12], $0x80  }
0x49: {  	[sflag:s12] =	ssyncset.done @!p0 $0x0  }
0x4a: {  	[sflag:s12] =	ssyncadd.s32 @!p0 $0xFFFFFF80  }
0x4b: {  	_ =	swait.ge @!p0 [sflag:s12], $0x80  }
0x4c: {  	p1 =	sle.u32 s7, $0x3;
	[sflag:s12] =	ssyncset.done @!p0 $0x0  }
0x4d: {  	s5 =	simm.s32 @p1 $0x2;
	[sflag:s12] =	ssyncadd.s32 @!p0 $0xFFFFFF80  }
0x4e: {  	[tilespmem:s2], [sflag:$0x1] =	stream.indirect.gather @!p0 [hbm4b:s1+s6], $0x80, s10, s6, $0xb8;
	[tilespmem:$0x1C000] =	vst v63  }
0x4f: {  	s12 =	simm.s32 @p1 $0x1BE80;
	_ =	swait.ge @p1 [sflag:s5], $0x4000  }
0x50: {  	s2 =	sadd.s32 @!p1 s26, s9;
	s6 =	simm.s32 @p1 $0x17C00;
	[sflag:s5] =	ssyncset.done @p1 $0x0  }
0x51: {  	s10 =	sadd.s32 @!p1 s23, s9;
	[sflag:s5] =	ssyncadd.s32 @p1 $0xFFFFC000;
	s5 =	simm.s32 @p1 $0x80  }
0x52: {  	[spmem:s3] =	stream.indirect.scatter.add.f32 @p1 [tilespmem:s6], [sflag:$0x4], $0x80, s12, s5, $0xb8;
	[tilespmem:$0x1C000] =	vst v63  }
0x53: {  	s5 =	sadd.s32 @!p1 $0x30, s10;
	s6 =	simm.s32 @!p1 $0x0;
	s10 =	simm.s32 @!p1 $0x1BD80  }
0x54: {  	[tilespmem:s10], [sflag:$0x8] =	stream.linear.gather @!p1 [hbm4b:s5+s6], $0x80, $0x38;
	[tilespmem:$0x1C000] =	vst v63  }
0x55: {  	s2 =	sadd.s32 @!p1 $0x30, s2;
	s12 =	simm.s32 @!p1 $0x2;
	s5 =	simm.s32 @!p1 $0x1BF80  }
0x56: {  	[tilespmem:s5], [sflag:$0x8] =	stream.linear.gather @!p1 [hbm4b:s2+s6], $0x80, $0x38;
	[tilespmem:$0x1C000] =	vst v63  }
0x57: {  	_ =	swait.ge @!p1 [sflag:s12], $0x4000  }
0x58: {  	s13 =	simm.s32 @!p1 $0x1BE80;
	s2 =	simm.s32 @!p1 $0x17C00;
	[sflag:s12] =	ssyncset.done @!p1 $0x0  }
0x59: {  	s5 =	simm.s32 @!p1 $0x80;
	s6 =	simm.s32 @!p1 $0x4;
	[sflag:s12] =	ssyncadd.s32 @!p1 $0xFFFFC000  }
0x5a: {  	[spmem:s3] =	stream.indirect.scatter.add.f32 @!p1 [tilespmem:s2], [sflag:$0x4], $0x80, s13, s5, $0xb8;
	[tilespmem:$0x1C000] =	vst v63  }
0x5b: {  	_ =	swait.ge @!p1 [sflag:s6], $0x4000  }
0x5c: {  	[sflag:s6] =	ssyncset.done @!p1 $0x0  }
0x5d: {  	s12 =	simm.s32 @!p1 $0x8;
	[sflag:s6] =	ssyncadd.s32 @!p1 $0xFFFFC000  }
0x5e: {  	_ =	swait.ge @!p1 [sflag:s12], $0x80  }
0x5f: {  	[sflag:s12] =	ssyncset.done @!p1 $0x0  }
0x60: {  	[sflag:s12] =	ssyncadd.s32 @!p1 $0xFFFFFF80  }
0x61: {  	p3 =	sle.u32 s7, $0x4;
	s25 =	sadd.s32 $0xFFFFFFFF, s0;
	_ =	swait.ge @!p1 [sflag:s12], $0x80  }
0x62: {  	p2 =	por $0x0, $0x0;
	s24 =	simm.s32 $0x7;
	[sflag:s12] =	ssyncset.done @!p1 $0x0  }
0x63: {  	p5 =	sle.u32 s7, $0x5;
	s6 =	simm.s32 @p3 $0x1;
	[sflag:s12] =	ssyncadd.s32 @!p1 $0xFFFFFF80  }
0x64: {  	[tilespmem:s2], [sflag:$0x2] =	stream.indirect.gather @!p1 [hbm4b:s1+s5], $0x80, s10, s5, $0xb8;
	[tilespmem:$0x1C000] =	vst v63  }
0x65: {  	s0 =	sadd.s32 @!p3 s23, s9;
	s22 =	simm.s32 @!p3 $0x80;
	_ =	swait.ge @p3 [sflag:s6], $0x4000  }
0x66: {  	s0 =	sadd.s32 @!p3 $0x40, s0;
	s2 =	simm.s32 @p3 $0x13C00;
	[sflag:s6] =	ssyncset.done @p3 $0x0  }
0x67: {  	s5 =	simm.s32 @p3 $0x80;
	[sflag:s6] =	ssyncadd.s32 @p3 $0xFFFFC000;
	s6 =	simm.s32 @p3 $0x1BF00  }
0x68: {  	[spmem:s3] =	stream.indirect.scatter.add.f32 @p3 [tilespmem:s2], [sflag:$0x3], $0x80, s6, s5, $0xb8;
	[tilespmem:$0x1C000] =	vst v63  }
0x69: {  	s12 =	simm.s32 @!p3 $0x1BC00;
	s2 =	sadd.s32 @!p3 s26, s9;
	s5 =	simm.s32 @!p3 $0x0  }
0x6a: {  	[tilespmem:s12], [sflag:$0x5] =	stream.linear.gather @!p3 [hbm4b:s0+s5], $0x80, $0x38;
	[tilespmem:$0x1C000] =	vst v63  }
0x6b: {  	s6 =	simm.s32 @!p3 $0x1;
	s0 =	sadd.s32 @!p3 $0x40, s2;
	s2 =	simm.s32 @!p3 $0x1BE00  }
0x6c: {  	[tilespmem:s2], [sflag:$0x5] =	stream.linear.gather @!p3 [hbm4b:s0+s5], $0x80, $0x38;
	[tilespmem:$0x1C000] =	vst v63  }
0x6d: {  	p4 =	sle.s32 @!p2 s17, $0x4;
	s14 =	simm.s32 @!p3 $0x5;
	_ =	swait.ge @!p3 [sflag:s6], $0x4000  }
0x6e: {  	s13 =	simm.s32 @!p3 $0x13C00;
	p1 =	sne.s32 s25, $0x0;
	[sflag:s6] =	ssyncset.done @!p3 $0x0  }
0x6f: {  	s2 =	simm.s32 @!p3 $0x3;
	s0 =	simm.s32 @!p3 $0x1BF00;
	[sflag:s6] =	ssyncadd.s32 @!p3 $0xFFFFC000  }
0x70: {  	[spmem:s3] =	stream.indirect.scatter.add.f32 @!p3 [tilespmem:s13], [sflag:$0x3], $0x80, s0, s22, $0xb8;
	[tilespmem:$0x1C000] =	vst v63  }
.Ltmp1:
0x71: {  	s15 =	simm.s32 @!p5 $0x0;
	_ =	swait.ge @!p3 [sflag:s2], $0x4000;
	(pc) =	sbr.rel @!p1 .LBB2_4-.Ltmp1, $4  }
0x72: {  	s18 =	simm.s32 @!p5 $0x1BC80;
	p0 =	por $0x1, $0x1;
	[sflag:s2] =	ssyncset.done @!p3 $0x0  }
0x73: {  	s5 =	sadd.s32 $0x40, s23;
	s6 =	sadd.s32 $0x40, s26;
	[sflag:s2] =	ssyncadd.s32 @!p3 $0xFFFFC000  }
0x74: {  	s0 =	simm.s32 $0x4;
	s2 =	sadd.s32 @!p5 s23, s9;
	_ =	swait.ge @!p3 [sflag:s14], $0x80  }
0x75: {  	s16 =	sadd.s32 @!p5 $0x50, s2;
	s2 =	smov.u32 s26;
	[sflag:s14] =	ssyncset.done @!p3 $0x0  }
.LBB2_5:
0x76: {  	[sflag:s14] =	ssyncadd.s32 @!p3 $0xFFFFFF80  }
0x77: {  	_ =	swait.ge @!p3 [sflag:s14], $0x80  }
0x78: {  	[sflag:s14] =	ssyncset.done @!p3 $0x0  }
0x79: {  	[sflag:s14] =	ssyncadd.s32 @!p3 $0xFFFFFF80  }
0x7a: {  	[tilespmem:s13], [sflag:$0x1] =	stream.indirect.gather @!p3 [hbm4b:s1+s22], $0x80, s12, s22, $0xb8;
	[tilespmem:$0x1C000] =	vst v63  }
0x7b: {  	s2 =	sadd.s32 @!p5 s2, s9  }
0x7c: {  	[tilespmem:s18], [sflag:$0x6] =	stream.linear.gather @!p5 [hbm4b:s16+s15], $0x80, $0x38;
	[tilespmem:$0x1C000] =	vst v63  }
0x7d: {  	s19 =	sadd.s32 @!p5 $0x50, s2;
	s12 =	simm.s32 @!p5 $0x1BE80  }
0x7e: {  	[tilespmem:s12], [sflag:$0x6] =	stream.linear.gather @!p5 [hbm4b:s19+s15], $0x80, $0x38;
	[tilespmem:$0x1C000] =	vst v63  }
0x7f: {  	_ =	swait.ge [sflag:s28], $0x4000  }
0x80: {  	p2 =	por p4, p2;
	s19 =	rddreg [dreg:$0x4];
	[sflag:s28] =	ssyncset.done $0x0  }
0x81: {  	s16 =	simm.s32 @!p2 $0x4;
	s22 =	rddreg [dreg:$0x5];
	[sflag:s28] =	ssyncadd.s32 $0xFFFFC000  }
0x82: {  	[spmem:s3] =	stream.indirect.scatter.add.f32 [tilespmem:s19], [sflag:$0x4], $0x80, s22, s8, $0xb8;
	[tilespmem:$0x1C000] =	vst v63  }
0x83: {  	_ =	swait.ge @!p2 [sflag:s16], $0x4000  }
0x84: {  	p3 =	sge.s32 s0, s17;
	[sflag:s16] =	ssyncset.done @!p2 $0x0  }
0x85: {  	s14 =	simm.s32 @!p3 $0x6;
	[sflag:s16] =	ssyncadd.s32 @!p2 $0xFFFFC000  }
0x86: {  	_ =	swait.ge @!p3 [sflag:s14], $0x80  }
0x87: {  	[sflag:s14] =	ssyncset.done @!p3 $0x0  }
0x88: {  	s18 =	sadd.s32 $0x2, s0;
	[sflag:s14] =	ssyncadd.s32 @!p3 $0xFFFFFF80  }
0x89: {  	s12 =	simm.s32 @!p3 $0x17C00;
	s15 =	simm.s32 @!p3 $0x1BC80;
	_ =	swait.ge @!p3 [sflag:s14], $0x80  }
0x8a: {  	s16 =	simm.s32 @!p3 $0x80;
	p2 =	sge.u32 s18, s7;
	[sflag:s14] =	ssyncset.done @!p3 $0x0  }
0x8b: {  	s13 =	simm.s32 @p2 $0x1;
	s18 =	sadd.s32 @!p2 s5, s9;
	[sflag:s14] =	ssyncadd.s32 @!p3 $0xFFFFFF80  }
0x8c: {  	[tilespmem:s12], [sflag:$0x2] =	stream.indirect.gather @!p3 [hbm4b:s1+s16], $0x80, s15, s16, $0xb8;
	[tilespmem:$0x1C000] =	vst v63  }
0x8d: {  	s14 =	sadd.s32 @!p2 $0x20, s18;
	s18 =	sadd.s32 @!p2 s6, s9;
	_ =	swait.ge @p2 [sflag:s13], $0x4000  }
0x8e: {  	s12 =	simm.s32 @p2 $0x13C00;
	s15 =	sadd.s32 @!p2 $0x20, s18;
	[sflag:s13] =	ssyncset.done @p2 $0x0  }
0x8f: {  	s16 =	simm.s32 @p2 $0x80;
	s18 =	simm.s32 @p2 $0x1BE00;
	[sflag:s13] =	ssyncadd.s32 @p2 $0xFFFFC000  }
0x90: {  	[spmem:s3] =	stream.indirect.scatter.add.f32 @p2 [tilespmem:s12], [sflag:$0x3], $0x80, s18, s16, $0xb8;
	[tilespmem:$0x1C000] =	vst v63  }
0x91: {  	s12 =	simm.s32 @!p2 $0x0;
	s16 =	simm.s32 @!p2 $0x1BD00  }
0x92: {  	[tilespmem:s16], [sflag:$0x7] =	stream.linear.gather @!p2 [hbm4b:s14+s12], $0x80, $0x38;
	[tilespmem:$0x1C000] =	vst v63  }
0x93: {  	s13 =	simm.s32 @!p2 $0x1BF00;
	s14 =	simm.s32 @!p2 $0x1  }
0x94: {  	[tilespmem:s13], [sflag:$0x7] =	stream.linear.gather @!p2 [hbm4b:s15+s12], $0x80, $0x38;
	[tilespmem:$0x1C000] =	vst v63  }
0x95: {  	_ =	swait.ge @!p2 [sflag:s14], $0x4000  }
0x96: {  	s18 =	simm.s32 @!p2 $0x1BE00;
	s12 =	simm.s32 @!p2 $0x13C00;
	[sflag:s14] =	ssyncset.done @!p2 $0x0  }
0x97: {  	s13 =	simm.s32 @!p2 $0x3;
	s15 =	simm.s32 @!p2 $0x80;
	[sflag:s14] =	ssyncadd.s32 @!p2 $0xFFFFC000  }
0x98: {  	[spmem:s3] =	stream.indirect.scatter.add.f32 @!p2 [tilespmem:s12], [sflag:$0x3], $0x80, s18, s15, $0xb8;
	[tilespmem:$0x1C000] =	vst v63  }
0x99: {  	_ =	swait.ge @!p2 [sflag:s13], $0x4000  }
0x9a: {  	[sflag:s13] =	ssyncset.done @!p2 $0x0  }
0x9b: {  	s14 =	simm.s32 @!p2 $0x7;
	[sflag:s13] =	ssyncadd.s32 @!p2 $0xFFFFC000  }
0x9c: {  	_ =	swait.ge @!p2 [sflag:s14], $0x80  }
0x9d: {  	[sflag:s14] =	ssyncset.done @!p2 $0x0  }
0x9e: {  	[sflag:s14] =	ssyncadd.s32 @!p2 $0xFFFFFF80  }
0x9f: {  	_ =	swait.ge @!p2 [sflag:s14], $0x80  }
0xa0: {  	p5 =	sge.u32 s24, s7;
	[sflag:s14] =	ssyncset.done @!p2 $0x0  }
0xa1: {  	[sflag:s14] =	ssyncadd.s32 @!p2 $0xFFFFFF80;
	s14 =	simm.s32 @p5 $0x2  }
0xa2: {  	[tilespmem:s12], [sflag:$0x1] =	stream.indirect.gather @!p2 [hbm4b:s1+s15], $0x80, s16, s15, $0xb8;
	[tilespmem:$0x1C000] =	vst v63  }
0xa3: {  	s24 =	simm.s32 @!p5 $0x0;
	_ =	swait.ge @p5 [sflag:s14], $0x4000  }
0xa4: {  	s19 =	simm.s32 @p5 $0x17C00;
	s13 =	sadd.s32 @!p5 s5, s9;
	[sflag:s14] =	ssyncset.done @p5 $0x0  }
0xa5: {  	s12 =	simm.s32 @p5 $0x80;
	[sflag:s14] =	ssyncadd.s32 @p5 $0xFFFFC000;
	s14 =	simm.s32 @p5 $0x1BE80  }
0xa6: {  	[spmem:s3] =	stream.indirect.scatter.add.f32 @p5 [tilespmem:s19], [sflag:$0x4], $0x80, s14, s12, $0xb8;
	[tilespmem:$0x1C000] =	vst v63  }
0xa7: {  	s18 =	sadd.s32 @!p5 s6, s9;
	s22 =	sadd.s32 @!p5 $0x30, s13;
	s13 =	simm.s32 @!p5 $0x1BD80  }
0xa8: {  	[tilespmem:s13], [sflag:$0x8] =	stream.linear.gather @!p5 [hbm4b:s22+s24], $0x80, $0x38;
	[tilespmem:$0x1C000] =	vst v63  }
0xa9: {  	s18 =	sadd.s32 @!p5 $0x30, s18;
	s15 =	simm.s32 @!p5 $0x2;
	s12 =	simm.s32 @!p5 $0x1BF80  }
0xaa: {  	[tilespmem:s12], [sflag:$0x8] =	stream.linear.gather @!p5 [hbm4b:s18+s24], $0x80, $0x38;
	[tilespmem:$0x1C000] =	vst v63  }
0xab: {  	_ =	swait.ge @!p5 [sflag:s15], $0x4000  }
0xac: {  	s16 =	simm.s32 @!p5 $0x80;
	s14 =	simm.s32 @!p5 $0x17C00;
	[sflag:s15] =	ssyncset.done @!p5 $0x0  }
0xad: {  	s12 =	simm.s32 @!p5 $0x4;
	s18 =	simm.s32 @!p5 $0x1BE80;
	[sflag:s15] =	ssyncadd.s32 @!p5 $0xFFFFC000  }
0xae: {  	[spmem:s3] =	stream.indirect.scatter.add.f32 @!p5 [tilespmem:s14], [sflag:$0x4], $0x80, s18, s16, $0xb8;
	[tilespmem:$0x1C000] =	vst v63  }
0xaf: {  	_ =	swait.ge @!p5 [sflag:s12], $0x4000  }
0xb0: {  	[sflag:s12] =	ssyncset.done @!p5 $0x0  }
0xb1: {  	s18 =	simm.s32 @!p5 $0x8;
	[sflag:s12] =	ssyncadd.s32 @!p5 $0xFFFFC000  }
0xb2: {  	_ =	swait.ge @!p5 [sflag:s18], $0x80  }
0xb3: {  	[sflag:s18] =	ssyncset.done @!p5 $0x0  }
0xb4: {  	s25 =	sadd.s32 $0xFFFFFFFF, s25;
	[sflag:s18] =	ssyncadd.s32 @!p5 $0xFFFFFF80  }
0xb5: {  	s10 =	smov.u32 s0;
	s0 =	sadd.s32 $0x4, s0;
	_ =	swait.ge @!p5 [sflag:s18], $0x80  }
0xb6: {  	p1 =	sne.s32 s25, $0x0;
	p3 =	sge.u32 s0, s7;
	[sflag:s18] =	ssyncset.done @!p5 $0x0  }
0xb7: {  	s2 =	smov.u32 s6;
	[sflag:s18] =	ssyncadd.s32 @!p5 $0xFFFFFF80;
	s18 =	simm.s32 @p3 $0x1  }
0xb8: {  	[tilespmem:s14], [sflag:$0x2] =	stream.indirect.gather @!p5 [hbm4b:s1+s16], $0x80, s13, s16, $0xb8;
	[tilespmem:$0x1C000] =	vst v63  }
0xb9: {  	p2 =	seq.s32 s0, $0x0;
	s19 =	sadd.s32 @!p3 s6, s9;
	_ =	swait.ge @p3 [sflag:s18], $0x4000  }
0xba: {  	s15 =	sadd.s32 @!p3 s5, s9;
	s13 =	simm.s32 @p3 $0x13C00;
	[sflag:s18] =	ssyncset.done @p3 $0x0  }
0xbb: {  	s14 =	simm.s32 @p3 $0x80;
	s16 =	simm.s32 @p3 $0x1BF00;
	[sflag:s18] =	ssyncadd.s32 @p3 $0xFFFFC000  }
0xbc: {  	[spmem:s3] =	stream.indirect.scatter.add.f32 @p3 [tilespmem:s13], [sflag:$0x3], $0x80, s16, s14, $0xb8;
	[tilespmem:$0x1C000] =	vst v63  }
0xbd: {  	s22 =	simm.s32 @!p3 $0x0;
	s15 =	sadd.s32 @!p3 $0x40, s15;
	s12 =	simm.s32 @!p3 $0x1BC00  }
0xbe: {  	[tilespmem:s12], [sflag:$0x5] =	stream.linear.gather @!p3 [hbm4b:s15+s22], $0x80, $0x38;
	[tilespmem:$0x1C000] =	vst v63  }
0xbf: {  	s19 =	sadd.s32 @!p3 $0x40, s19;
	s13 =	simm.s32 @!p3 $0x1BE00;
	s14 =	simm.s32 @!p3 $0x1  }
0xc0: {  	[tilespmem:s13], [sflag:$0x5] =	stream.linear.gather @!p3 [hbm4b:s19+s22], $0x80, $0x38;
	[tilespmem:$0x1C000] =	vst v63  }
0xc1: {  	s10 =	sadd.s32 $0x5, s10;
	p4 =	sge.s32 @!p2 s0, s17;
	_ =	swait.ge @!p3 [sflag:s14], $0x4000  }
0xc2: {  	s15 =	simm.s32 @!p3 $0x3;
	s13 =	simm.s32 @!p3 $0x13C00;
	[sflag:s14] =	ssyncset.done @!p3 $0x0  }
0xc3: {  	s22 =	simm.s32 @!p3 $0x80;
	[sflag:s14] =	ssyncadd.s32 @!p3 $0xFFFFC000;
	s14 =	simm.s32 @!p3 $0x1BF00  }
0xc4: {  	[spmem:s3] =	stream.indirect.scatter.add.f32 @!p3 [tilespmem:s13], [sflag:$0x3], $0x80, s14, s22, $0xb8;
	[tilespmem:$0x1C000] =	vst v63  }
.Ltmp2:
0xc5: {  	s6 =	sadd.s32 $0x40, s6;
	_ =	swait.ge @!p3 [sflag:s15], $0x4000;
	(pc) =	sbr.rel @p1 .LBB2_5-.Ltmp2, $4  }
0xc6: {  	s24 =	sadd.s32 $0x3, s0;
	p5 =	sge.u32 s10, s7;
	[sflag:s15] =	ssyncset.done @!p3 $0x0  }
0xc7: {  	s10 =	sadd.s32 @!p5 s5, s9;
	s14 =	simm.s32 @!p3 $0x5;
	[sflag:s15] =	ssyncadd.s32 @!p3 $0xFFFFC000  }
0xc8: {  	s5 =	sadd.s32 $0x40, s5;
	s18 =	simm.s32 @!p5 $0x1BC80;
	_ =	swait.ge @!p3 [sflag:s14], $0x80  }
0xc9: {  	s16 =	sadd.s32 @!p5 $0x50, s10;
	s15 =	simm.s32 @!p5 $0x0;
	[sflag:s14] =	ssyncset.done @!p3 $0x0  }
.LBB2_6:
0xca: {  	p1 =	por p3, !p0  }
0xcb: {  	[sflag:s14] =	ssyncadd.s32 @!p1 $0xFFFFFF80  }
0xcc: {  	_ =	swait.ge @!p1 [sflag:s14], $0x80  }
0xcd: {  	[sflag:s14] =	ssyncset.done @!p1 $0x0  }
0xce: {  	[sflag:s14] =	ssyncadd.s32 @!p1 $0xFFFFFF80  }
0xcf: {  	[tilespmem:s13], [sflag:$0x1] =	stream.indirect.gather @!p1 [hbm4b:s1+s22], $0x80, s12, s22, $0xb8;
	[tilespmem:$0x1C000] =	vst v63  }
0xd0: {  	p1 =	por p5, !p0  }
0xd1: {  	s2 =	sadd.s32 @!p1 s2, s9  }
0xd2: {  	[tilespmem:s18], [sflag:$0x6] =	stream.linear.gather @!p1 [hbm4b:s16+s15], $0x80, $0x38;
	[tilespmem:$0x1C000] =	vst v63  }
0xd3: {  	s10 =	simm.s32 @!p1 $0x1BE80;
	s2 =	sadd.s32 @!p1 $0x50, s2  }
0xd4: {  	[tilespmem:s10], [sflag:$0x6] =	stream.linear.gather @!p1 [hbm4b:s2+s15], $0x80, $0x38;
	[tilespmem:$0x1C000] =	vst v63  }
0xd5: {  	_ =	swait.ge @p0 [sflag:s28], $0x4000  }
0xd6: {  	p2 =	por p4, p2;
	s2 =	rddreg [dreg:$0x4];
	[sflag:s28] =	ssyncset.done @p0 $0x0  }
0xd7: {  	s12 =	simm.s32 @!p2 $0x4;
	s10 =	rddreg [dreg:$0x5];
	[sflag:s28] =	ssyncadd.s32 @p0 $0xFFFFC000  }
0xd8: {  	[spmem:s3] =	stream.indirect.scatter.add.f32 @p0 [tilespmem:s2], [sflag:$0x4], $0x80, s10, s8, $0xb8;
	[tilespmem:$0x1C000] =	vst v63  }
0xd9: {  	_ =	swait.ge @!p2 [sflag:s12], $0x4000  }
0xda: {  	p1 =	sge.s32 s0, s17;
	[sflag:s12] =	ssyncset.done @!p2 $0x0  }
0xdb: {  	s2 =	simm.s32 @!p1 $0x6;
	[sflag:s12] =	ssyncadd.s32 @!p2 $0xFFFFC000  }
0xdc: {  	_ =	swait.ge @!p1 [sflag:s2], $0x80  }
0xdd: {  	[sflag:s2] =	ssyncset.done @!p1 $0x0  }
0xde: {  	[sflag:s2] =	ssyncadd.s32 @!p1 $0xFFFFFF80  }
0xdf: {  	s15 =	sadd.s32 $0x2, s0;
	s13 =	simm.s32 @!p1 $0x1BC80;
	_ =	swait.ge @!p1 [sflag:s2], $0x80  }
0xe0: {  	s10 =	simm.s32 @!p1 $0x17C00;
	p0 =	sge.u32 s15, s7;
	[sflag:s2] =	ssyncset.done @!p1 $0x0  }
0xe1: {  	s12 =	simm.s32 @!p1 $0x80;
	[sflag:s2] =	ssyncadd.s32 @!p1 $0xFFFFFF80;
	s2 =	simm.s32 @p0 $0x1  }
0xe2: {  	[tilespmem:s10], [sflag:$0x2] =	stream.indirect.gather @!p1 [hbm4b:s1+s12], $0x80, s13, s12, $0xb8;
	[tilespmem:$0x1C000] =	vst v63  }
0xe3: {  	s10 =	sadd.s32 @!p0 s5, s9;
	_ =	swait.ge @p0 [sflag:s2], $0x4000  }
0xe4: {  	s12 =	simm.s32 @p0 $0x13C00;
	s13 =	simm.s32 @p0 $0x80;
	[sflag:s2] =	ssyncset.done @p0 $0x0  }
0xe5: {  	s10 =	sadd.s32 @!p0 $0x20, s10;
	[sflag:s2] =	ssyncadd.s32 @p0 $0xFFFFC000;
	s2 =	simm.s32 @p0 $0x1BE00  }
0xe6: {  	[spmem:s3] =	stream.indirect.scatter.add.f32 @p0 [tilespmem:s12], [sflag:$0x3], $0x80, s2, s13, $0xb8;
	[tilespmem:$0x1C000] =	vst v63  }
0xe7: {  	s2 =	sadd.s32 @!p0 s6, s9;
	s12 =	simm.s32 @!p0 $0x0;
	s13 =	simm.s32 @!p0 $0x1BD00  }
0xe8: {  	[tilespmem:s13], [sflag:$0x7] =	stream.linear.gather @!p0 [hbm4b:s10+s12], $0x80, $0x38;
	[tilespmem:$0x1C000] =	vst v63  }
0xe9: {  	s2 =	sadd.s32 @!p0 $0x20, s2;
	s10 =	simm.s32 @!p0 $0x1BF00  }
0xea: {  	[tilespmem:s10], [sflag:$0x7] =	stream.linear.gather @!p0 [hbm4b:s2+s12], $0x80, $0x38;
	[tilespmem:$0x1C000] =	vst v63  }
0xeb: {  	s2 =	simm.s32 @!p0 $0x1  }
0xec: {  	_ =	swait.ge @!p0 [sflag:s2], $0x4000  }
0xed: {  	s10 =	simm.s32 @!p0 $0x13C00;
	[sflag:s2] =	ssyncset.done @!p0 $0x0  }
0xee: {  	s12 =	simm.s32 @!p0 $0x80;
	[sflag:s2] =	ssyncadd.s32 @!p0 $0xFFFFC000;
	s2 =	simm.s32 @!p0 $0x1BE00  }
0xef: {  	[spmem:s3] =	stream.indirect.scatter.add.f32 @!p0 [tilespmem:s10], [sflag:$0x3], $0x80, s2, s12, $0xb8;
	[tilespmem:$0x1C000] =	vst v63  }
0xf0: {  	s2 =	simm.s32 @!p0 $0x3  }
0xf1: {  	_ =	swait.ge @!p0 [sflag:s2], $0x4000  }
0xf2: {  	[sflag:s2] =	ssyncset.done @!p0 $0x0  }
0xf3: {  	[sflag:s2] =	ssyncadd.s32 @!p0 $0xFFFFC000;
	s2 =	simm.s32 @!p0 $0x7  }
0xf4: {  	_ =	swait.ge @!p0 [sflag:s2], $0x80  }
0xf5: {  	[sflag:s2] =	ssyncset.done @!p0 $0x0  }
0xf6: {  	[sflag:s2] =	ssyncadd.s32 @!p0 $0xFFFFFF80  }
0xf7: {  	_ =	swait.ge @!p0 [sflag:s2], $0x80  }
0xf8: {  	p1 =	sge.u32 s24, s7;
	[sflag:s2] =	ssyncset.done @!p0 $0x0  }
0xf9: {  	[sflag:s2] =	ssyncadd.s32 @!p0 $0xFFFFFF80;
	s2 =	simm.s32 @p1 $0x2  }
0xfa: {  	[tilespmem:s10], [sflag:$0x1] =	stream.indirect.gather @!p0 [hbm4b:s1+s12], $0x80, s13, s12, $0xb8;
	[tilespmem:$0x1C000] =	vst v63  }
0xfb: {  	s14 =	simm.s32 @p1 $0x1BE80;
	_ =	swait.ge @p1 [sflag:s2], $0x4000  }
0xfc: {  	s10 =	sadd.s32 @!p1 s6, s9;
	s12 =	simm.s32 @p1 $0x17C00;
	[sflag:s2] =	ssyncset.done @p1 $0x0  }
0xfd: {  	s13 =	sadd.s32 @!p1 s5, s9;
	[sflag:s2] =	ssyncadd.s32 @p1 $0xFFFFC000;
	s2 =	simm.s32 @p1 $0x80  }
0xfe: {  	[spmem:s3] =	stream.indirect.scatter.add.f32 @p1 [tilespmem:s12], [sflag:$0x4], $0x80, s14, s2, $0xb8;
	[tilespmem:$0x1C000] =	vst v63  }
0xff: {  	s2 =	sadd.s32 @!p1 $0x30, s13;
	s12 =	simm.s32 @!p1 $0x0;
	s13 =	simm.s32 @!p1 $0x1BD80  }
0x100: {  	[tilespmem:s13], [sflag:$0x8] =	stream.linear.gather @!p1 [hbm4b:s2+s12], $0x80, $0x38;
	[tilespmem:$0x1C000] =	vst v63  }
0x101: {  	s14 =	simm.s32 @!p1 $0x2;
	s2 =	sadd.s32 @!p1 $0x30, s10;
	s10 =	simm.s32 @!p1 $0x1BF80  }
0x102: {  	[tilespmem:s10], [sflag:$0x8] =	stream.linear.gather @!p1 [hbm4b:s2+s12], $0x80, $0x38;
	[tilespmem:$0x1C000] =	vst v63  }
0x103: {  	_ =	swait.ge @!p1 [sflag:s14], $0x4000  }
0x104: {  	s2 =	simm.s32 @!p1 $0x17C00;
	s10 =	simm.s32 @!p1 $0x80;
	[sflag:s14] =	ssyncset.done @!p1 $0x0  }
0x105: {  	s12 =	simm.s32 @!p1 $0x4;
	[sflag:s14] =	ssyncadd.s32 @!p1 $0xFFFFC000;
	s14 =	simm.s32 @!p1 $0x1BE80  }
0x106: {  	[spmem:s3] =	stream.indirect.scatter.add.f32 @!p1 [tilespmem:s2], [sflag:$0x4], $0x80, s14, s10, $0xb8;
	[tilespmem:$0x1C000] =	vst v63  }
0x107: {  	_ =	swait.ge @!p1 [sflag:s12], $0x4000  }
0x108: {  	[sflag:s12] =	ssyncset.done @!p1 $0x0  }
0x109: {  	s14 =	simm.s32 @!p1 $0x8;
	[sflag:s12] =	ssyncadd.s32 @!p1 $0xFFFFC000  }
0x10a: {  	_ =	swait.ge @!p1 [sflag:s14], $0x80  }
0x10b: {  	[sflag:s14] =	ssyncset.done @!p1 $0x0  }
0x10c: {  	[sflag:s14] =	ssyncadd.s32 @!p1 $0xFFFFFF80  }
0x10d: {  	s16 =	sadd.s32 $0x4, s0;
	_ =	swait.ge @!p1 [sflag:s14], $0x80  }
0x10e: {  	p0 =	sge.u32 s16, s7;
	[sflag:s14] =	ssyncset.done @!p1 $0x0  }
0x10f: {  	s12 =	simm.s32 @p0 $0x1;
	[sflag:s14] =	ssyncadd.s32 @!p1 $0xFFFFFF80  }
0x110: {  	[tilespmem:s2], [sflag:$0x2] =	stream.indirect.gather @!p1 [hbm4b:s1+s10], $0x80, s13, s10, $0xb8;
	[tilespmem:$0x1C000] =	vst v63  }
0x111: {  	s2 =	sadd.s32 @!p0 s5, s9;
	_ =	swait.ge @p0 [sflag:s12], $0x4000  }
0x112: {  	s10 =	simm.s32 @p0 $0x13C00;
	s13 =	simm.s32 @p0 $0x1BF00;
	[sflag:s12] =	ssyncset.done @p0 $0x0  }
0x113: {  	s2 =	sadd.s32 @!p0 $0x40, s2;
	[sflag:s12] =	ssyncadd.s32 @p0 $0xFFFFC000;
	s12 =	simm.s32 @p0 $0x80  }
0x114: {  	[spmem:s3] =	stream.indirect.scatter.add.f32 @p0 [tilespmem:s10], [sflag:$0x3], $0x80, s13, s12, $0xb8;
	[tilespmem:$0x1C000] =	vst v63  }
0x115: {  	s10 =	sadd.s32 @!p0 s6, s9;
	s12 =	simm.s32 @!p0 $0x0;
	s13 =	simm.s32 @!p0 $0x1BC00  }
0x116: {  	[tilespmem:s13], [sflag:$0x5] =	stream.linear.gather @!p0 [hbm4b:s2+s12], $0x80, $0x38;
	[tilespmem:$0x1C000] =	vst v63  }
0x117: {  	s2 =	sadd.s32 @!p0 $0x40, s10;
	s10 =	simm.s32 @!p0 $0x1BE00  }
0x118: {  	[tilespmem:s10], [sflag:$0x5] =	stream.linear.gather @!p0 [hbm4b:s2+s12], $0x80, $0x38;
	[tilespmem:$0x1C000] =	vst v63  }
0x119: {  	s2 =	simm.s32 @!p0 $0x1  }
0x11a: {  	_ =	swait.ge @!p0 [sflag:s2], $0x4000  }
0x11b: {  	s10 =	simm.s32 @!p0 $0x13C00;
	[sflag:s2] =	ssyncset.done @!p0 $0x0  }
0x11c: {  	s12 =	simm.s32 @!p0 $0x1BF00;
	[sflag:s2] =	ssyncadd.s32 @!p0 $0xFFFFC000;
	s2 =	simm.s32 @!p0 $0x80  }
0x11d: {  	[spmem:s3] =	stream.indirect.scatter.add.f32 @!p0 [tilespmem:s10], [sflag:$0x3], $0x80, s12, s2, $0xb8;
	[tilespmem:$0x1C000] =	vst v63  }
0x11e: {  	s12 =	simm.s32 @!p0 $0x3  }
0x11f: {  	_ =	swait.ge @!p0 [sflag:s12], $0x4000  }
0x120: {  	[sflag:s12] =	ssyncset.done @!p0 $0x0  }
0x121: {  	[sflag:s12] =	ssyncadd.s32 @!p0 $0xFFFFC000;
	s12 =	simm.s32 @!p0 $0x5  }
0x122: {  	_ =	swait.ge @!p0 [sflag:s12], $0x80  }
0x123: {  	[sflag:s12] =	ssyncset.done @!p0 $0x0  }
0x124: {  	[sflag:s12] =	ssyncadd.s32 @!p0 $0xFFFFFF80  }
0x125: {  	_ =	swait.ge @!p0 [sflag:s12], $0x80  }
0x126: {  	[sflag:s12] =	ssyncset.done @!p0 $0x0  }
0x127: {  	s18 =	sadd.s32 $0x5, s0;
	[sflag:s12] =	ssyncadd.s32 @!p0 $0xFFFFFF80  }
0x128: {  	[tilespmem:s10], [sflag:$0x1] =	stream.indirect.gather @!p0 [hbm4b:s1+s2], $0x80, s13, s2, $0xb8;
	[tilespmem:$0x1C000] =	vst v63  }
0x129: {  	p0 =	sge.u32 s18, s7  }
0x12a: {  	s0 =	sadd.s32 @!p0 s5, s9  }
0x12b: {  	s2 =	simm.s32 @!p0 $0x0;
	s5 =	simm.s32 @!p0 $0x1BC80;
	s0 =	sadd.s32 @!p0 $0x50, s0  }
0x12c: {  	[tilespmem:s5], [sflag:$0x6] =	stream.linear.gather @!p0 [hbm4b:s0+s2], $0x80, $0x38;
	[tilespmem:$0x1C000] =	vst v63  }
0x12d: {  	s0 =	sadd.s32 @!p0 s6, s9  }
0x12e: {  	s5 =	simm.s32 @!p0 $0x1BE80;
	s0 =	sadd.s32 @!p0 $0x50, s0  }
0x12f: {  	[tilespmem:s5], [sflag:$0x6] =	stream.linear.gather @!p0 [hbm4b:s0+s2], $0x80, $0x38;
	[tilespmem:$0x1C000] =	vst v63  }
0x130: {  	_ =	swait.ge [sflag:s28], $0x4000  }
0x131: {  	s19 =	rddreg [dreg:$0x4];
	[sflag:s28] =	ssyncset.done $0x0  }
0x132: {  	s22 =	rddreg [dreg:$0x5];
	[sflag:s28] =	ssyncadd.s32 $0xFFFFC000  }
0x133: {  	[spmem:s3] =	stream.indirect.scatter.add.f32 [tilespmem:s19], [sflag:$0x4], $0x80, s22, s8, $0xb8;
	[tilespmem:$0x1C000] =	vst v63  }
0x134: {  	_ =	swait.ge [sflag:s29], $0x4000  }
0x135: {  	[sflag:s29] =	ssyncset.done $0x0  }
0x136: {  	[sflag:s29] =	ssyncadd.s32 $0xFFFFC000  }
0x137: {  	_ =	swait.ge [sflag:s30], $0x4000  }
0x138: {  	[sflag:s30] =	ssyncset.done $0x0  }
0x139: {  	[sflag:s30] =	ssyncadd.s32 $0xFFFFC000  }
0x13a: {  	[bflag:$0x0] =	sbarrier.arrive $0xFFFF  }
0x13b: {  	s24 =	rddreg [dreg:$0xd]  }
0x13c: {  	[hbm:s24], [sflag:s11] =	dma.local [spmem:s20], $0x2780  }
0x13d: {  	_ =	swait.ge [sflag:s21], $0x2780  }
0x13e: {  	s31 =	sadd.s32 $0x1, s31;
	s25 =	rddreg [dreg:$0xc]  }
0x13f: {  	p0 =	sne.s32 s31, s25  }
.Ltmp3:
0x140: {  	_ = 	snop;
	(pc) =	sbr.rel @p0 .LBB2_1-.Ltmp3, $4  }
.Ltmp4:
0x141: {  	_ = 	snop;
	(pc) =	sbr.rel @!p0 .LBB2_7-.Ltmp4, $4  }
0x142: {  	_ = 	snop  }
0x143: {  	[sflag:s21] =	ssyncset.done $0x0  }
0x144: {  	[sflag:s21] =	ssyncadd.s32 $0xFFFFD880  }
0x145: {  	_ = 	snop  }
.LBB2_2:
.Ltmp5:
0x146: {  	(pc) =	sbr.rel .LBB2_6-.Ltmp5, $2  }
0x147: {  	_ =	sdelay $0x2  }
0x148: {  	s0 =	simm.s32 $0x0;
	s6 =	smov.u32 s26;
	s5 =	smov.u32 s23  }
.LBB2_4:
.Ltmp6:
0x149: {  	(pc) =	sbr.rel .LBB2_6-.Ltmp6, $2  }
0x14a: {  	_ =	sdelay $0x2  }
0x14b: {  	s2 =	smov.u32 s26  }
.LBB2_7:
0x14c: {  	_ =	sfence.sel $0x180000  }
0x14d: {  	[bflag:$0x0] =	sbarrier.arrive $0xFFFF  }
0x14e: {  	_ =	strace $0x90000047  }
0x14f: {  	s0 =	stileid.u32;
	[bflag:$0x2] =	sbarrier.arrive $0xFFFF  }
0x150: {  	p0 =	sne.s32 s0, $0x0;
	s0 =	rddreg [dreg:$0x3]  }
0x151: {  	s0 =	sadd.s32 @!p0 $0x100000, s0  }
0x152: {  	[sflag:s0] =	ssyncadd.tile.s32 @!p0 $0x1;
	_ =	shalt  }
.Lfunc_end2:
_tile_overlayer_lowered:
.L_overlay_start_2:
0x153: {  	(tag) =	ssettag $0x2  }
0x154: {  	s0 =	rddreg [dreg:$0x0];
	s2 =	stileid.u32  }
0x155: {  	s1 =	rddreg [dreg:$0x1];
	p0 =	sne.s32 s2, $0x0  }
0x156: {  	s3 =	rddreg [dreg:$0x2];
	[bflag:$0x3] =	sbarrier.arrive $0xFFFF;
	s2 =	simm.s32 @!p0 $0x1C09  }
0x157: {  	[timem:s3], [sflag:s2] =	dma.local @!p0 [hbm:s0], s1  }
0x158: {  	s0 =	simm.s32 @!p0 $0x9  }
0x159: {  	_ =	swait.ge @!p0 [sflag:s0], s1  }
0x15a: {  	s1 =	ssub.s32 @!p0 $0x0, s1;
	[sflag:s0] =	ssyncset.done @!p0 $0x0  }
0x15b: {  	[sflag:s0] =	ssyncadd.s32 @!p0 s1  }
0x15c: {  	[bflag:$0x3] =	sbarrier.arrive $0xFFFF  }
0x15d: {  	_ =	shalt  }

// kernel: kernel.9.cloned.1.call-start
scs
__scs_entry_jumppad:
0x0: {  	(pc) =	sbr.rel $0x88, $3  }
0x1: {  	(tag) =	ssettag $0x0;
	lr =	simm.s32 $0x1  }
0x2: {  	[smem:$0x3F99] =	sst lr;
	_ =	strace $0xD0000000  }
0x3: {  	_ = 	snop  }
0x4: {  	_ = 	snop  }
0x5: {  	_ = 	snop  }
0x6: {  	_ = 	snop  }
0x7: {  	_ = 	snop  }
__scs_overlays_trampoline_lowered:
0x8: {  	[smem:$0x3FA8] =	sst s0  }
0x9: {  	[smem:$0x3FA9] =	sst s1  }
0xa: {  	[smem:$0x3FAA] =	sst s2  }
0xb: {  	[smem:$0x3FAB] =	sst s3  }
0xc: {  	[smem:$0x3FAC] =	sst s4  }
0xd: {  	[smem:$0x3FAD] =	sst s5  }
0xe: {  	[smem:$0x3FAE] =	sst s6  }
0xf: {  	[smem:$0x3FAF] =	sst s7  }
0x10: {  	[smem:$0x3FB0] =	sst s8  }
0x11: {  	[smem:$0x3FB1] =	sst s9;
	s0 =	simm.s32 @!p0 $0x0  }
0x12: {  	s1 =	sld [smem:$0x3F97];
	s0 =	simm.s32 @p0 $0x1  }
0x13: {  	[smem:$0x3FB2] =	sst s0;
	s0 =	simm.s32 @!p1 $0x0  }
0x14: {  	s2 =	sld [smem:$0x3F96];
	s0 =	simm.s32 @p1 $0x1  }
0x15: {  	[smem:$0x3FB3] =	sst s0;
	s0 =	simm.s32 @!p2 $0x0  }
0x16: {  	s3 =	sld [smem:$0x3FDB];
	s0 =	simm.s32 @p2 $0x1  }
0x17: {  	s4 =	simm.s32 $0x1BF5;
	[smem:$0x3FB5] =	sst s0  }
0x18: {  	s0 =	sld [smem:$0x3F98];
	_ =	swait.ge [sflag:s4], $0x0  }
0x19: {  	s7 =	sld [smem:$0x3F99]  }
0x1a: {  	s8 =	sadd.s32 $0xFFFFE003, lr  }
0x1b: {  	s9 =	sadd.s32 $0xFFFFFEF7, lr;
	s5 =	simm.s32 $0xFFFFFFFF;
	p2 =	slt.u32 s8, $0xFFFFF086  }
0x1c: {  	p1 =	slt.u32 s9, $0xF7A;
	s5 =	simm.s32 @!p2 $0x0  }
0x1d: {  	s5 =	simm.s32 @p1 $0x1;
	p0 =	seq.s32 s7, s2  }
0x1e: {  	s7 =	smul.u32 @!p0 $0xF7A, s2;
	p2 =	seq.s32 @!p0 s5, $0x0  }
0x1f: {  	s9 =	smul.u32 $0xF7A, s1;
	s8 =	simm.s32 @!p0 $0x1BF5;
	p2 =	por !p2, p0  }
0x20: {  	[sflag:s8] =	ssyncset.s32 @!p0 $0xFFFFF086;
	s6 =	sadd.s32 @!p0 s3, s7;
	s7 =	simm.s32 @!p0 $0x108  }
0x21: {  	s3 =	sadd.s32 s3, s9;
	s6 =	sadd.s32 @!p0 $0x88, s6;
	s7 =	simm.s32 @p2 $0x1082  }
0x22: {  	[simem:s7], [sflag:s8] =	dma.local @!p0 [hbm:s6], $0xF7A  }
0x23: {  	s9 =	sor.u32 $0xD0000000, s2;
	s6 =	simm.s32 $0x108;
	_ =	swait.ge @!p0 [sflag:s8], $0x0  }
0x24: {  	s3 =	sadd.s32 $0x88, s3;
	s6 =	simm.s32 @!p1 $0x1082;
	[sflag:s4] =	ssyncset.s32 $0xFFFFF086  }
0x25: {  	[simem:s6], [sflag:s4] =	dma.local [hbm:s3], $0xF7A  }
0x26: {  	[smem:$0x3F99] =	sst s1;
	(tag) =	ssettag s2;
	_ =	strace s9  }
0x27: {  	s1 =	sld [smem:$0x3FA9]  }
0x28: {  	s2 =	sld [smem:$0x3FAA]  }
0x29: {  	s4 =	sld [smem:$0x3FAC]  }
0x2a: {  	p0 =	seq.s32 s5, $0x0;
	s5 =	sld [smem:$0x3FAD]  }
0x2b: {  	s6 =	sld [smem:$0x3FAE]  }
0x2c: {  	s7 =	sld [smem:$0x3FAF]  }
0x2d: {  	s3 =	simm.s32 $0x108;
	s8 =	sld [smem:$0x3FB0]  }
0x2e: {  	s3 =	simm.s32 @!p0 $0x1082;
	s9 =	sld [smem:$0x3FB1]  }
0x2f: {  	lr =	sadd.s32 s0, s3;
	s0 =	sld [smem:$0x3FA8]  }
0x30: {  	s3 =	sld [smem:$0x3FAB]  }
0x31: {  	[smem:$0x3FB4] =	sst s10  }
0x32: {  	s10 =	sld [smem:$0x3FB2];
	_ =	sdelay $0x3  }
0x33: {  	p0 =	seq.s32 s10, $0x1;
	s10 =	sld [smem:$0x3FB4];
	_ =	sdelay $0x3  }
0x34: {  	[smem:$0x3FB4] =	sst s10  }
0x35: {  	s10 =	sld [smem:$0x3FB3];
	_ =	sdelay $0x3  }
0x36: {  	p1 =	seq.s32 s10, $0x1;
	s10 =	sld [smem:$0x3FB4];
	_ =	sdelay $0x3  }
0x37: {  	[smem:$0x3FB4] =	sst s10  }
0x38: {  	s10 =	sld [smem:$0x3FB5]  }
0x39: {  	_ = 	snop;
	(pc) =	sbr.ind lr, $3  }
0x3a: {  	_ = 	snop  }
0x3b: {  	_ = 	snop  }
0x3c: {  	p2 =	seq.s32 s10, $0x1;
	s10 =	sld [smem:$0x3FB4]  }
0x3d: {  	_ =	shalt  }
0x3e: {  	_ =	shalt  }
0x3f: {  	_ =	shalt  }
0x40: {  	_ =	shalt  }
0x41: {  	_ =	shalt  }
0x42: {  	_ =	shalt  }
0x43: {  	_ =	shalt  }
0x44: {  	_ =	shalt  }
0x45: {  	_ =	shalt  }
0x46: {  	_ =	shalt  }
0x47: {  	_ =	shalt  }
0x48: {  	_ =	shalt  }
0x49: {  	_ =	shalt  }
0x4a: {  	_ =	shalt  }
0x4b: {  	_ =	shalt  }
0x4c: {  	_ =	shalt  }
0x4d: {  	_ =	shalt  }
0x4e: {  	_ =	shalt  }
0x4f: {  	_ =	shalt  }
0x50: {  	_ =	shalt  }
0x51: {  	_ =	shalt  }
0x52: {  	_ =	shalt  }
0x53: {  	_ =	shalt  }
0x54: {  	_ =	shalt  }
0x55: {  	_ =	shalt  }
0x56: {  	_ =	shalt  }
0x57: {  	_ =	shalt  }
0x58: {  	_ =	shalt  }
0x59: {  	_ =	shalt  }
0x5a: {  	_ =	shalt  }
0x5b: {  	_ =	shalt  }
0x5c: {  	_ =	shalt  }
0x5d: {  	_ =	shalt  }
0x5e: {  	_ =	shalt  }
0x5f: {  	_ =	shalt  }
0x60: {  	_ =	shalt  }
0x61: {  	_ =	shalt  }
0x62: {  	_ =	shalt  }
0x63: {  	_ =	shalt  }
0x64: {  	_ =	shalt  }
0x65: {  	_ =	shalt  }
0x66: {  	_ =	shalt  }
0x67: {  	_ =	shalt  }
0x68: {  	_ =	shalt  }
0x69: {  	_ =	shalt  }
0x6a: {  	_ =	shalt  }
0x6b: {  	_ =	shalt  }
0x6c: {  	_ =	shalt  }
0x6d: {  	_ =	shalt  }
0x6e: {  	_ =	shalt  }
0x6f: {  	_ =	shalt  }
0x70: {  	_ =	shalt  }
0x71: {  	_ =	shalt  }
0x72: {  	_ =	shalt  }
0x73: {  	_ =	shalt  }
0x74: {  	_ =	shalt  }
0x75: {  	_ =	shalt  }
0x76: {  	_ =	shalt  }
0x77: {  	_ =	shalt  }
0x78: {  	_ =	shalt  }
0x79: {  	_ =	shalt  }
0x7a: {  	_ =	shalt  }
0x7b: {  	_ =	shalt  }
0x7c: {  	_ =	shalt  }
0x7d: {  	_ =	shalt  }
0x7e: {  	_ =	shalt  }
0x7f: {  	_ =	shalt  }
0x80: {  	_ =	shalt  }
0x81: {  	_ =	shalt  }
0x82: {  	_ =	shalt  }
0x83: {  	_ =	shalt  }
0x84: {  	_ =	shalt  }
0x85: {  	_ =	shalt  }
0x86: {  	_ =	shalt  }
0x87: {  	_ =	shalt  }
.Lfunc_end0:
.L_simem_size_0:
called_computation.1_lowered:
.L_overlay_start_0:
0x88: {  	s2 =	sld [smem:$0x3FD9]  }
0x89: {  	s3 =	sld [smem:$0x3FFE];
	_ =	sdelay $0x1  }
0x8a: {  	s1 =	srdreg.scid  }
0x8b: {  	s0 =	sand.u32 $0x1, s1  }
0x8c: {  	s17 =	sshll.u32 s0, $0xA;
	s2 =	sadd.s32 s3, s2  }
0x8d: {  	s2 =	sadd.s32 s2, s17  }
0x8e: {  	[smem:$0x3FC0] =	sst s2  }
0x8f: {  	_ = 	snop  }
0x90: {  	s2 =	sld [smem:$0x3FD0];
	(tm) =	ssettm $0x1  }
0x91: {  	s18 =	sld [smem:$0x3FFB];
	_ =	sdelay $0x3  }
0x92: {  	_ =	strace s18  }
0x93: {  	s3 =	sld [smem:$0x3FFC];
	_ =	sdelay $0x3  }
0x94: {  	_ =	strace s3  }
0x95: {  	s3 =	sld [smem:$0x3FFD];
	_ =	sdelay $0x3  }
0x96: {  	_ =	strace s3  }
0x97: {  	_ =	strace $0x8FFFFFFF  }
0x98: {  	s19 =	sld [smem:$0x3FDB];
	_ =	sdelay $0x1  }
0x99: {  	s4 =	simm.s32 $_scs_section_size  }
0x9a: {  	s5 =	simm.s32 $_size__tile_overlayer_lowered;
	s6 =	simm.s32 $_tile_overlayer_lowered  }
0x9b: {  	s22 =	simm.s32 $0x1BFF;
	s21 =	sshll.u32 s6, $0x1;
	s3 =	sadd.s32 s4, s19  }
0x9c: {  	s7 =	simm.s32 $0x0;
	s20 =	sshll.u32 s5, $0x1;
	s5 =	sadd.s32 s21, s3  }
0x9d: {  	[timem:s7], [sflag:s22] =	dma.local [hbm:s5], s20  }
0x9e: {  	_ =	swait.ge [sflag:s22], s20  }
0x9f: {  	s4 =	ssub.s32 $0x0, s20;
	[sflag:s22] =	ssyncset.done $0x0  }
0xa0: {  	[sflag:s22] =	ssyncadd.s32 s4;
	_ =	sdelay $0x1  }
0xa1: {  	s23 =	simm.s32 $0x1B8B  }
0xa2: {  	_ =	swait.ge [sflag:s23], $0x1  }
0xa3: {  	[sflag:s23] =	ssyncset.done $0x0  }
0xa4: {  	s25 =	simm.s32 $0x1B8E;
	s24 =	sld [smem:$0x3FFE];
	[sflag:s23] =	ssyncadd.s32 $0xFFFFFFFF  }
0xa5: {  	s26 =	simm.s32 $execute0_lowered;
	[smem:$0x3FD2] =	sst s25  }
0xa6: {  	s5 =	sshll.u32 s26, $0x1;
	_ =	strace $0x80000049;
	[dreg:$0x1] =	wrdreg $0xFFFFFFFF  }
0xa7: {  	s28 =	simm.s32 $_size_execute0_lowered;
	s3 =	sadd.s32 s3, s5;
	[dreg:$0x0] =	wrdreg $0x0  }
0xa8: {  	s5 =	sshll.u32 s28, $0x1;
	[dreg:$0x2] =	wrdreg s3  }
0xa9: {  	[dreg:$0x3] =	wrdreg s5  }
0xaa: {  	[dreg:$0x4] =	wrdreg $0xC0  }
0xab: {  	_ =	task [dreg:s7], $0x5FFFF  }
0xac: {  	[dreg:$0x1] =	wrdreg $0xFFFFFFFF  }
0xad: {  	[dreg:$0x0] =	wrdreg $0x60  }
0xae: {  	[dreg:$0x2] =	wrdreg s2  }
0xaf: {  	[dreg:$0x3] =	wrdreg s24  }
0xb0: {  	[dreg:$0x4] =	wrdreg $0x0  }
0xb1: {  	[dreg:$0x5] =	wrdreg $0x9  }
0xb2: {  	_ =	task.clear_ibuf [dreg:s7], $0x6FFFF;
	_ =	strace $0x90000049  }
0xb3: {  	s29 =	simm.s32 $0x9;
	_ =	strace $0x8000004B  }
0xb4: {  	_ =	swait.ge [sflag:s29], $0x1  }
0xb5: {  	[sflag:s29] =	ssyncadd.s32 $0xFFFFFFFF  }
0xb6: {  	_ =	strace $0x9000004B  }
0xb7: {  	_ =	sfence  }
0xb8: {  	s30 =	sld [smem:$0x0];
	_ =	sdelay $0x2  }
0xb9: {  	s31 =	sshll.u32 s1, $0xD;
	s1 =	sshrl.u32 s1, $0x2  }
0xba: {  	s3 =	sand.u32 $0x4000, s31;
	s1 =	sadd.s32 s1, s30  }
0xbb: {  	s0 =	sor.u32 s3, s0;
	s1 =	sshll.u32 s1, $0x11  }
0xbc: {  	s0 =	sor.u32 s1, s0  }
0xbd: {  	s0 =	sadd.s32 $0x8F2B, s0  }
0xbe: {  	[sflag:s0] =	ssyncadd.remote.s32 $0x1  }
0xbf: {  	_ =	sfence.sel $0xFFFF  }
0xc0: {  	[dreg:$0x0] =	wrdreg $0xFFFFFFFF;
	(pc) =	sbr.abs _section_cstart, $3  }
0xc1: {  	[dreg:$0x1] =	wrdreg $0xFFFFFFFF  }
0xc2: {  	_ =	task.clear_ibuf [dreg:s7], $0x2FFFF;
	_ =	strace $0x9FFFFFFF  }
0xc3: {  	(tm) =	ssettm $0x7FFFFFFF  }
tec
execute0_lowered:
.L_overlay_start_1:
0x0: {  	(tag) =	ssettag $0x1  }
0x1: {  	s1 =	rddreg [dreg:$0x0]  }
0x2: {  	s0 =	rddreg [dreg:$0x1]  }
0x3: {  	s3 =	rddreg [dreg:$0x2];
	s4 =	simm.s32 $0x0  }
0x4: {  	s14 =	stileid.u32;
	s5 =	srdreg.scid;
	s24 =	simm.s32 $0x1BF80  }
0x5: {  	s25 =	simm.s32 $0x17C00;
	s28 =	simm.s32 $0x2;
	s29 =	simm.s32 $0x3  }
0x6: {  	s30 =	simm.s32 $0x4;
	s31 =	simm.s32 $0x0;
	[smem:$0x7FF] =	sst s4  }
0x7: {  	s2 =	smul.u32 $0x2780, s14;
	s23 =	sadd.s32 $0xC800, s0;
	s26 =	sadd.s32 $0x2800, s0  }
0x8: {  	s5 =	sand.u32 $0x1, s5;
	s10 =	sadd.s32 $0x3E000, s0;
	s12 =	sshll.u32 s14, $0x5  }
0x9: {  	s9 =	sshll.u32 s14, $0x7;
	s11 =	smul.u32 $0x4F000, s14;
	s15 =	sshll.u32 s14, $0x6  }
0xa: {  	_ =	strace $0x8000004A;
	s7 =	ssub.s32 $0x2, s5;
	[dreg:$0x5] =	wrdreg s24  }
0xb: {  	p0 =	seq.s32 s5, $0x0;
	s5 =	sor.u32 $0x800, s12;
	[dreg:$0x4] =	wrdreg s25  }
0xc: {  	s6 =	sadd.s32 s2, s0;
	s0 =	sadd.s32 $0x65800, s0;
	s8 =	sshrl.u32 s7, $0x1  }
0xd: {  	s5 =	smov.u32 @p0 s9;
	s13 =	sshrl.u32 s11, $0x2;
	s11 =	sor.u32 $0x1C09, s15  }
0xe: {  	s12 =	ssub.s32 s7, s8;
	s9 =	sshll.u32 s5, $0x4;
	s16 =	sadd.s32 $0x16800, s6  }
0xf: {  	s7 =	simm.s32 $0x80;
	[dreg:$0x6] =	wrdreg s16;
	s18 =	sadd.s32 s23, s9  }
0x10: {  	s8 =	simm.s32 $0x80;
	s19 =	sadd.s32 s26, s9;
	[dreg:$0x7] =	wrdreg s18  }
0x11: {  	s0 =	smov.u32 @p0 s10;
	s22 =	smax.u32 s12, $0x1;
	[dreg:$0x8] =	wrdreg s19  }
0x12: {  	s17 =	sor.u32 $0x10, s9;
	s0 =	sadd.s32 s0, s2;
	[dreg:$0xc] =	wrdreg s22  }
0x13: {  	s13 =	sadd.s32 s13, s3;
	s20 =	sadd.s32 s23, s17;
	[dreg:$0xd] =	wrdreg s0  }
0x14: {  	s7 =	simm.s32 @!p0 $0x20;
	s5 =	sadd.s32 s26, s17;
	[dreg:$0x9] =	wrdreg s20  }
0x15: {  	s21 =	sshrl.u32 s7, $0x2;
	s17 =	sadd.s32 $0xFFFFFFFF, s7;
	[dreg:$0xa] =	wrdreg s5  }
0x16: {  	[dreg:$0xb] =	wrdreg s21;
	s20 =	sshrl.u32 s13, $0x3;
	s21 =	simm.s32 $0x9  }
.LBB2_1:
0x17: {  	s0 =	rddreg [dreg:$0x6]  }
0x18: {  	[spmem:s20], [sflag:s11] =	dma.local [hbm:s0], $0x2780  }
0x19: {  	_ =	swait.ge [sflag:s21], $0x2780  }
0x1a: {  	[sflag:s21] =	ssyncset.done $0x0  }
0x1b: {  	[sflag:s21] =	ssyncadd.s32 $0xFFFFD880  }
0x1c: {  	[bflag:$0x0] =	sbarrier.arrive $0xFFFF  }
0x1d: {  	s2 =	simm.s32 $0x1BC00;
	s14 =	rddreg [dreg:$0x7]  }
0x1e: {  	[tilespmem:s2], [sflag:$0x9] =	stream.linear.gather [hbm4b:s14+s4], $0x80, $0x38;
	[tilespmem:$0x1C000] =	vst v63  }
0x1f: {  	_ =	swait.ge [sflag:s21], $0x80  }
0x20: {  	[sflag:s21] =	ssyncset.done $0x0  }
0x21: {  	s5 =	simm.s32 $0x1BE00;
	s15 =	rddreg [dreg:$0x8];
	[sflag:s21] =	ssyncadd.s32 $0xFFFFFF80  }
0x22: {  	[tilespmem:s5], [sflag:$0x9] =	stream.linear.gather [hbm4b:s15+s4], $0x80, $0x38;
	[tilespmem:$0x1C000] =	vst v63  }
0x23: {  	_ =	swait.ge [sflag:s21], $0x80  }
0x24: {  	s18 =	simm.s32 $0x1BC80;
	[sflag:s21] =	ssyncset.done $0x0;
	s25 =	rddreg [dreg:$0xb]  }
0x25: {  	s16 =	rddreg [dreg:$0x9];
	[sflag:s21] =	ssyncadd.s32 $0xFFFFFF80;
	s0 =	sadd.s32 $0xFFFFFFFF, s25  }
0x26: {  	[tilespmem:s18], [sflag:$0x6] =	stream.linear.gather [hbm4b:s16+s4], $0x80, $0x38;
	[tilespmem:$0x1C000] =	vst v63  }
0x27: {  	p1 =	sne.s32 s0, $0x0  }
.Ltmp0:
0x28: {  	s22 =	simm.s32 $0x1BE80;
	s19 =	rddreg [dreg:$0xa];
	(pc) =	sbr.rel @!p1 .LBB2_2-.Ltmp0, $4  }
0x29: {  	[tilespmem:s22], [sflag:$0x6] =	stream.linear.gather [hbm4b:s19+s4], $0x80, $0x38;
	[tilespmem:$0x1C000] =	vst v63  }
0x2a: {  	s24 =	simm.s32 $0x13C00;
	p2 =	por $0x1, $0x1  }
0x2b: {  	[tilespmem:s24], [sflag:$0x1] =	stream.indirect.gather [hbm4b:s1+s8], $0x80, s2, s8, $0xb8;
	[tilespmem:$0x1C000] =	vst v63  }
0x2c: {  	p0 =	por $0x0, $0x0;
	p4 =	sle.s32 @!p2 s17, $0x0;
	s24 =	simm.s32 $0x3  }
0x2d: {  	p0 =	por p4, p2  }
0x2e: {  	s2 =	simm.s32 @!p0 $0x4  }
0x2f: {  	_ =	swait.ge @!p0 [sflag:s2], $0x4000  }
0x30: {  	p1 =	sle.s32 s17, $0x0;
	[sflag:s2] =	ssyncset.done @!p0 $0x0  }
0x31: {  	[sflag:s2] =	ssyncadd.s32 @!p0 $0xFFFFC000;
	s2 =	simm.s32 @!p1 $0x6  }
0x32: {  	_ =	swait.ge @!p1 [sflag:s2], $0x80  }
0x33: {  	[sflag:s2] =	ssyncset.done @!p1 $0x0  }
0x34: {  	[sflag:s2] =	ssyncadd.s32 @!p1 $0xFFFFFF80  }
0x35: {  	s5 =	simm.s32 @!p1 $0x17C00;
	_ =	swait.ge @!p1 [sflag:s2], $0x80  }
0x36: {  	s6 =	simm.s32 @!p1 $0x1BC80;
	p0 =	sle.u32 s7, $0x2;
	[sflag:s2] =	ssyncset.done @!p1 $0x0  }
0x37: {  	s10 =	simm.s32 @!p1 $0x80;
	s12 =	simm.s32 @p0 $0x1;
	[sflag:s2] =	ssyncadd.s32 @!p1 $0xFFFFFF80  }
0x38: {  	[tilespmem:s5], [sflag:$0x2] =	stream.indirect.gather @!p1 [hbm4b:s1+s10], $0x80, s6, s10, $0xb8;
	[tilespmem:$0x1C000] =	vst v63  }
0x39: {  	s2 =	sadd.s32 @!p0 s23, s9;
	_ =	swait.ge @p0 [sflag:s12], $0x4000  }
0x3a: {  	s2 =	sadd.s32 @!p0 $0x20, s2;
	s5 =	simm.s32 @p0 $0x13C00;
	[sflag:s12] =	ssyncset.done @p0 $0x0  }
0x3b: {  	s6 =	simm.s32 @p0 $0x80;
	s10 =	simm.s32 @p0 $0x1BE00;
	[sflag:s12] =	ssyncadd.s32 @p0 $0xFFFFC000  }
0x3c: {  	[spmem:s3] =	stream.indirect.scatter.add.f32 @p0 [tilespmem:s5], [sflag:$0x3], $0x80, s10, s6, $0xb8;
	[tilespmem:$0x1C000] =	vst v63  }
0x3d: {  	s5 =	sadd.s32 @!p0 s26, s9;
	s6 =	simm.s32 @!p0 $0x0;
	s10 =	simm.s32 @!p0 $0x1BD00  }
0x3e: {  	[tilespmem:s10], [sflag:$0x7] =	stream.linear.gather @!p0 [hbm4b:s2+s6], $0x80, $0x38;
	[tilespmem:$0x1C000] =	vst v63  }
0x3f: {  	s12 =	simm.s32 @!p0 $0x1;
	s2 =	sadd.s32 @!p0 $0x20, s5;
	s5 =	simm.s32 @!p0 $0x1BF00  }
0x40: {  	[tilespmem:s5], [sflag:$0x7] =	stream.linear.gather @!p0 [hbm4b:s2+s6], $0x80, $0x38;
	[tilespmem:$0x1C000] =	vst v63  }
0x41: {  	_ =	swait.ge @!p0 [sflag:s12], $0x4000  }
0x42: {  	s13 =	simm.s32 @!p0 $0x1BE00;
	s2 =	simm.s32 @!p0 $0x13C00;
	[sflag:s12] =	ssyncset.done @!p0 $0x0  }
0x43: {  	s5 =	simm.s32 @!p0 $0x3;
	s6 =	simm.s32 @!p0 $0x80;
	[sflag:s12] =	ssyncadd.s32 @!p0 $0xFFFFC000  }
0x44: {  	[spmem:s3] =	stream.indirect.scatter.add.f32 @!p0 [tilespmem:s2], [sflag:$0x3], $0x80, s13, s6, $0xb8;
	[tilespmem:$0x1C000] =	vst v63  }
0x45: {  	_ =	swait.ge @!p0 [sflag:s5], $0x4000  }
0x46: {  	[sflag:s5] =	ssyncset.done @!p0 $0x0  }
0x47: {  	s12 =	simm.s32 @!p0 $0x7;
	[sflag:s5] =	ssyncadd.s32 @!p0 $0xFFFFC000  }
0x48: {  	_ =	swait.ge @!p0 [sflag:s12], $0x80  }
0x49: {  	[sflag:s12] =	ssyncset.done @!p0 $0x0  }
0x4a: {  	[sflag:s12] =	ssyncadd.s32 @!p0 $0xFFFFFF80  }
0x4b: {  	_ =	swait.ge @!p0 [sflag:s12], $0x80  }
0x4c: {  	p1 =	sle.u32 s7, $0x3;
	[sflag:s12] =	ssyncset.done @!p0 $0x0  }
0x4d: {  	s5 =	simm.s32 @p1 $0x2;
	[sflag:s12] =	ssyncadd.s32 @!p0 $0xFFFFFF80  }
0x4e: {  	[tilespmem:s2], [sflag:$0x1] =	stream.indirect.gather @!p0 [hbm4b:s1+s6], $0x80, s10, s6, $0xb8;
	[tilespmem:$0x1C000] =	vst v63  }
0x4f: {  	s12 =	simm.s32 @p1 $0x1BE80;
	_ =	swait.ge @p1 [sflag:s5], $0x4000  }
0x50: {  	s2 =	sadd.s32 @!p1 s26, s9;
	s6 =	simm.s32 @p1 $0x17C00;
	[sflag:s5] =	ssyncset.done @p1 $0x0  }
0x51: {  	s10 =	sadd.s32 @!p1 s23, s9;
	[sflag:s5] =	ssyncadd.s32 @p1 $0xFFFFC000;
	s5 =	simm.s32 @p1 $0x80  }
0x52: {  	[spmem:s3] =	stream.indirect.scatter.add.f32 @p1 [tilespmem:s6], [sflag:$0x4], $0x80, s12, s5, $0xb8;
	[tilespmem:$0x1C000] =	vst v63  }
0x53: {  	s5 =	sadd.s32 @!p1 $0x30, s10;
	s6 =	simm.s32 @!p1 $0x0;
	s10 =	simm.s32 @!p1 $0x1BD80  }
0x54: {  	[tilespmem:s10], [sflag:$0x8] =	stream.linear.gather @!p1 [hbm4b:s5+s6], $0x80, $0x38;
	[tilespmem:$0x1C000] =	vst v63  }
0x55: {  	s2 =	sadd.s32 @!p1 $0x30, s2;
	s12 =	simm.s32 @!p1 $0x2;
	s5 =	simm.s32 @!p1 $0x1BF80  }
0x56: {  	[tilespmem:s5], [sflag:$0x8] =	stream.linear.gather @!p1 [hbm4b:s2+s6], $0x80, $0x38;
	[tilespmem:$0x1C000] =	vst v63  }
0x57: {  	_ =	swait.ge @!p1 [sflag:s12], $0x4000  }
0x58: {  	s13 =	simm.s32 @!p1 $0x1BE80;
	s2 =	simm.s32 @!p1 $0x17C00;
	[sflag:s12] =	ssyncset.done @!p1 $0x0  }
0x59: {  	s5 =	simm.s32 @!p1 $0x80;
	s6 =	simm.s32 @!p1 $0x4;
	[sflag:s12] =	ssyncadd.s32 @!p1 $0xFFFFC000  }
0x5a: {  	[spmem:s3] =	stream.indirect.scatter.add.f32 @!p1 [tilespmem:s2], [sflag:$0x4], $0x80, s13, s5, $0xb8;
	[tilespmem:$0x1C000] =	vst v63  }
0x5b: {  	_ =	swait.ge @!p1 [sflag:s6], $0x4000  }
0x5c: {  	[sflag:s6] =	ssyncset.done @!p1 $0x0  }
0x5d: {  	s12 =	simm.s32 @!p1 $0x8;
	[sflag:s6] =	ssyncadd.s32 @!p1 $0xFFFFC000  }
0x5e: {  	_ =	swait.ge @!p1 [sflag:s12], $0x80  }
0x5f: {  	[sflag:s12] =	ssyncset.done @!p1 $0x0  }
0x60: {  	[sflag:s12] =	ssyncadd.s32 @!p1 $0xFFFFFF80  }
0x61: {  	p3 =	sle.u32 s7, $0x4;
	s25 =	sadd.s32 $0xFFFFFFFF, s0;
	_ =	swait.ge @!p1 [sflag:s12], $0x80  }
0x62: {  	p2 =	por $0x0, $0x0;
	s24 =	simm.s32 $0x7;
	[sflag:s12] =	ssyncset.done @!p1 $0x0  }
0x63: {  	p5 =	sle.u32 s7, $0x5;
	s6 =	simm.s32 @p3 $0x1;
	[sflag:s12] =	ssyncadd.s32 @!p1 $0xFFFFFF80  }
0x64: {  	[tilespmem:s2], [sflag:$0x2] =	stream.indirect.gather @!p1 [hbm4b:s1+s5], $0x80, s10, s5, $0xb8;
	[tilespmem:$0x1C000] =	vst v63  }
0x65: {  	s0 =	sadd.s32 @!p3 s23, s9;
	s22 =	simm.s32 @!p3 $0x80;
	_ =	swait.ge @p3 [sflag:s6], $0x4000  }
0x66: {  	s0 =	sadd.s32 @!p3 $0x40, s0;
	s2 =	simm.s32 @p3 $0x13C00;
	[sflag:s6] =	ssyncset.done @p3 $0x0  }
0x67: {  	s5 =	simm.s32 @p3 $0x80;
	[sflag:s6] =	ssyncadd.s32 @p3 $0xFFFFC000;
	s6 =	simm.s32 @p3 $0x1BF00  }
0x68: {  	[spmem:s3] =	stream.indirect.scatter.add.f32 @p3 [tilespmem:s2], [sflag:$0x3], $0x80, s6, s5, $0xb8;
	[tilespmem:$0x1C000] =	vst v63  }
0x69: {  	s12 =	simm.s32 @!p3 $0x1BC00;
	s2 =	sadd.s32 @!p3 s26, s9;
	s5 =	simm.s32 @!p3 $0x0  }
0x6a: {  	[tilespmem:s12], [sflag:$0x5] =	stream.linear.gather @!p3 [hbm4b:s0+s5], $0x80, $0x38;
	[tilespmem:$0x1C000] =	vst v63  }
0x6b: {  	s6 =	simm.s32 @!p3 $0x1;
	s0 =	sadd.s32 @!p3 $0x40, s2;
	s2 =	simm.s32 @!p3 $0x1BE00  }
0x6c: {  	[tilespmem:s2], [sflag:$0x5] =	stream.linear.gather @!p3 [hbm4b:s0+s5], $0x80, $0x38;
	[tilespmem:$0x1C000] =	vst v63  }
0x6d: {  	p4 =	sle.s32 @!p2 s17, $0x4;
	s14 =	simm.s32 @!p3 $0x5;
	_ =	swait.ge @!p3 [sflag:s6], $0x4000  }
0x6e: {  	s13 =	simm.s32 @!p3 $0x13C00;
	p1 =	sne.s32 s25, $0x0;
	[sflag:s6] =	ssyncset.done @!p3 $0x0  }
0x6f: {  	s2 =	simm.s32 @!p3 $0x3;
	s0 =	simm.s32 @!p3 $0x1BF00;
	[sflag:s6] =	ssyncadd.s32 @!p3 $0xFFFFC000  }
0x70: {  	[spmem:s3] =	stream.indirect.scatter.add.f32 @!p3 [tilespmem:s13], [sflag:$0x3], $0x80, s0, s22, $0xb8;
	[tilespmem:$0x1C000] =	vst v63  }
.Ltmp1:
0x71: {  	s15 =	simm.s32 @!p5 $0x0;
	_ =	swait.ge @!p3 [sflag:s2], $0x4000;
	(pc) =	sbr.rel @!p1 .LBB2_4-.Ltmp1, $4  }
0x72: {  	s18 =	simm.s32 @!p5 $0x1BC80;
	p0 =	por $0x1, $0x1;
	[sflag:s2] =	ssyncset.done @!p3 $0x0  }
0x73: {  	s5 =	sadd.s32 $0x40, s23;
	s6 =	sadd.s32 $0x40, s26;
	[sflag:s2] =	ssyncadd.s32 @!p3 $0xFFFFC000  }
0x74: {  	s0 =	simm.s32 $0x4;
	s2 =	sadd.s32 @!p5 s23, s9;
	_ =	swait.ge @!p3 [sflag:s14], $0x80  }
0x75: {  	s16 =	sadd.s32 @!p5 $0x50, s2;
	s2 =	smov.u32 s26;
	[sflag:s14] =	ssyncset.done @!p3 $0x0  }
.LBB2_5:
0x76: {  	[sflag:s14] =	ssyncadd.s32 @!p3 $0xFFFFFF80  }
0x77: {  	_ =	swait.ge @!p3 [sflag:s14], $0x80  }
0x78: {  	[sflag:s14] =	ssyncset.done @!p3 $0x0  }
0x79: {  	[sflag:s14] =	ssyncadd.s32 @!p3 $0xFFFFFF80  }
0x7a: {  	[tilespmem:s13], [sflag:$0x1] =	stream.indirect.gather @!p3 [hbm4b:s1+s22], $0x80, s12, s22, $0xb8;
	[tilespmem:$0x1C000] =	vst v63  }
0x7b: {  	s2 =	sadd.s32 @!p5 s2, s9  }
0x7c: {  	[tilespmem:s18], [sflag:$0x6] =	stream.linear.gather @!p5 [hbm4b:s16+s15], $0x80, $0x38;
	[tilespmem:$0x1C000] =	vst v63  }
0x7d: {  	s19 =	sadd.s32 @!p5 $0x50, s2;
	s12 =	simm.s32 @!p5 $0x1BE80  }
0x7e: {  	[tilespmem:s12], [sflag:$0x6] =	stream.linear.gather @!p5 [hbm4b:s19+s15], $0x80, $0x38;
	[tilespmem:$0x1C000] =	vst v63  }
0x7f: {  	_ =	swait.ge [sflag:s28], $0x4000  }
0x80: {  	p2 =	por p4, p2;
	s19 =	rddreg [dreg:$0x4];
	[sflag:s28] =	ssyncset.done $0x0  }
0x81: {  	s16 =	simm.s32 @!p2 $0x4;
	s22 =	rddreg [dreg:$0x5];
	[sflag:s28] =	ssyncadd.s32 $0xFFFFC000  }
0x82: {  	[spmem:s3] =	stream.indirect.scatter.add.f32 [tilespmem:s19], [sflag:$0x4], $0x80, s22, s8, $0xb8;
	[tilespmem:$0x1C000] =	vst v63  }
0x83: {  	_ =	swait.ge @!p2 [sflag:s16], $0x4000  }
0x84: {  	p3 =	sge.s32 s0, s17;
	[sflag:s16] =	ssyncset.done @!p2 $0x0  }
0x85: {  	s14 =	simm.s32 @!p3 $0x6;
	[sflag:s16] =	ssyncadd.s32 @!p2 $0xFFFFC000  }
0x86: {  	_ =	swait.ge @!p3 [sflag:s14], $0x80  }
0x87: {  	[sflag:s14] =	ssyncset.done @!p3 $0x0  }
0x88: {  	s18 =	sadd.s32 $0x2, s0;
	[sflag:s14] =	ssyncadd.s32 @!p3 $0xFFFFFF80  }
0x89: {  	s12 =	simm.s32 @!p3 $0x17C00;
	s15 =	simm.s32 @!p3 $0x1BC80;
	_ =	swait.ge @!p3 [sflag:s14], $0x80  }
0x8a: {  	s16 =	simm.s32 @!p3 $0x80;
	p2 =	sge.u32 s18, s7;
	[sflag:s14] =	ssyncset.done @!p3 $0x0  }
0x8b: {  	s13 =	simm.s32 @p2 $0x1;
	s18 =	sadd.s32 @!p2 s5, s9;
	[sflag:s14] =	ssyncadd.s32 @!p3 $0xFFFFFF80  }
0x8c: {  	[tilespmem:s12], [sflag:$0x2] =	stream.indirect.gather @!p3 [hbm4b:s1+s16], $0x80, s15, s16, $0xb8;
	[tilespmem:$0x1C000] =	vst v63  }
0x8d: {  	s14 =	sadd.s32 @!p2 $0x20, s18;
	s18 =	sadd.s32 @!p2 s6, s9;
	_ =	swait.ge @p2 [sflag:s13], $0x4000  }
0x8e: {  	s12 =	simm.s32 @p2 $0x13C00;
	s15 =	sadd.s32 @!p2 $0x20, s18;
	[sflag:s13] =	ssyncset.done @p2 $0x0  }
0x8f: {  	s16 =	simm.s32 @p2 $0x80;
	s18 =	simm.s32 @p2 $0x1BE00;
	[sflag:s13] =	ssyncadd.s32 @p2 $0xFFFFC000  }
0x90: {  	[spmem:s3] =	stream.indirect.scatter.add.f32 @p2 [tilespmem:s12], [sflag:$0x3], $0x80, s18, s16, $0xb8;
	[tilespmem:$0x1C000] =	vst v63  }
0x91: {  	s12 =	simm.s32 @!p2 $0x0;
	s16 =	simm.s32 @!p2 $0x1BD00  }
0x92: {  	[tilespmem:s16], [sflag:$0x7] =	stream.linear.gather @!p2 [hbm4b:s14+s12], $0x80, $0x38;
	[tilespmem:$0x1C000] =	vst v63  }
0x93: {  	s13 =	simm.s32 @!p2 $0x1BF00;
	s14 =	simm.s32 @!p2 $0x1  }
0x94: {  	[tilespmem:s13], [sflag:$0x7] =	stream.linear.gather @!p2 [hbm4b:s15+s12], $0x80, $0x38;
	[tilespmem:$0x1C000] =	vst v63  }
0x95: {  	_ =	swait.ge @!p2 [sflag:s14], $0x4000  }
0x96: {  	s18 =	simm.s32 @!p2 $0x1BE00;
	s12 =	simm.s32 @!p2 $0x13C00;
	[sflag:s14] =	ssyncset.done @!p2 $0x0  }
0x97: {  	s13 =	simm.s32 @!p2 $0x3;
	s15 =	simm.s32 @!p2 $0x80;
	[sflag:s14] =	ssyncadd.s32 @!p2 $0xFFFFC000  }
0x98: {  	[spmem:s3] =	stream.indirect.scatter.add.f32 @!p2 [tilespmem:s12], [sflag:$0x3], $0x80, s18, s15, $0xb8;
	[tilespmem:$0x1C000] =	vst v63  }
0x99: {  	_ =	swait.ge @!p2 [sflag:s13], $0x4000  }
0x9a: {  	[sflag:s13] =	ssyncset.done @!p2 $0x0  }
0x9b: {  	s14 =	simm.s32 @!p2 $0x7;
	[sflag:s13] =	ssyncadd.s32 @!p2 $0xFFFFC000  }
0x9c: {  	_ =	swait.ge @!p2 [sflag:s14], $0x80  }
0x9d: {  	[sflag:s14] =	ssyncset.done @!p2 $0x0  }
0x9e: {  	[sflag:s14] =	ssyncadd.s32 @!p2 $0xFFFFFF80  }
0x9f: {  	_ =	swait.ge @!p2 [sflag:s14], $0x80  }
0xa0: {  	p5 =	sge.u32 s24, s7;
	[sflag:s14] =	ssyncset.done @!p2 $0x0  }
0xa1: {  	[sflag:s14] =	ssyncadd.s32 @!p2 $0xFFFFFF80;
	s14 =	simm.s32 @p5 $0x2  }
0xa2: {  	[tilespmem:s12], [sflag:$0x1] =	stream.indirect.gather @!p2 [hbm4b:s1+s15], $0x80, s16, s15, $0xb8;
	[tilespmem:$0x1C000] =	vst v63  }
0xa3: {  	s24 =	simm.s32 @!p5 $0x0;
	_ =	swait.ge @p5 [sflag:s14], $0x4000  }
0xa4: {  	s19 =	simm.s32 @p5 $0x17C00;
	s13 =	sadd.s32 @!p5 s5, s9;
	[sflag:s14] =	ssyncset.done @p5 $0x0  }
0xa5: {  	s12 =	simm.s32 @p5 $0x80;
	[sflag:s14] =	ssyncadd.s32 @p5 $0xFFFFC000;
	s14 =	simm.s32 @p5 $0x1BE80  }
0xa6: {  	[spmem:s3] =	stream.indirect.scatter.add.f32 @p5 [tilespmem:s19], [sflag:$0x4], $0x80, s14, s12, $0xb8;
	[tilespmem:$0x1C000] =	vst v63  }
0xa7: {  	s18 =	sadd.s32 @!p5 s6, s9;
	s22 =	sadd.s32 @!p5 $0x30, s13;
	s13 =	simm.s32 @!p5 $0x1BD80  }
0xa8: {  	[tilespmem:s13], [sflag:$0x8] =	stream.linear.gather @!p5 [hbm4b:s22+s24], $0x80, $0x38;
	[tilespmem:$0x1C000] =	vst v63  }
0xa9: {  	s18 =	sadd.s32 @!p5 $0x30, s18;
	s15 =	simm.s32 @!p5 $0x2;
	s12 =	simm.s32 @!p5 $0x1BF80  }
0xaa: {  	[tilespmem:s12], [sflag:$0x8] =	stream.linear.gather @!p5 [hbm4b:s18+s24], $0x80, $0x38;
	[tilespmem:$0x1C000] =	vst v63  }
0xab: {  	_ =	swait.ge @!p5 [sflag:s15], $0x4000  }
0xac: {  	s16 =	simm.s32 @!p5 $0x80;
	s14 =	simm.s32 @!p5 $0x17C00;
	[sflag:s15] =	ssyncset.done @!p5 $0x0  }
0xad: {  	s12 =	simm.s32 @!p5 $0x4;
	s18 =	simm.s32 @!p5 $0x1BE80;
	[sflag:s15] =	ssyncadd.s32 @!p5 $0xFFFFC000  }
0xae: {  	[spmem:s3] =	stream.indirect.scatter.add.f32 @!p5 [tilespmem:s14], [sflag:$0x4], $0x80, s18, s16, $0xb8;
	[tilespmem:$0x1C000] =	vst v63  }
0xaf: {  	_ =	swait.ge @!p5 [sflag:s12], $0x4000  }
0xb0: {  	[sflag:s12] =	ssyncset.done @!p5 $0x0  }
0xb1: {  	s18 =	simm.s32 @!p5 $0x8;
	[sflag:s12] =	ssyncadd.s32 @!p5 $0xFFFFC000  }
0xb2: {  	_ =	swait.ge @!p5 [sflag:s18], $0x80  }
0xb3: {  	[sflag:s18] =	ssyncset.done @!p5 $0x0  }
0xb4: {  	s25 =	sadd.s32 $0xFFFFFFFF, s25;
	[sflag:s18] =	ssyncadd.s32 @!p5 $0xFFFFFF80  }
0xb5: {  	s10 =	smov.u32 s0;
	s0 =	sadd.s32 $0x4, s0;
	_ =	swait.ge @!p5 [sflag:s18], $0x80  }
0xb6: {  	p1 =	sne.s32 s25, $0x0;
	p3 =	sge.u32 s0, s7;
	[sflag:s18] =	ssyncset.done @!p5 $0x0  }
0xb7: {  	s2 =	smov.u32 s6;
	[sflag:s18] =	ssyncadd.s32 @!p5 $0xFFFFFF80;
	s18 =	simm.s32 @p3 $0x1  }
0xb8: {  	[tilespmem:s14], [sflag:$0x2] =	stream.indirect.gather @!p5 [hbm4b:s1+s16], $0x80, s13, s16, $0xb8;
	[tilespmem:$0x1C000] =	vst v63  }
0xb9: {  	p2 =	seq.s32 s0, $0x0;
	s19 =	sadd.s32 @!p3 s6, s9;
	_ =	swait.ge @p3 [sflag:s18], $0x4000  }
0xba: {  	s15 =	sadd.s32 @!p3 s5, s9;
	s13 =	simm.s32 @p3 $0x13C00;
	[sflag:s18] =	ssyncset.done @p3 $0x0  }
0xbb: {  	s14 =	simm.s32 @p3 $0x80;
	s16 =	simm.s32 @p3 $0x1BF00;
	[sflag:s18] =	ssyncadd.s32 @p3 $0xFFFFC000  }
0xbc: {  	[spmem:s3] =	stream.indirect.scatter.add.f32 @p3 [tilespmem:s13], [sflag:$0x3], $0x80, s16, s14, $0xb8;
	[tilespmem:$0x1C000] =	vst v63  }
0xbd: {  	s22 =	simm.s32 @!p3 $0x0;
	s15 =	sadd.s32 @!p3 $0x40, s15;
	s12 =	simm.s32 @!p3 $0x1BC00  }
0xbe: {  	[tilespmem:s12], [sflag:$0x5] =	stream.linear.gather @!p3 [hbm4b:s15+s22], $0x80, $0x38;
	[tilespmem:$0x1C000] =	vst v63  }
0xbf: {  	s19 =	sadd.s32 @!p3 $0x40, s19;
	s13 =	simm.s32 @!p3 $0x1BE00;
	s14 =	simm.s32 @!p3 $0x1  }
0xc0: {  	[tilespmem:s13], [sflag:$0x5] =	stream.linear.gather @!p3 [hbm4b:s19+s22], $0x80, $0x38;
	[tilespmem:$0x1C000] =	vst v63  }
0xc1: {  	s10 =	sadd.s32 $0x5, s10;
	p4 =	sge.s32 @!p2 s0, s17;
	_ =	swait.ge @!p3 [sflag:s14], $0x4000  }
0xc2: {  	s15 =	simm.s32 @!p3 $0x3;
	s13 =	simm.s32 @!p3 $0x13C00;
	[sflag:s14] =	ssyncset.done @!p3 $0x0  }
0xc3: {  	s22 =	simm.s32 @!p3 $0x80;
	[sflag:s14] =	ssyncadd.s32 @!p3 $0xFFFFC000;
	s14 =	simm.s32 @!p3 $0x1BF00  }
0xc4: {  	[spmem:s3] =	stream.indirect.scatter.add.f32 @!p3 [tilespmem:s13], [sflag:$0x3], $0x80, s14, s22, $0xb8;
	[tilespmem:$0x1C000] =	vst v63  }
.Ltmp2:
0xc5: {  	s6 =	sadd.s32 $0x40, s6;
	_ =	swait.ge @!p3 [sflag:s15], $0x4000;
	(pc) =	sbr.rel @p1 .LBB2_5-.Ltmp2, $4  }
0xc6: {  	s24 =	sadd.s32 $0x3, s0;
	p5 =	sge.u32 s10, s7;
	[sflag:s15] =	ssyncset.done @!p3 $0x0  }
0xc7: {  	s10 =	sadd.s32 @!p5 s5, s9;
	s14 =	simm.s32 @!p3 $0x5;
	[sflag:s15] =	ssyncadd.s32 @!p3 $0xFFFFC000  }
0xc8: {  	s5 =	sadd.s32 $0x40, s5;
	s18 =	simm.s32 @!p5 $0x1BC80;
	_ =	swait.ge @!p3 [sflag:s14], $0x80  }
0xc9: {  	s16 =	sadd.s32 @!p5 $0x50, s10;
	s15 =	simm.s32 @!p5 $0x0;
	[sflag:s14] =	ssyncset.done @!p3 $0x0  }
.LBB2_6:
0xca: {  	p1 =	por p3, !p0  }
0xcb: {  	[sflag:s14] =	ssyncadd.s32 @!p1 $0xFFFFFF80  }
0xcc: {  	_ =	swait.ge @!p1 [sflag:s14], $0x80  }
0xcd: {  	[sflag:s14] =	ssyncset.done @!p1 $0x0  }
0xce: {  	[sflag:s14] =	ssyncadd.s32 @!p1 $0xFFFFFF80  }
0xcf: {  	[tilespmem:s13], [sflag:$0x1] =	stream.indirect.gather @!p1 [hbm4b:s1+s22], $0x80, s12, s22, $0xb8;
	[tilespmem:$0x1C000] =	vst v63  }
0xd0: {  	p1 =	por p5, !p0  }
0xd1: {  	s2 =	sadd.s32 @!p1 s2, s9  }
0xd2: {  	[tilespmem:s18], [sflag:$0x6] =	stream.linear.gather @!p1 [hbm4b:s16+s15], $0x80, $0x38;
	[tilespmem:$0x1C000] =	vst v63  }
0xd3: {  	s10 =	simm.s32 @!p1 $0x1BE80;
	s2 =	sadd.s32 @!p1 $0x50, s2  }
0xd4: {  	[tilespmem:s10], [sflag:$0x6] =	stream.linear.gather @!p1 [hbm4b:s2+s15], $0x80, $0x38;
	[tilespmem:$0x1C000] =	vst v63  }
0xd5: {  	_ =	swait.ge @p0 [sflag:s28], $0x4000  }
0xd6: {  	p2 =	por p4, p2;
	s2 =	rddreg [dreg:$0x4];
	[sflag:s28] =	ssyncset.done @p0 $0x0  }
0xd7: {  	s12 =	simm.s32 @!p2 $0x4;
	s10 =	rddreg [dreg:$0x5];
	[sflag:s28] =	ssyncadd.s32 @p0 $0xFFFFC000  }
0xd8: {  	[spmem:s3] =	stream.indirect.scatter.add.f32 @p0 [tilespmem:s2], [sflag:$0x4], $0x80, s10, s8, $0xb8;
	[tilespmem:$0x1C000] =	vst v63  }
0xd9: {  	_ =	swait.ge @!p2 [sflag:s12], $0x4000  }
0xda: {  	p1 =	sge.s32 s0, s17;
	[sflag:s12] =	ssyncset.done @!p2 $0x0  }
0xdb: {  	s2 =	simm.s32 @!p1 $0x6;
	[sflag:s12] =	ssyncadd.s32 @!p2 $0xFFFFC000  }
0xdc: {  	_ =	swait.ge @!p1 [sflag:s2], $0x80  }
0xdd: {  	[sflag:s2] =	ssyncset.done @!p1 $0x0  }
0xde: {  	[sflag:s2] =	ssyncadd.s32 @!p1 $0xFFFFFF80  }
0xdf: {  	s15 =	sadd.s32 $0x2, s0;
	s13 =	simm.s32 @!p1 $0x1BC80;
	_ =	swait.ge @!p1 [sflag:s2], $0x80  }
0xe0: {  	s10 =	simm.s32 @!p1 $0x17C00;
	p0 =	sge.u32 s15, s7;
	[sflag:s2] =	ssyncset.done @!p1 $0x0  }
0xe1: {  	s12 =	simm.s32 @!p1 $0x80;
	[sflag:s2] =	ssyncadd.s32 @!p1 $0xFFFFFF80;
	s2 =	simm.s32 @p0 $0x1  }
0xe2: {  	[tilespmem:s10], [sflag:$0x2] =	stream.indirect.gather @!p1 [hbm4b:s1+s12], $0x80, s13, s12, $0xb8;
	[tilespmem:$0x1C000] =	vst v63  }
0xe3: {  	s10 =	sadd.s32 @!p0 s5, s9;
	_ =	swait.ge @p0 [sflag:s2], $0x4000  }
0xe4: {  	s12 =	simm.s32 @p0 $0x13C00;
	s13 =	simm.s32 @p0 $0x80;
	[sflag:s2] =	ssyncset.done @p0 $0x0  }
0xe5: {  	s10 =	sadd.s32 @!p0 $0x20, s10;
	[sflag:s2] =	ssyncadd.s32 @p0 $0xFFFFC000;
	s2 =	simm.s32 @p0 $0x1BE00  }
0xe6: {  	[spmem:s3] =	stream.indirect.scatter.add.f32 @p0 [tilespmem:s12], [sflag:$0x3], $0x80, s2, s13, $0xb8;
	[tilespmem:$0x1C000] =	vst v63  }
0xe7: {  	s2 =	sadd.s32 @!p0 s6, s9;
	s12 =	simm.s32 @!p0 $0x0;
	s13 =	simm.s32 @!p0 $0x1BD00  }
0xe8: {  	[tilespmem:s13], [sflag:$0x7] =	stream.linear.gather @!p0 [hbm4b:s10+s12], $0x80, $0x38;
	[tilespmem:$0x1C000] =	vst v63  }
0xe9: {  	s2 =	sadd.s32 @!p0 $0x20, s2;
	s10 =	simm.s32 @!p0 $0x1BF00  }
0xea: {  	[tilespmem:s10], [sflag:$0x7] =	stream.linear.gather @!p0 [hbm4b:s2+s12], $0x80, $0x38;
	[tilespmem:$0x1C000] =	vst v63  }
0xeb: {  	s2 =	simm.s32 @!p0 $0x1  }
0xec: {  	_ =	swait.ge @!p0 [sflag:s2], $0x4000  }
0xed: {  	s10 =	simm.s32 @!p0 $0x13C00;
	[sflag:s2] =	ssyncset.done @!p0 $0x0  }
0xee: {  	s12 =	simm.s32 @!p0 $0x80;
	[sflag:s2] =	ssyncadd.s32 @!p0 $0xFFFFC000;
	s2 =	simm.s32 @!p0 $0x1BE00  }
0xef: {  	[spmem:s3] =	stream.indirect.scatter.add.f32 @!p0 [tilespmem:s10], [sflag:$0x3], $0x80, s2, s12, $0xb8;
	[tilespmem:$0x1C000] =	vst v63  }
0xf0: {  	s2 =	simm.s32 @!p0 $0x3  }
0xf1: {  	_ =	swait.ge @!p0 [sflag:s2], $0x4000  }
0xf2: {  	[sflag:s2] =	ssyncset.done @!p0 $0x0  }
0xf3: {  	[sflag:s2] =	ssyncadd.s32 @!p0 $0xFFFFC000;
	s2 =	simm.s32 @!p0 $0x7  }
0xf4: {  	_ =	swait.ge @!p0 [sflag:s2], $0x80  }
0xf5: {  	[sflag:s2] =	ssyncset.done @!p0 $0x0  }
0xf6: {  	[sflag:s2] =	ssyncadd.s32 @!p0 $0xFFFFFF80  }
0xf7: {  	_ =	swait.ge @!p0 [sflag:s2], $0x80  }
0xf8: {  	p1 =	sge.u32 s24, s7;
	[sflag:s2] =	ssyncset.done @!p0 $0x0  }
0xf9: {  	[sflag:s2] =	ssyncadd.s32 @!p0 $0xFFFFFF80;
	s2 =	simm.s32 @p1 $0x2  }
0xfa: {  	[tilespmem:s10], [sflag:$0x1] =	stream.indirect.gather @!p0 [hbm4b:s1+s12], $0x80, s13, s12, $0xb8;
	[tilespmem:$0x1C000] =	vst v63  }
0xfb: {  	s14 =	simm.s32 @p1 $0x1BE80;
	_ =	swait.ge @p1 [sflag:s2], $0x4000  }
0xfc: {  	s10 =	sadd.s32 @!p1 s6, s9;
	s12 =	simm.s32 @p1 $0x17C00;
	[sflag:s2] =	ssyncset.done @p1 $0x0  }
0xfd: {  	s13 =	sadd.s32 @!p1 s5, s9;
	[sflag:s2] =	ssyncadd.s32 @p1 $0xFFFFC000;
	s2 =	simm.s32 @p1 $0x80  }
0xfe: {  	[spmem:s3] =	stream.indirect.scatter.add.f32 @p1 [tilespmem:s12], [sflag:$0x4], $0x80, s14, s2, $0xb8;
	[tilespmem:$0x1C000] =	vst v63  }
0xff: {  	s2 =	sadd.s32 @!p1 $0x30, s13;
	s12 =	simm.s32 @!p1 $0x0;
	s13 =	simm.s32 @!p1 $0x1BD80  }
0x100: {  	[tilespmem:s13], [sflag:$0x8] =	stream.linear.gather @!p1 [hbm4b:s2+s12], $0x80, $0x38;
	[tilespmem:$0x1C000] =	vst v63  }
0x101: {  	s14 =	simm.s32 @!p1 $0x2;
	s2 =	sadd.s32 @!p1 $0x30, s10;
	s10 =	simm.s32 @!p1 $0x1BF80  }
0x102: {  	[tilespmem:s10], [sflag:$0x8] =	stream.linear.gather @!p1 [hbm4b:s2+s12], $0x80, $0x38;
	[tilespmem:$0x1C000] =	vst v63  }
0x103: {  	_ =	swait.ge @!p1 [sflag:s14], $0x4000  }
0x104: {  	s2 =	simm.s32 @!p1 $0x17C00;
	s10 =	simm.s32 @!p1 $0x80;
	[sflag:s14] =	ssyncset.done @!p1 $0x0  }
0x105: {  	s12 =	simm.s32 @!p1 $0x4;
	[sflag:s14] =	ssyncadd.s32 @!p1 $0xFFFFC000;
	s14 =	simm.s32 @!p1 $0x1BE80  }
0x106: {  	[spmem:s3] =	stream.indirect.scatter.add.f32 @!p1 [tilespmem:s2], [sflag:$0x4], $0x80, s14, s10, $0xb8;
	[tilespmem:$0x1C000] =	vst v63  }
0x107: {  	_ =	swait.ge @!p1 [sflag:s12], $0x4000  }
0x108: {  	[sflag:s12] =	ssyncset.done @!p1 $0x0  }
0x109: {  	s14 =	simm.s32 @!p1 $0x8;
	[sflag:s12] =	ssyncadd.s32 @!p1 $0xFFFFC000  }
0x10a: {  	_ =	swait.ge @!p1 [sflag:s14], $0x80  }
0x10b: {  	[sflag:s14] =	ssyncset.done @!p1 $0x0  }
0x10c: {  	[sflag:s14] =	ssyncadd.s32 @!p1 $0xFFFFFF80  }
0x10d: {  	s16 =	sadd.s32 $0x4, s0;
	_ =	swait.ge @!p1 [sflag:s14], $0x80  }
0x10e: {  	p0 =	sge.u32 s16, s7;
	[sflag:s14] =	ssyncset.done @!p1 $0x0  }
0x10f: {  	s12 =	simm.s32 @p0 $0x1;
	[sflag:s14] =	ssyncadd.s32 @!p1 $0xFFFFFF80  }
0x110: {  	[tilespmem:s2], [sflag:$0x2] =	stream.indirect.gather @!p1 [hbm4b:s1+s10], $0x80, s13, s10, $0xb8;
	[tilespmem:$0x1C000] =	vst v63  }
0x111: {  	s2 =	sadd.s32 @!p0 s5, s9;
	_ =	swait.ge @p0 [sflag:s12], $0x4000  }
0x112: {  	s10 =	simm.s32 @p0 $0x13C00;
	s13 =	simm.s32 @p0 $0x1BF00;
	[sflag:s12] =	ssyncset.done @p0 $0x0  }
0x113: {  	s2 =	sadd.s32 @!p0 $0x40, s2;
	[sflag:s12] =	ssyncadd.s32 @p0 $0xFFFFC000;
	s12 =	simm.s32 @p0 $0x80  }
0x114: {  	[spmem:s3] =	stream.indirect.scatter.add.f32 @p0 [tilespmem:s10], [sflag:$0x3], $0x80, s13, s12, $0xb8;
	[tilespmem:$0x1C000] =	vst v63  }
0x115: {  	s10 =	sadd.s32 @!p0 s6, s9;
	s12 =	simm.s32 @!p0 $0x0;
	s13 =	simm.s32 @!p0 $0x1BC00  }
0x116: {  	[tilespmem:s13], [sflag:$0x5] =	stream.linear.gather @!p0 [hbm4b:s2+s12], $0x80, $0x38;
	[tilespmem:$0x1C000] =	vst v63  }
0x117: {  	s2 =	sadd.s32 @!p0 $0x40, s10;
	s10 =	simm.s32 @!p0 $0x1BE00  }
0x118: {  	[tilespmem:s10], [sflag:$0x5] =	stream.linear.gather @!p0 [hbm4b:s2+s12], $0x80, $0x38;
	[tilespmem:$0x1C000] =	vst v63  }
0x119: {  	s2 =	simm.s32 @!p0 $0x1  }
0x11a: {  	_ =	swait.ge @!p0 [sflag:s2], $0x4000  }
0x11b: {  	s10 =	simm.s32 @!p0 $0x13C00;
	[sflag:s2] =	ssyncset.done @!p0 $0x0  }
0x11c: {  	s12 =	simm.s32 @!p0 $0x1BF00;
	[sflag:s2] =	ssyncadd.s32 @!p0 $0xFFFFC000;
	s2 =	simm.s32 @!p0 $0x80  }
0x11d: {  	[spmem:s3] =	stream.indirect.scatter.add.f32 @!p0 [tilespmem:s10], [sflag:$0x3], $0x80, s12, s2, $0xb8;
	[tilespmem:$0x1C000] =	vst v63  }
0x11e: {  	s12 =	simm.s32 @!p0 $0x3  }
0x11f: {  	_ =	swait.ge @!p0 [sflag:s12], $0x4000  }
0x120: {  	[sflag:s12] =	ssyncset.done @!p0 $0x0  }
0x121: {  	[sflag:s12] =	ssyncadd.s32 @!p0 $0xFFFFC000;
	s12 =	simm.s32 @!p0 $0x5  }
0x122: {  	_ =	swait.ge @!p0 [sflag:s12], $0x80  }
0x123: {  	[sflag:s12] =	ssyncset.done @!p0 $0x0  }
0x124: {  	[sflag:s12] =	ssyncadd.s32 @!p0 $0xFFFFFF80  }
0x125: {  	_ =	swait.ge @!p0 [sflag:s12], $0x80  }
0x126: {  	[sflag:s12] =	ssyncset.done @!p0 $0x0  }
0x127: {  	s18 =	sadd.s32 $0x5, s0;
	[sflag:s12] =	ssyncadd.s32 @!p0 $0xFFFFFF80  }
0x128: {  	[tilespmem:s10], [sflag:$0x1] =	stream.indirect.gather @!p0 [hbm4b:s1+s2], $0x80, s13, s2, $0xb8;
	[tilespmem:$0x1C000] =	vst v63  }
0x129: {  	p0 =	sge.u32 s18, s7  }
0x12a: {  	s0 =	sadd.s32 @!p0 s5, s9  }
0x12b: {  	s2 =	simm.s32 @!p0 $0x0;
	s5 =	simm.s32 @!p0 $0x1BC80;
	s0 =	sadd.s32 @!p0 $0x50, s0  }
0x12c: {  	[tilespmem:s5], [sflag:$0x6] =	stream.linear.gather @!p0 [hbm4b:s0+s2], $0x80, $0x38;
	[tilespmem:$0x1C000] =	vst v63  }
0x12d: {  	s0 =	sadd.s32 @!p0 s6, s9  }
0x12e: {  	s5 =	simm.s32 @!p0 $0x1BE80;
	s0 =	sadd.s32 @!p0 $0x50, s0  }
0x12f: {  	[tilespmem:s5], [sflag:$0x6] =	stream.linear.gather @!p0 [hbm4b:s0+s2], $0x80, $0x38;
	[tilespmem:$0x1C000] =	vst v63  }
0x130: {  	_ =	swait.ge [sflag:s28], $0x4000  }
0x131: {  	s19 =	rddreg [dreg:$0x4];
	[sflag:s28] =	ssyncset.done $0x0  }
0x132: {  	s22 =	rddreg [dreg:$0x5];
	[sflag:s28] =	ssyncadd.s32 $0xFFFFC000  }
0x133: {  	[spmem:s3] =	stream.indirect.scatter.add.f32 [tilespmem:s19], [sflag:$0x4], $0x80, s22, s8, $0xb8;
	[tilespmem:$0x1C000] =	vst v63  }
0x134: {  	_ =	swait.ge [sflag:s29], $0x4000  }
0x135: {  	[sflag:s29] =	ssyncset.done $0x0  }
0x136: {  	[sflag:s29] =	ssyncadd.s32 $0xFFFFC000  }
0x137: {  	_ =	swait.ge [sflag:s30], $0x4000  }
0x138: {  	[sflag:s30] =	ssyncset.done $0x0  }
0x139: {  	[sflag:s30] =	ssyncadd.s32 $0xFFFFC000  }
0x13a: {  	[bflag:$0x0] =	sbarrier.arrive $0xFFFF  }
0x13b: {  	s24 =	rddreg [dreg:$0xd]  }
0x13c: {  	[hbm:s24], [sflag:s11] =	dma.local [spmem:s20], $0x2780  }
0x13d: {  	_ =	swait.ge [sflag:s21], $0x2780  }
0x13e: {  	s31 =	sadd.s32 $0x1, s31;
	s25 =	rddreg [dreg:$0xc]  }
0x13f: {  	p0 =	sne.s32 s31, s25  }
.Ltmp3:
0x140: {  	_ = 	snop;
	(pc) =	sbr.rel @p0 .LBB2_1-.Ltmp3, $4  }
.Ltmp4:
0x141: {  	_ = 	snop;
	(pc) =	sbr.rel @!p0 .LBB2_7-.Ltmp4, $4  }
0x142: {  	_ = 	snop  }
0x143: {  	[sflag:s21] =	ssyncset.done $0x0  }
0x144: {  	[sflag:s21] =	ssyncadd.s32 $0xFFFFD880  }
0x145: {  	_ = 	snop  }
.LBB2_2:
.Ltmp5:
0x146: {  	(pc) =	sbr.rel .LBB2_6-.Ltmp5, $2  }
0x147: {  	_ =	sdelay $0x2  }
0x148: {  	s0 =	simm.s32 $0x0;
	s6 =	smov.u32 s26;
	s5 =	smov.u32 s23  }
.LBB2_4:
.Ltmp6:
0x149: {  	(pc) =	sbr.rel .LBB2_6-.Ltmp6, $2  }
0x14a: {  	_ =	sdelay $0x2  }
0x14b: {  	s2 =	smov.u32 s26  }
.LBB2_7:
0x14c: {  	_ =	sfence.sel $0x180000  }
0x14d: {  	[bflag:$0x0] =	sbarrier.arrive $0xFFFF  }
0x14e: {  	_ =	strace $0x9000004A  }
0x14f: {  	s0 =	stileid.u32;
	[bflag:$0x2] =	sbarrier.arrive $0xFFFF  }
0x150: {  	p0 =	sne.s32 s0, $0x0;
	s0 =	rddreg [dreg:$0x3]  }
0x151: {  	s0 =	sadd.s32 @!p0 $0x100000, s0  }
0x152: {  	[sflag:s0] =	ssyncadd.tile.s32 @!p0 $0x1;
	_ =	shalt  }
.Lfunc_end2:
_tile_overlayer_lowered:
.L_overlay_start_2:
0x153: {  	(tag) =	ssettag $0x2  }
0x154: {  	s0 =	rddreg [dreg:$0x0];
	s2 =	stileid.u32  }
0x155: {  	s1 =	rddreg [dreg:$0x1];
	p0 =	sne.s32 s2, $0x0  }
0x156: {  	s3 =	rddreg [dreg:$0x2];
	[bflag:$0x3] =	sbarrier.arrive $0xFFFF;
	s2 =	simm.s32 @!p0 $0x1C09  }
0x157: {  	[timem:s3], [sflag:s2] =	dma.local @!p0 [hbm:s0], s1  }
0x158: {  	s0 =	simm.s32 @!p0 $0x9  }
0x159: {  	_ =	swait.ge @!p0 [sflag:s0], s1  }
0x15a: {  	s1 =	ssub.s32 @!p0 $0x0, s1;
	[sflag:s0] =	ssyncset.done @!p0 $0x0  }
0x15b: {  	[sflag:s0] =	ssyncadd.s32 @!p0 s1  }
0x15c: {  	[bflag:$0x3] =	sbarrier.arrive $0xFFFF  }
0x15d: {  	_ =	shalt  }

</sc_bundles>
